<compile_context>
chip_gen: v7x
topology: tpu7x:2x2x1
jax: 0.10.2.dev20260603
libtpu: 0.0.44.dev20260713+nightly
codegen_flags: <defaults>
</compile_context>

<pallas_src>
import functools

import jax
import jax.numpy as jnp
from jax import lax
from jax.experimental import pallas as pl
from jax.experimental.pallas import tpu as pltpu
from jax.experimental.pallas import tpu_sc as plsc

_TARGET_LEN = 2048


def _gather_rows_sc(table, seq_len, num_rows, dim, rows_per_w, nbuf):
    info = plsc.get_sparse_core_info()
    nc, ns = info.num_cores, info.num_subcores
    chunk = info.num_lanes
    n_ch = rows_per_w // chunk

    mesh = plsc.VectorSubcoreMesh(core_axis_name="c", subcore_axis_name="s")

    @functools.partial(
        pl.kernel,
        out_type=jax.ShapeDtypeStruct((num_rows, dim), jnp.float32),
        mesh=mesh,
        scratch_types=[
            pltpu.VMEM((nbuf, chunk, dim), jnp.float32),
            pltpu.SemaphoreType.DMA((nbuf,)),
            pltpu.SemaphoreType.DMA((nbuf,)),
        ],
    )
    def body(table_hbm, out_hbm, buf_v, in_sems, out_sems):
        wid = lax.axis_index("c") * ns + lax.axis_index("s")
        base = wid * rows_per_w

        in_d = [None] * nbuf
        out_d = [None] * nbuf

        def flat_idx_vec(g):
            j = base + g * chunk + lax.iota(jnp.int32, chunk)
            t_log2 = _TARGET_LEN.bit_length() - 1
            q = (seq_len - 1) // (_TARGET_LEN - 1)
            r = (seq_len - 1) - q * (_TARGET_LEN - 1)
            jj = j & (_TARGET_LEN - 1)
            flat = (j >> t_log2) * seq_len + jj * q + r
            for k in range(1, r + 1):
                t_k = -((-k * (_TARGET_LEN - 1)) // r)
                flat = flat - lax.shift_right_logical(jj - t_k, 31)
            return flat

        def issue_gather(g):
            slot = g % nbuf
            in_d[slot] = pltpu.async_copy(
                table_hbm.at[flat_idx_vec(g)], buf_v.at[slot], in_sems.at[slot]
            )

        for g in range(min(nbuf - 1, n_ch)):
            issue_gather(g)
        for g in range(n_ch):
            slot = g % nbuf
            in_d[slot].wait()
            out_d[slot] = pltpu.async_copy(
                buf_v.at[slot],
                out_hbm.at[pl.ds(base + g * chunk, chunk)],
                out_sems.at[slot],
            )
            nxt = g + nbuf - 1
            if nxt < n_ch:
                nslot = nxt % nbuf
                if out_d[nslot] is not None:
                    out_d[nslot].wait()
                issue_gather(nxt)
        for k in range(max(0, n_ch - nbuf), n_ch):
            out_d[k % nbuf].wait()

    return body(table)


def kernel(output_tokens):
    batch, seq_len, dim = output_tokens.shape
    table = output_tokens.reshape(batch * seq_len, dim)

    num_rows = batch * _TARGET_LEN
    rows_per_w = num_rows // 32
    nbuf = 6

    out = _gather_rows_sc(table, seq_len, num_rows, dim, rows_per_w, nbuf)
    return out.reshape(batch, _TARGET_LEN, dim)

# --- scband reference (transcript-rebuilt; emitter-appended) ---
"""Pipeline reference for scband-token-selector-6957847019976 (READ-ONLY COPY).

The authoritative reference and input builder live on the scoring server;
editing this copy changes nothing except your own understanding.
"""

import jax, jax.numpy as jnp
import numpy as np

TARGET_LEN = 2048

def setup_inputs(seed: int = 0) -> dict:
    key = jax.random.key(seed)
    output_tokens = jax.random.normal(key, (4, 8192, 1024), dtype=jnp.float32)
    return {"output_tokens": output_tokens}

def reference(output_tokens):
    batch_size, seq_len, dim = output_tokens.shape
    # torch.linspace(0, seq_len-1, steps=target_len).long() -> truncation toward zero
    indices = jnp.linspace(0.0, seq_len - 1, num=TARGET_LEN).astype(jnp.int32)
    # gather along axis 1; indices broadcast over batch and dim
    selected_tokens = jnp.take(output_tokens, indices, axis=1)
    return selected_tokens

if __name__ == "__main__":
    import jax
    _d = setup_inputs()
    print(jax.jit(kernel)(*tuple(_d.values())))

</pallas_src>

<mosaic_0001>
#map = affine_map<(d0, d1) -> (0, 0)>
module attributes {stable_mosaic.version = 14 : i64} {
  func.func @body(%arg0: i32, %arg1: i32, %arg2: memref<32768x1024xf32, #tpu.memory_space<hbm>>, %arg3: memref<8192x1024xf32, #tpu.memory_space<hbm>>, %arg4: memref<6x16x1024xf32, #tpu.memory_space<vmem>>, %arg5: memref<6x!tpu.dma_semaphore, #tpu.memory_space<semaphore_mem>>, %arg6: memref<6x!tpu.dma_semaphore, #tpu.memory_space<semaphore_mem>>) attributes {dimension_semantics = [#tpu.dimension_semantics<core_parallel>, #tpu.dimension_semantics<subcore_parallel>], iteration_bounds = array<i64: 2, 16>, scalar_prefetch = 0 : i64, scratch_operands = 3 : i64, tpu.core_type = #tpu.core_type<sc_vector_subcore>, window_params = [{transform_indices = #map}, {transform_indices = #map}]} {
    %mul3A = arith.constant 16 : i32
    %mul3A_0 = arith.muli %arg0, %mul3A : i32
    %add3A = arith.addi %mul3A_0, %arg1 : i32
    %mul3A_1 = arith.constant 256 : i32
    %mul3A_2 = arith.muli %add3A, %mul3A_1 : i32
    %add3A_3 = arith.constant 0 : i32
    %add3A_4 = arith.addi %mul3A_2, %add3A_3 : i32
    %iota3A = tpu.iota {dimensions = array<i32: 0>} : vector<16xi32>
    %add3A_5 = vector.broadcast %add3A_4 : i32 to vector<16xi32>
    %add3A_6 = arith.addi %add3A_5, %iota3A : vector<16xi32>
    %and3A = arith.constant 2047 : i32
    %and3A_7 = vector.broadcast %and3A : i32 to vector<16xi32>
    %and3A_8 = arith.andi %add3A_6, %and3A_7 : vector<16xi32>
    %shift_right_arithmetic3A = arith.constant 11 : i32
    %shift_right_arithmetic3A_9 = vector.broadcast %shift_right_arithmetic3A : i32 to vector<16xi32>
    %shift_right_arithmetic3A_10 = arith.shrsi %add3A_6, %shift_right_arithmetic3A_9 : vector<16xi32>
    %mul3A_11 = arith.constant 8192 : i32
    %mul3A_12 = vector.broadcast %mul3A_11 : i32 to vector<16xi32>
    %mul3A_13 = arith.muli %shift_right_arithmetic3A_10, %mul3A_12 : vector<16xi32>
    %mul3A_14 = arith.constant 4 : i32
    %mul3A_15 = vector.broadcast %mul3A_14 : i32 to vector<16xi32>
    %mul3A_16 = arith.muli %and3A_8, %mul3A_15 : vector<16xi32>
    %add3A_17 = arith.addi %mul3A_13, %mul3A_16 : vector<16xi32>
    %add3A_18 = arith.constant 3 : i32
    %add3A_19 = vector.broadcast %add3A_18 : i32 to vector<16xi32>
    %add3A_20 = arith.addi %add3A_17, %add3A_19 : vector<16xi32>
    %sub3A = arith.constant 683 : i32
    %sub3A_21 = vector.broadcast %sub3A : i32 to vector<16xi32>
    %sub3A_22 = arith.subi %and3A_8, %sub3A_21 : vector<16xi32>
    %shift_right_logical3A = arith.constant 31 : i32
    %shift_right_logical3A_23 = vector.broadcast %shift_right_logical3A : i32 to vector<16xi32>
    %shift_right_logical3A_24 = arith.shrui %sub3A_22, %shift_right_logical3A_23 : vector<16xi32>
    %sub3A_25 = arith.subi %add3A_20, %shift_right_logical3A_24 : vector<16xi32>
    %sub3A_26 = arith.constant 1365 : i32
    %sub3A_27 = vector.broadcast %sub3A_26 : i32 to vector<16xi32>
    %sub3A_28 = arith.subi %and3A_8, %sub3A_27 : vector<16xi32>
    %shift_right_logical3A_29 = arith.constant 31 : i32
    %shift_right_logical3A_30 = vector.broadcast %shift_right_logical3A_29 : i32 to vector<16xi32>
    %shift_right_logical3A_31 = arith.shrui %sub3A_28, %shift_right_logical3A_30 : vector<16xi32>
    %sub3A_32 = arith.subi %sub3A_25, %shift_right_logical3A_31 : vector<16xi32>
    %sub3A_33 = arith.constant 2047 : i32
    %sub3A_34 = vector.broadcast %sub3A_33 : i32 to vector<16xi32>
    %sub3A_35 = arith.subi %and3A_8, %sub3A_34 : vector<16xi32>
    %shift_right_logical3A_36 = arith.constant 31 : i32
    %shift_right_logical3A_37 = vector.broadcast %shift_right_logical3A_36 : i32 to vector<16xi32>
    %shift_right_logical3A_38 = arith.shrui %sub3A_35, %shift_right_logical3A_37 : vector<16xi32>
    %sub3A_39 = arith.subi %sub3A_32, %shift_right_logical3A_38 : vector<16xi32>
    %dma_start3A = arith.constant 0 : i32
    %dma_start3A_40 = arith.constant 0 : i32
    %dma_start3A_41 = arith.constant 0 : i32
    %dma_start3A_42 = arith.constant 0 : i32
    %dma_start3A_43 = tpu.memref_slice %arg4[%dma_start3A, %dma_start3A_41, %dma_start3A_42] : memref<6x16x1024xf32, #tpu.memory_space<vmem>> -> memref<1x16x1024xf32, #tpu.memory_space<vmem>>
    %dma_start3A_44 = tpu.memref_squeeze %dma_start3A_43 : memref<1x16x1024xf32, #tpu.memory_space<vmem>> -> memref<16x1024xf32, #tpu.memory_space<vmem>>
    %dma_start3A_45 = arith.constant 0 : i32
    %dma_start3A_46 = arith.constant 0 : i32
    %dma_start3A_47 = tpu.memref_slice %arg2[%dma_start3A_45, %dma_start3A_46] : memref<32768x1024xf32, #tpu.memory_space<hbm>> -> memref<32768x1024xf32, #tpu.memory_space<hbm>>
    %dma_start3A_48 = tpu.memref_slice %arg5[%dma_start3A_40] : memref<6x!tpu.dma_semaphore, #tpu.memory_space<semaphore_mem>> -> memref<1x!tpu.dma_semaphore, #tpu.memory_space<semaphore_mem>>
    %dma_start3A_49 = tpu.memref_squeeze %dma_start3A_48 : memref<1x!tpu.dma_semaphore, #tpu.memory_space<semaphore_mem>> -> memref<!tpu.dma_semaphore, #tpu.memory_space<semaphore_mem>>
    tpu.enqueue_indirect_dma source(%dma_start3A_47 : memref<32768x1024xf32, #tpu.memory_space<hbm>>) target(%dma_start3A_44 : memref<16x1024xf32, #tpu.memory_space<vmem>>) offsets(%sub3A_39 : vector<16xi32>) semaphore(%dma_start3A_49 : memref<!tpu.dma_semaphore, #tpu.memory_space<semaphore_mem>>)
    %add3A_50 = arith.constant 16 : i32
    %add3A_51 = arith.addi %mul3A_2, %add3A_50 : i32
    %iota3A_52 = tpu.iota {dimensions = array<i32: 0>} : vector<16xi32>
    %add3A_53 = vector.broadcast %add3A_51 : i32 to vector<16xi32>
    %add3A_54 = arith.addi %add3A_53, %iota3A_52 : vector<16xi32>
    %and3A_55 = arith.constant 2047 : i32
    %and3A_56 = vector.broadcast %and3A_55 : i32 to vector<16xi32>
    %and3A_57 = arith.andi %add3A_54, %and3A_56 : vector<16xi32>
    %shift_right_arithmetic3A_58 = arith.constant 11 : i32
    %shift_right_arithmetic3A_59 = vector.broadcast %shift_right_arithmetic3A_58 : i32 to vector<16xi32>
    %shift_right_arithmetic3A_60 = arith.shrsi %add3A_54, %shift_right_arithmetic3A_59 : vector<16xi32>
    %mul3A_61 = arith.constant 8192 : i32
    %mul3A_62 = vector.broadcast %mul3A_61 : i32 to vector<16xi32>
    %mul3A_63 = arith.muli %shift_right_arithmetic3A_60, %mul3A_62 : vector<16xi32>
    %mul3A_64 = arith.constant 4 : i32
    %mul3A_65 = vector.broadcast %mul3A_64 : i32 to vector<16xi32>
    %mul3A_66 = arith.muli %and3A_57, %mul3A_65 : vector<16xi32>
    %add3A_67 = arith.addi %mul3A_63, %mul3A_66 : vector<16xi32>
    %add3A_68 = arith.constant 3 : i32
    %add3A_69 = vector.broadcast %add3A_68 : i32 to vector<16xi32>
    %add3A_70 = arith.addi %add3A_67, %add3A_69 : vector<16xi32>
    %sub3A_71 = arith.constant 683 : i32
    %sub3A_72 = vector.broadcast %sub3A_71 : i32 to vector<16xi32>
    %sub3A_73 = arith.subi %and3A_57, %sub3A_72 : vector<16xi32>
    %shift_right_logical3A_74 = arith.constant 31 : i32
    %shift_right_logical3A_75 = vector.broadcast %shift_right_logical3A_74 : i32 to vector<16xi32>
    %shift_right_logical3A_76 = arith.shrui %sub3A_73, %shift_right_logical3A_75 : vector<16xi32>
    %sub3A_77 = arith.subi %add3A_70, %shift_right_logical3A_76 : vector<16xi32>
    %sub3A_78 = arith.constant 1365 : i32
    %sub3A_79 = vector.broadcast %sub3A_78 : i32 to vector<16xi32>
    %sub3A_80 = arith.subi %and3A_57, %sub3A_79 : vector<16xi32>
    %shift_right_logical3A_81 = arith.constant 31 : i32
    %shift_right_logical3A_82 = vector.broadcast %shift_right_logical3A_81 : i32 to vector<16xi32>
    %shift_right_logical3A_83 = arith.shrui %sub3A_80, %shift_right_logical3A_82 : vector<16xi32>
    %sub3A_84 = arith.subi %sub3A_77, %shift_right_logical3A_83 : vector<16xi32>
    %sub3A_85 = arith.constant 2047 : i32
    %sub3A_86 = vector.broadcast %sub3A_85 : i32 to vector<16xi32>
    %sub3A_87 = arith.subi %and3A_57, %sub3A_86 : vector<16xi32>
    %shift_right_logical3A_88 = arith.constant 31 : i32
    %shift_right_logical3A_89 = vector.broadcast %shift_right_logical3A_88 : i32 to vector<16xi32>
    %shift_right_logical3A_90 = arith.shrui %sub3A_87, %shift_right_logical3A_89 : vector<16xi32>
    %sub3A_91 = arith.subi %sub3A_84, %shift_right_logical3A_90 : vector<16xi32>
    %dma_start3A_92 = arith.constant 1 : i32
    %dma_start3A_93 = arith.constant 1 : i32
    %dma_start3A_94 = arith.constant 0 : i32
    %dma_start3A_95 = arith.constant 0 : i32
    %dma_start3A_96 = tpu.memref_slice %arg4[%dma_start3A_92, %dma_start3A_94, %dma_start3A_95] : memref<6x16x1024xf32, #tpu.memory_space<vmem>> -> memref<1x16x1024xf32, #tpu.memory_space<vmem>>
    %dma_start3A_97 = tpu.memref_squeeze %dma_start3A_96 : memref<1x16x1024xf32, #tpu.memory_space<vmem>> -> memref<16x1024xf32, #tpu.memory_space<vmem>>
    %dma_start3A_98 = arith.constant 0 : i32
    %dma_start3A_99 = arith.constant 0 : i32
    %dma_start3A_100 = tpu.memref_slice %arg2[%dma_start3A_98, %dma_start3A_99] : memref<32768x1024xf32, #tpu.memory_space<hbm>> -> memref<32768x1024xf32, #tpu.memory_space<hbm>>
    %dma_start3A_101 = tpu.memref_slice %arg5[%dma_start3A_93] : memref<6x!tpu.dma_semaphore, #tpu.memory_space<semaphore_mem>> -> memref<1x!tpu.dma_semaphore, #tpu.memory_space<semaphore_mem>>
    %dma_start3A_102 = tpu.memref_squeeze %dma_start3A_101 : memref<1x!tpu.dma_semaphore, #tpu.memory_space<semaphore_mem>> -> memref<!tpu.dma_semaphore, #tpu.memory_space<semaphore_mem>>
    tpu.enqueue_indirect_dma source(%dma_start3A_100 : memref<32768x1024xf32, #tpu.memory_space<hbm>>) target(%dma_start3A_97 : memref<16x1024xf32, #tpu.memory_space<vmem>>) offsets(%sub3A_91 : vector<16xi32>) semaphore(%dma_start3A_102 : memref<!tpu.dma_semaphore, #tpu.memory_space<semaphore_mem>>)
    %add3A_103 = arith.constant 32 : i32
    %add3A_104 = arith.addi %mul3A_2, %add3A_103 : i32
    %iota3A_105 = tpu.iota {dimensions = array<i32: 0>} : vector<16xi32>
    %add3A_106 = vector.broadcast %add3A_104 : i32 to vector<16xi32>
    %add3A_107 = arith.addi %add3A_106, %iota3A_105 : vector<16xi32>
    %and3A_108 = arith.constant 2047 : i32
    %and3A_109 = vector.broadcast %and3A_108 : i32 to vector<16xi32>
    %and3A_110 = arith.andi %add3A_107, %and3A_109 : vector<16xi32>
    %shift_right_arithmetic3A_111 = arith.constant 11 : i32
    %shift_right_arithmetic3A_112 = vector.broadcast %shift_right_arithmetic3A_111 : i32 to vector<16xi32>
    %shift_right_arithmetic3A_113 = arith.shrsi %add3A_107, %shift_right_arithmetic3A_112 : vector<16xi32>
    %mul3A_114 = arith.constant 8192 : i32
    %mul3A_115 = vector.broadcast %mul3A_114 : i32 to vector<16xi32>
    %mul3A_116 = arith.muli %shift_right_arithmetic3A_113, %mul3A_115 : vector<16xi32>
    %mul3A_117 = arith.constant 4 : i32
    %mul3A_118 = vector.broadcast %mul3A_117 : i32 to vector<16xi32>
    %mul3A_119 = arith.muli %and3A_110, %mul3A_118 : vector<16xi32>
    %add3A_120 = arith.addi %mul3A_116, %mul3A_119 : vector<16xi32>
    %add3A_121 = arith.constant 3 : i32
    %add3A_122 = vector.broadcast %add3A_121 : i32 to vector<16xi32>
    %add3A_123 = arith.addi %add3A_120, %add3A_122 : vector<16xi32>
    %sub3A_124 = arith.constant 683 : i32
    %sub3A_125 = vector.broadcast %sub3A_124 : i32 to vector<16xi32>
    %sub3A_126 = arith.subi %and3A_110, %sub3A_125 : vector<16xi32>
    %shift_right_logical3A_127 = arith.constant 31 : i32
    %shift_right_logical3A_128 = vector.broadcast %shift_right_logical3A_127 : i32 to vector<16xi32>
    %shift_right_logical3A_129 = arith.shrui %sub3A_126, %shift_right_logical3A_128 : vector<16xi32>
    %sub3A_130 = arith.subi %add3A_123, %shift_right_logical3A_129 : vector<16xi32>
    %sub3A_131 = arith.constant 1365 : i32
    %sub3A_132 = vector.broadcast %sub3A_131 : i32 to vector<16xi32>
    %sub3A_133 = arith.subi %and3A_110, %sub3A_132 : vector<16xi32>
    %shift_right_logical3A_134 = arith.constant 31 : i32
    %shift_right_logical3A_135 = vector.broadcast %shift_right_logical3A_134 : i32 to vector<16xi32>
    %shift_right_logical3A_136 = arith.shrui %sub3A_133, %shift_right_logical3A_135 : vector<16xi32>
    %sub3A_137 = arith.subi %sub3A_130, %shift_right_logical3A_136 : vector<16xi32>
    %sub3A_138 = arith.constant 2047 : i32
    %sub3A_139 = vector.broadcast %sub3A_138 : i32 to vector<16xi32>
    %sub3A_140 = arith.subi %and3A_110, %sub3A_139 : vector<16xi32>
    %shift_right_logical3A_141 = arith.constant 31 : i32
    %shift_right_logical3A_142 = vector.broadcast %shift_right_logical3A_141 : i32 to vector<16xi32>
    %shift_right_logical3A_143 = arith.shrui %sub3A_140, %shift_right_logical3A_142 : vector<16xi32>
    %sub3A_144 = arith.subi %sub3A_137, %shift_right_logical3A_143 : vector<16xi32>
    %dma_start3A_145 = arith.constant 2 : i32
    %dma_start3A_146 = arith.constant 2 : i32
    %dma_start3A_147 = arith.constant 0 : i32
    %dma_start3A_148 = arith.constant 0 : i32
    %dma_start3A_149 = tpu.memref_slice %arg4[%dma_start3A_145, %dma_start3A_147, %dma_start3A_148] : memref<6x16x1024xf32, #tpu.memory_space<vmem>> -> memref<1x16x1024xf32, #tpu.memory_space<vmem>>
    %dma_start3A_150 = tpu.memref_squeeze %dma_start3A_149 : memref<1x16x1024xf32, #tpu.memory_space<vmem>> -> memref<16x1024xf32, #tpu.memory_space<vmem>>
    %dma_start3A_151 = arith.constant 0 : i32
    %dma_start3A_152 = arith.constant 0 : i32
    %dma_start3A_153 = tpu.memref_slice %arg2[%dma_start3A_151, %dma_start3A_152] : memref<32768x1024xf32, #tpu.memory_space<hbm>> -> memref<32768x1024xf32, #tpu.memory_space<hbm>>
    %dma_start3A_154 = tpu.memref_slice %arg5[%dma_start3A_146] : memref<6x!tpu.dma_semaphore, #tpu.memory_space<semaphore_mem>> -> memref<1x!tpu.dma_semaphore, #tpu.memory_space<semaphore_mem>>
    %dma_start3A_155 = tpu.memref_squeeze %dma_start3A_154 : memref<1x!tpu.dma_semaphore, #tpu.memory_space<semaphore_mem>> -> memref<!tpu.dma_semaphore, #tpu.memory_space<semaphore_mem>>
    tpu.enqueue_indirect_dma source(%dma_start3A_153 : memref<32768x1024xf32, #tpu.memory_space<hbm>>) target(%dma_start3A_150 : memref<16x1024xf32, #tpu.memory_space<vmem>>) offsets(%sub3A_144 : vector<16xi32>) semaphore(%dma_start3A_155 : memref<!tpu.dma_semaphore, #tpu.memory_space<semaphore_mem>>)
    %add3A_156 = arith.constant 48 : i32
    %add3A_157 = arith.addi %mul3A_2, %add3A_156 : i32
    %iota3A_158 = tpu.iota {dimensions = array<i32: 0>} : vector<16xi32>
    %add3A_159 = vector.broadcast %add3A_157 : i32 to vector<16xi32>
    %add3A_160 = arith.addi %add3A_159, %iota3A_158 : vector<16xi32>
    %and3A_161 = arith.constant 2047 : i32
    %and3A_162 = vector.broadcast %and3A_161 : i32 to vector<16xi32>
    %and3A_163 = arith.andi %add3A_160, %and3A_162 : vector<16xi32>
    %shift_right_arithmetic3A_164 = arith.constant 11 : i32
    %shift_right_arithmetic3A_165 = vector.broadcast %shift_right_arithmetic3A_164 : i32 to vector<16xi32>
    %shift_right_arithmetic3A_166 = arith.shrsi %add3A_160, %shift_right_arithmetic3A_165 : vector<16xi32>
    %mul3A_167 = arith.constant 8192 : i32
    %mul3A_168 = vector.broadcast %mul3A_167 : i32 to vector<16xi32>
    %mul3A_169 = arith.muli %shift_right_arithmetic3A_166, %mul3A_168 : vector<16xi32>
    %mul3A_170 = arith.constant 4 : i32
    %mul3A_171 = vector.broadcast %mul3A_170 : i32 to vector<16xi32>
    %mul3A_172 = arith.muli %and3A_163, %mul3A_171 : vector<16xi32>
    %add3A_173 = arith.addi %mul3A_169, %mul3A_172 : vector<16xi32>
    %add3A_174 = arith.constant 3 : i32
    %add3A_175 = vector.broadcast %add3A_174 : i32 to vector<16xi32>
    %add3A_176 = arith.addi %add3A_173, %add3A_175 : vector<16xi32>
    %sub3A_177 = arith.constant 683 : i32
    %sub3A_178 = vector.broadcast %sub3A_177 : i32 to vector<16xi32>
    %sub3A_179 = arith.subi %and3A_163, %sub3A_178 : vector<16xi32>
    %shift_right_logical3A_180 = arith.constant 31 : i32
    %shift_right_logical3A_181 = vector.broadcast %shift_right_logical3A_180 : i32 to vector<16xi32>
    %shift_right_logical3A_182 = arith.shrui %sub3A_179, %shift_right_logical3A_181 : vector<16xi32>
    %sub3A_183 = arith.subi %add3A_176, %shift_right_logical3A_182 : vector<16xi32>
    %sub3A_184 = arith.constant 1365 : i32
    %sub3A_185 = vector.broadcast %sub3A_184 : i32 to vector<16xi32>
    %sub3A_186 = arith.subi %and3A_163, %sub3A_185 : vector<16xi32>
    %shift_right_logical3A_187 = arith.constant 31 : i32
    %shift_right_logical3A_188 = vector.broadcast %shift_right_logical3A_187 : i32 to vector<16xi32>
    %shift_right_logical3A_189 = arith.shrui %sub3A_186, %shift_right_logical3A_188 : vector<16xi32>
    %sub3A_190 = arith.subi %sub3A_183, %shift_right_logical3A_189 : vector<16xi32>
    %sub3A_191 = arith.constant 2047 : i32
    %sub3A_192 = vector.broadcast %sub3A_191 : i32 to vector<16xi32>
    %sub3A_193 = arith.subi %and3A_163, %sub3A_192 : vector<16xi32>
    %shift_right_logical3A_194 = arith.constant 31 : i32
    %shift_right_logical3A_195 = vector.broadcast %shift_right_logical3A_194 : i32 to vector<16xi32>
    %shift_right_logical3A_196 = arith.shrui %sub3A_193, %shift_right_logical3A_195 : vector<16xi32>
    %sub3A_197 = arith.subi %sub3A_190, %shift_right_logical3A_196 : vector<16xi32>
    %dma_start3A_198 = arith.constant 3 : i32
    %dma_start3A_199 = arith.constant 3 : i32
    %dma_start3A_200 = arith.constant 0 : i32
    %dma_start3A_201 = arith.constant 0 : i32
    %dma_start3A_202 = tpu.memref_slice %arg4[%dma_start3A_198, %dma_start3A_200, %dma_start3A_201] : memref<6x16x1024xf32, #tpu.memory_space<vmem>> -> memref<1x16x1024xf32, #tpu.memory_space<vmem>>
    %dma_start3A_203 = tpu.memref_squeeze %dma_start3A_202 : memref<1x16x1024xf32, #tpu.memory_space<vmem>> -> memref<16x1024xf32, #tpu.memory_space<vmem>>
    %dma_start3A_204 = arith.constant 0 : i32
    %dma_start3A_205 = arith.constant 0 : i32
    %dma_start3A_206 = tpu.memref_slice %arg2[%dma_start3A_204, %dma_start3A_205] : memref<32768x1024xf32, #tpu.memory_space<hbm>> -> memref<32768x1024xf32, #tpu.memory_space<hbm>>
    %dma_start3A_207 = tpu.memref_slice %arg5[%dma_start3A_199] : memref<6x!tpu.dma_semaphore, #tpu.memory_space<semaphore_mem>> -> memref<1x!tpu.dma_semaphore, #tpu.memory_space<semaphore_mem>>
    %dma_start3A_208 = tpu.memref_squeeze %dma_start3A_207 : memref<1x!tpu.dma_semaphore, #tpu.memory_space<semaphore_mem>> -> memref<!tpu.dma_semaphore, #tpu.memory_space<semaphore_mem>>
    tpu.enqueue_indirect_dma source(%dma_start3A_206 : memref<32768x1024xf32, #tpu.memory_space<hbm>>) target(%dma_start3A_203 : memref<16x1024xf32, #tpu.memory_space<vmem>>) offsets(%sub3A_197 : vector<16xi32>) semaphore(%dma_start3A_208 : memref<!tpu.dma_semaphore, #tpu.memory_space<semaphore_mem>>)
    %add3A_209 = arith.constant 64 : i32
    %add3A_210 = arith.addi %mul3A_2, %add3A_209 : i32
    %iota3A_211 = tpu.iota {dimensions = array<i32: 0>} : vector<16xi32>
    %add3A_212 = vector.broadcast %add3A_210 : i32 to vector<16xi32>
    %add3A_213 = arith.addi %add3A_212, %iota3A_211 : vector<16xi32>
    %and3A_214 = arith.constant 2047 : i32
    %and3A_215 = vector.broadcast %and3A_214 : i32 to vector<16xi32>
    %and3A_216 = arith.andi %add3A_213, %and3A_215 : vector<16xi32>
    %shift_right_arithmetic3A_217 = arith.constant 11 : i32
    %shift_right_arithmetic3A_218 = vector.broadcast %shift_right_arithmetic3A_217 : i32 to vector<16xi32>
    %shift_right_arithmetic3A_219 = arith.shrsi %add3A_213, %shift_right_arithmetic3A_218 : vector<16xi32>
    %mul3A_220 = arith.constant 8192 : i32
    %mul3A_221 = vector.broadcast %mul3A_220 : i32 to vector<16xi32>
    %mul3A_222 = arith.muli %shift_right_arithmetic3A_219, %mul3A_221 : vector<16xi32>
    %mul3A_223 = arith.constant 4 : i32
    %mul3A_224 = vector.broadcast %mul3A_223 : i32 to vector<16xi32>
    %mul3A_225 = arith.muli %and3A_216, %mul3A_224 : vector<16xi32>
    %add3A_226 = arith.addi %mul3A_222, %mul3A_225 : vector<16xi32>
    %add3A_227 = arith.constant 3 : i32
    %add3A_228 = vector.broadcast %add3A_227 : i32 to vector<16xi32>
    %add3A_229 = arith.addi %add3A_226, %add3A_228 : vector<16xi32>
    %sub3A_230 = arith.constant 683 : i32
    %sub3A_231 = vector.broadcast %sub3A_230 : i32 to vector<16xi32>
    %sub3A_232 = arith.subi %and3A_216, %sub3A_231 : vector<16xi32>
    %shift_right_logical3A_233 = arith.constant 31 : i32
    %shift_right_logical3A_234 = vector.broadcast %shift_right_logical3A_233 : i32 to vector<16xi32>
    %shift_right_logical3A_235 = arith.shrui %sub3A_232, %shift_right_logical3A_234 : vector<16xi32>
    %sub3A_236 = arith.subi %add3A_229, %shift_right_logical3A_235 : vector<16xi32>
    %sub3A_237 = arith.constant 1365 : i32
    %sub3A_238 = vector.broadcast %sub3A_237 : i32 to vector<16xi32>
    %sub3A_239 = arith.subi %and3A_216, %sub3A_238 : vector<16xi32>
    %shift_right_logical3A_240 = arith.constant 31 : i32
    %shift_right_logical3A_241 = vector.broadcast %shift_right_logical3A_240 : i32 to vector<16xi32>
    %shift_right_logical3A_242 = arith.shrui %sub3A_239, %shift_right_logical3A_241 : vector<16xi32>
    %sub3A_243 = arith.subi %sub3A_236, %shift_right_logical3A_242 : vector<16xi32>
    %sub3A_244 = arith.constant 2047 : i32
    %sub3A_245 = vector.broadcast %sub3A_244 : i32 to vector<16xi32>
    %sub3A_246 = arith.subi %and3A_216, %sub3A_245 : vector<16xi32>
    %shift_right_logical3A_247 = arith.constant 31 : i32
    %shift_right_logical3A_248 = vector.broadcast %shift_right_logical3A_247 : i32 to vector<16xi32>
    %shift_right_logical3A_249 = arith.shrui %sub3A_246, %shift_right_logical3A_248 : vector<16xi32>
    %sub3A_250 = arith.subi %sub3A_243, %shift_right_logical3A_249 : vector<16xi32>
    %dma_start3A_251 = arith.constant 4 : i32
    %dma_start3A_252 = arith.constant 4 : i32
    %dma_start3A_253 = arith.constant 0 : i32
    %dma_start3A_254 = arith.constant 0 : i32
    %dma_start3A_255 = tpu.memref_slice %arg4[%dma_start3A_251, %dma_start3A_253, %dma_start3A_254] : memref<6x16x1024xf32, #tpu.memory_space<vmem>> -> memref<1x16x1024xf32, #tpu.memory_space<vmem>>
    %dma_start3A_256 = tpu.memref_squeeze %dma_start3A_255 : memref<1x16x1024xf32, #tpu.memory_space<vmem>> -> memref<16x1024xf32, #tpu.memory_space<vmem>>
    %dma_start3A_257 = arith.constant 0 : i32
    %dma_start3A_258 = arith.constant 0 : i32
    %dma_start3A_259 = tpu.memref_slice %arg2[%dma_start3A_257, %dma_start3A_258] : memref<32768x1024xf32, #tpu.memory_space<hbm>> -> memref<32768x1024xf32, #tpu.memory_space<hbm>>
    %dma_start3A_260 = tpu.memref_slice %arg5[%dma_start3A_252] : memref<6x!tpu.dma_semaphore, #tpu.memory_space<semaphore_mem>> -> memref<1x!tpu.dma_semaphore, #tpu.memory_space<semaphore_mem>>
    %dma_start3A_261 = tpu.memref_squeeze %dma_start3A_260 : memref<1x!tpu.dma_semaphore, #tpu.memory_space<semaphore_mem>> -> memref<!tpu.dma_semaphore, #tpu.memory_space<semaphore_mem>>
    tpu.enqueue_indirect_dma source(%dma_start3A_259 : memref<32768x1024xf32, #tpu.memory_space<hbm>>) target(%dma_start3A_256 : memref<16x1024xf32, #tpu.memory_space<vmem>>) offsets(%sub3A_250 : vector<16xi32>) semaphore(%dma_start3A_261 : memref<!tpu.dma_semaphore, #tpu.memory_space<semaphore_mem>>)
    %dma_wait3A = arith.constant 0 : i32
    %dma_wait3A_262 = arith.constant 0 : i32
    %dma_wait3A_263 = arith.constant 0 : i32
    %dma_wait3A_264 = arith.constant 0 : i32
    %dma_wait3A_265 = tpu.memref_slice %arg4[%dma_wait3A, %dma_wait3A_263, %dma_wait3A_264] : memref<6x16x1024xf32, #tpu.memory_space<vmem>> -> memref<1x16x1024xf32, #tpu.memory_space<vmem>>
    %dma_wait3A_266 = tpu.memref_squeeze %dma_wait3A_265 : memref<1x16x1024xf32, #tpu.memory_space<vmem>> -> memref<16x1024xf32, #tpu.memory_space<vmem>>
    %dma_wait3A_267 = arith.constant 0 : i32
    %dma_wait3A_268 = arith.constant 0 : i32
    %dma_wait3A_269 = tpu.memref_slice %arg2[%dma_wait3A_267, %dma_wait3A_268] : memref<32768x1024xf32, #tpu.memory_space<hbm>> -> memref<32768x1024xf32, #tpu.memory_space<hbm>>
    %dma_wait3A_270 = tpu.memref_slice %arg5[%dma_wait3A_262] : memref<6x!tpu.dma_semaphore, #tpu.memory_space<semaphore_mem>> -> memref<1x!tpu.dma_semaphore, #tpu.memory_space<semaphore_mem>>
    %dma_wait3A_271 = tpu.memref_squeeze %dma_wait3A_270 : memref<1x!tpu.dma_semaphore, #tpu.memory_space<semaphore_mem>> -> memref<!tpu.dma_semaphore, #tpu.memory_space<semaphore_mem>>
    tpu.wait_indirect_dma semaphore(%dma_wait3A_271 : memref<!tpu.dma_semaphore, #tpu.memory_space<semaphore_mem>>) src(%dma_wait3A_269 : memref<32768x1024xf32, #tpu.memory_space<hbm>>) dst(%dma_wait3A_266 : memref<16x1024xf32, #tpu.memory_space<vmem>>)
    %add3A_272 = arith.constant 0 : i32
    %add3A_273 = arith.addi %mul3A_2, %add3A_272 : i32
    %dma_start3A_274 = arith.constant 0 : i32
    %dma_start3A_275 = arith.constant 0 : i32
    %dma_start3A_276 = arith.constant 0 : i32
    %dma_start3A_277 = arith.constant 0 : i32
    %dma_start3A_278 = tpu.memref_slice %arg4[%dma_start3A_274, %dma_start3A_276, %dma_start3A_277] : memref<6x16x1024xf32, #tpu.memory_space<vmem>> -> memref<1x16x1024xf32, #tpu.memory_space<vmem>>
    %dma_start3A_279 = tpu.memref_squeeze %dma_start3A_278 : memref<1x16x1024xf32, #tpu.memory_space<vmem>> -> memref<16x1024xf32, #tpu.memory_space<vmem>>
    %dma_start3A_280 = arith.constant 0 : i32
    %dma_start3A_281 = tpu.memref_slice %arg3[%add3A_273, %dma_start3A_280] : memref<8192x1024xf32, #tpu.memory_space<hbm>> -> memref<16x1024xf32, #tpu.memory_space<hbm>>
    %dma_start3A_282 = tpu.memref_slice %arg6[%dma_start3A_275] : memref<6x!tpu.dma_semaphore, #tpu.memory_space<semaphore_mem>> -> memref<1x!tpu.dma_semaphore, #tpu.memory_space<semaphore_mem>>
    %dma_start3A_283 = tpu.memref_squeeze %dma_start3A_282 : memref<1x!tpu.dma_semaphore, #tpu.memory_space<semaphore_mem>> -> memref<!tpu.dma_semaphore, #tpu.memory_space<semaphore_mem>>
    %dma_start3A_284 = arith.constant 0 : i32
    %dma_start3A_285 = tpu.memref_slice %arg3[%add3A_273, %dma_start3A_284] : memref<8192x1024xf32, #tpu.memory_space<hbm>> -> memref<16x1024xf32, #tpu.memory_space<hbm>>
    %dma_start3A_286 = arith.constant 0 : i32
    %dma_start3A_287 = arith.constant 0 : i32
    %dma_start3A_288 = tpu.memref_slice %arg4[%dma_start3A_274, %dma_start3A_286, %dma_start3A_287] : memref<6x16x1024xf32, #tpu.memory_space<vmem>> -> memref<1x16x1024xf32, #tpu.memory_space<vmem>>
    %dma_start3A_289 = tpu.memref_squeeze %dma_start3A_288 : memref<1x16x1024xf32, #tpu.memory_space<vmem>> -> memref<16x1024xf32, #tpu.memory_space<vmem>>
    tpu.enqueue_dma source(%dma_start3A_289 : memref<16x1024xf32, #tpu.memory_space<vmem>>) target(%dma_start3A_285 : memref<16x1024xf32, #tpu.memory_space<hbm>>) target_semaphore(%dma_start3A_283 : memref<!tpu.dma_semaphore, #tpu.memory_space<semaphore_mem>>)
    %add3A_290 = arith.constant 80 : i32
    %add3A_291 = arith.addi %mul3A_2, %add3A_290 : i32
    %iota3A_292 = tpu.iota {dimensions = array<i32: 0>} : vector<16xi32>
    %add3A_293 = vector.broadcast %add3A_291 : i32 to vector<16xi32>
    %add3A_294 = arith.addi %add3A_293, %iota3A_292 : vector<16xi32>
    %and3A_295 = arith.constant 2047 : i32
    %and3A_296 = vector.broadcast %and3A_295 : i32 to vector<16xi32>
    %and3A_297 = arith.andi %add3A_294, %and3A_296 : vector<16xi32>
    %shift_right_arithmetic3A_298 = arith.constant 11 : i32
    %shift_right_arithmetic3A_299 = vector.broadcast %shift_right_arithmetic3A_298 : i32 to vector<16xi32>
    %shift_right_arithmetic3A_300 = arith.shrsi %add3A_294, %shift_right_arithmetic3A_299 : vector<16xi32>
    %mul3A_301 = arith.constant 8192 : i32
    %mul3A_302 = vector.broadcast %mul3A_301 : i32 to vector<16xi32>
    %mul3A_303 = arith.muli %shift_right_arithmetic3A_300, %mul3A_302 : vector<16xi32>
    %mul3A_304 = arith.constant 4 : i32
    %mul3A_305 = vector.broadcast %mul3A_304 : i32 to vector<16xi32>
    %mul3A_306 = arith.muli %and3A_297, %mul3A_305 : vector<16xi32>
    %add3A_307 = arith.addi %mul3A_303, %mul3A_306 : vector<16xi32>
    %add3A_308 = arith.constant 3 : i32
    %add3A_309 = vector.broadcast %add3A_308 : i32 to vector<16xi32>
    %add3A_310 = arith.addi %add3A_307, %add3A_309 : vector<16xi32>
    %sub3A_311 = arith.constant 683 : i32
    %sub3A_312 = vector.broadcast %sub3A_311 : i32 to vector<16xi32>
    %sub3A_313 = arith.subi %and3A_297, %sub3A_312 : vector<16xi32>
    %shift_right_logical3A_314 = arith.constant 31 : i32
    %shift_right_logical3A_315 = vector.broadcast %shift_right_logical3A_314 : i32 to vector<16xi32>
    %shift_right_logical3A_316 = arith.shrui %sub3A_313, %shift_right_logical3A_315 : vector<16xi32>
    %sub3A_317 = arith.subi %add3A_310, %shift_right_logical3A_316 : vector<16xi32>
    %sub3A_318 = arith.constant 1365 : i32
    %sub3A_319 = vector.broadcast %sub3A_318 : i32 to vector<16xi32>
    %sub3A_320 = arith.subi %and3A_297, %sub3A_319 : vector<16xi32>
    %shift_right_logical3A_321 = arith.constant 31 : i32
    %shift_right_logical3A_322 = vector.broadcast %shift_right_logical3A_321 : i32 to vector<16xi32>
    %shift_right_logical3A_323 = arith.shrui %sub3A_320, %shift_right_logical3A_322 : vector<16xi32>
    %sub3A_324 = arith.subi %sub3A_317, %shift_right_logical3A_323 : vector<16xi32>
    %sub3A_325 = arith.constant 2047 : i32
    %sub3A_326 = vector.broadcast %sub3A_325 : i32 to vector<16xi32>
    %sub3A_327 = arith.subi %and3A_297, %sub3A_326 : vector<16xi32>
    %shift_right_logical3A_328 = arith.constant 31 : i32
    %shift_right_logical3A_329 = vector.broadcast %shift_right_logical3A_328 : i32 to vector<16xi32>
    %shift_right_logical3A_330 = arith.shrui %sub3A_327, %shift_right_logical3A_329 : vector<16xi32>
    %sub3A_331 = arith.subi %sub3A_324, %shift_right_logical3A_330 : vector<16xi32>
    %dma_start3A_332 = arith.constant 5 : i32
    %dma_start3A_333 = arith.constant 5 : i32
    %dma_start3A_334 = arith.constant 0 : i32
    %dma_start3A_335 = arith.constant 0 : i32
    %dma_start3A_336 = tpu.memref_slice %arg4[%dma_start3A_332, %dma_start3A_334, %dma_start3A_335] : memref<6x16x1024xf32, #tpu.memory_space<vmem>> -> memref<1x16x1024xf32, #tpu.memory_space<vmem>>
    %dma_start3A_337 = tpu.memref_squeeze %dma_start3A_336 : memref<1x16x1024xf32, #tpu.memory_space<vmem>> -> memref<16x1024xf32, #tpu.memory_space<vmem>>
    %dma_start3A_338 = arith.constant 0 : i32
    %dma_start3A_339 = arith.constant 0 : i32
    %dma_start3A_340 = tpu.memref_slice %arg2[%dma_start3A_338, %dma_start3A_339] : memref<32768x1024xf32, #tpu.memory_space<hbm>> -> memref<32768x1024xf32, #tpu.memory_space<hbm>>
    %dma_start3A_341 = tpu.memref_slice %arg5[%dma_start3A_333] : memref<6x!tpu.dma_semaphore, #tpu.memory_space<semaphore_mem>> -> memref<1x!tpu.dma_semaphore, #tpu.memory_space<semaphore_mem>>
    %dma_start3A_342 = tpu.memref_squeeze %dma_start3A_341 : memref<1x!tpu.dma_semaphore, #tpu.memory_space<semaphore_mem>> -> memref<!tpu.dma_semaphore, #tpu.memory_space<semaphore_mem>>
    tpu.enqueue_indirect_dma source(%dma_start3A_340 : memref<32768x1024xf32, #tpu.memory_space<hbm>>) target(%dma_start3A_337 : memref<16x1024xf32, #tpu.memory_space<vmem>>) offsets(%sub3A_331 : vector<16xi32>) semaphore(%dma_start3A_342 : memref<!tpu.dma_semaphore, #tpu.memory_space<semaphore_mem>>)
    %dma_wait3A_343 = arith.constant 1 : i32
    %dma_wait3A_344 = arith.constant 1 : i32
    %dma_wait3A_345 = arith.constant 0 : i32
    %dma_wait3A_346 = arith.constant 0 : i32
    %dma_wait3A_347 = tpu.memref_slice %arg4[%dma_wait3A_343, %dma_wait3A_345, %dma_wait3A_346] : memref<6x16x1024xf32, #tpu.memory_space<vmem>> -> memref<1x16x1024xf32, #tpu.memory_space<vmem>>
    %dma_wait3A_348 = tpu.memref_squeeze %dma_wait3A_347 : memref<1x16x1024xf32, #tpu.memory_space<vmem>> -> memref<16x1024xf32, #tpu.memory_space<vmem>>
    %dma_wait3A_349 = arith.constant 0 : i32
    %dma_wait3A_350 = arith.constant 0 : i32
    %dma_wait3A_351 = tpu.memref_slice %arg2[%dma_wait3A_349, %dma_wait3A_350] : memref<32768x1024xf32, #tpu.memory_space<hbm>> -> memref<32768x1024xf32, #tpu.memory_space<hbm>>
    %dma_wait3A_352 = tpu.memref_slice %arg5[%dma_wait3A_344] : memref<6x!tpu.dma_semaphore, #tpu.memory_space<semaphore_mem>> -> memref<1x!tpu.dma_semaphore, #tpu.memory_space<semaphore_mem>>
    %dma_wait3A_353 = tpu.memref_squeeze %dma_wait3A_352 : memref<1x!tpu.dma_semaphore, #tpu.memory_space<semaphore_mem>> -> memref<!tpu.dma_semaphore, #tpu.memory_space<semaphore_mem>>
    tpu.wait_indirect_dma semaphore(%dma_wait3A_353 : memref<!tpu.dma_semaphore, #tpu.memory_space<semaphore_mem>>) src(%dma_wait3A_351 : memref<32768x1024xf32, #tpu.memory_space<hbm>>) dst(%dma_wait3A_348 : memref<16x1024xf32, #tpu.memory_space<vmem>>)
    %add3A_354 = arith.constant 16 : i32
    %add3A_355 = arith.addi %mul3A_2, %add3A_354 : i32
    %dma_start3A_356 = arith.constant 1 : i32
    %dma_start3A_357 = arith.constant 1 : i32
    %dma_start3A_358 = arith.constant 0 : i32
    %dma_start3A_359 = arith.constant 0 : i32
    %dma_start3A_360 = tpu.memref_slice %arg4[%dma_start3A_356, %dma_start3A_358, %dma_start3A_359] : memref<6x16x1024xf32, #tpu.memory_space<vmem>> -> memref<1x16x1024xf32, #tpu.memory_space<vmem>>
    %dma_start3A_361 = tpu.memref_squeeze %dma_start3A_360 : memref<1x16x1024xf32, #tpu.memory_space<vmem>> -> memref<16x1024xf32, #tpu.memory_space<vmem>>
    %dma_start3A_362 = arith.constant 0 : i32
    %dma_start3A_363 = tpu.memref_slice %arg3[%add3A_355, %dma_start3A_362] : memref<8192x1024xf32, #tpu.memory_space<hbm>> -> memref<16x1024xf32, #tpu.memory_space<hbm>>
    %dma_start3A_364 = tpu.memref_slice %arg6[%dma_start3A_357] : memref<6x!tpu.dma_semaphore, #tpu.memory_space<semaphore_mem>> -> memref<1x!tpu.dma_semaphore, #tpu.memory_space<semaphore_mem>>
    %dma_start3A_365 = tpu.memref_squeeze %dma_start3A_364 : memref<1x!tpu.dma_semaphore, #tpu.memory_space<semaphore_mem>> -> memref<!tpu.dma_semaphore, #tpu.memory_space<semaphore_mem>>
    %dma_start3A_366 = arith.constant 0 : i32
    %dma_start3A_367 = tpu.memref_slice %arg3[%add3A_355, %dma_start3A_366] : memref<8192x1024xf32, #tpu.memory_space<hbm>> -> memref<16x1024xf32, #tpu.memory_space<hbm>>
    %dma_start3A_368 = arith.constant 0 : i32
    %dma_start3A_369 = arith.constant 0 : i32
    %dma_start3A_370 = tpu.memref_slice %arg4[%dma_start3A_356, %dma_start3A_368, %dma_start3A_369] : memref<6x16x1024xf32, #tpu.memory_space<vmem>> -> memref<1x16x1024xf32, #tpu.memory_space<vmem>>
    %dma_start3A_371 = tpu.memref_squeeze %dma_start3A_370 : memref<1x16x1024xf32, #tpu.memory_space<vmem>> -> memref<16x1024xf32, #tpu.memory_space<vmem>>
    tpu.enqueue_dma source(%dma_start3A_371 : memref<16x1024xf32, #tpu.memory_space<vmem>>) target(%dma_start3A_367 : memref<16x1024xf32, #tpu.memory_space<hbm>>) target_semaphore(%dma_start3A_365 : memref<!tpu.dma_semaphore, #tpu.memory_space<semaphore_mem>>)
    %dma_wait3A_372 = arith.constant 0 : i32
    %dma_wait3A_373 = arith.constant 0 : i32
    %dma_wait3A_374 = arith.constant 0 : i32
    %dma_wait3A_375 = arith.constant 0 : i32
    %dma_wait3A_376 = tpu.memref_slice %arg4[%dma_wait3A_372, %dma_wait3A_374, %dma_wait3A_375] : memref<6x16x1024xf32, #tpu.memory_space<vmem>> -> memref<1x16x1024xf32, #tpu.memory_space<vmem>>
    %dma_wait3A_377 = tpu.memref_squeeze %dma_wait3A_376 : memref<1x16x1024xf32, #tpu.memory_space<vmem>> -> memref<16x1024xf32, #tpu.memory_space<vmem>>
    %dma_wait3A_378 = arith.constant 0 : i32
    %dma_wait3A_379 = tpu.memref_slice %arg3[%add3A_273, %dma_wait3A_378] : memref<8192x1024xf32, #tpu.memory_space<hbm>> -> memref<16x1024xf32, #tpu.memory_space<hbm>>
    %dma_wait3A_380 = tpu.memref_slice %arg6[%dma_wait3A_373] : memref<6x!tpu.dma_semaphore, #tpu.memory_space<semaphore_mem>> -> memref<1x!tpu.dma_semaphore, #tpu.memory_space<semaphore_mem>>
    %dma_wait3A_381 = tpu.memref_squeeze %dma_wait3A_380 : memref<1x!tpu.dma_semaphore, #tpu.memory_space<semaphore_mem>> -> memref<!tpu.dma_semaphore, #tpu.memory_space<semaphore_mem>>
    %dma_wait3A_382 = arith.constant 0 : i32
    %dma_wait3A_383 = tpu.memref_slice %arg3[%add3A_273, %dma_wait3A_382] : memref<8192x1024xf32, #tpu.memory_space<hbm>> -> memref<16x1024xf32, #tpu.memory_space<hbm>>
    %dma_wait3A_384 = arith.constant 0 : i32
    %dma_wait3A_385 = arith.constant 0 : i32
    %dma_wait3A_386 = tpu.memref_slice %arg4[%dma_wait3A_372, %dma_wait3A_384, %dma_wait3A_385] : memref<6x16x1024xf32, #tpu.memory_space<vmem>> -> memref<1x16x1024xf32, #tpu.memory_space<vmem>>
    %dma_wait3A_387 = tpu.memref_squeeze %dma_wait3A_386 : memref<1x16x1024xf32, #tpu.memory_space<vmem>> -> memref<16x1024xf32, #tpu.memory_space<vmem>>
    tpu.wait_dma2 semaphore(%dma_wait3A_381 : memref<!tpu.dma_semaphore, #tpu.memory_space<semaphore_mem>>) src(%dma_wait3A_387 : memref<16x1024xf32, #tpu.memory_space<vmem>>) dst(%dma_wait3A_383 : memref<16x1024xf32, #tpu.memory_space<hbm>>)
    %add3A_388 = arith.constant 96 : i32
    %add3A_389 = arith.addi %mul3A_2, %add3A_388 : i32
    %iota3A_390 = tpu.iota {dimensions = array<i32: 0>} : vector<16xi32>
    %add3A_391 = vector.broadcast %add3A_389 : i32 to vector<16xi32>
    %add3A_392 = arith.addi %add3A_391, %iota3A_390 : vector<16xi32>
    %and3A_393 = arith.constant 2047 : i32
    %and3A_394 = vector.broadcast %and3A_393 : i32 to vector<16xi32>
    %and3A_395 = arith.andi %add3A_392, %and3A_394 : vector<16xi32>
    %shift_right_arithmetic3A_396 = arith.constant 11 : i32
    %shift_right_arithmetic3A_397 = vector.broadcast %shift_right_arithmetic3A_396 : i32 to vector<16xi32>
    %shift_right_arithmetic3A_398 = arith.shrsi %add3A_392, %shift_right_arithmetic3A_397 : vector<16xi32>
    %mul3A_399 = arith.constant 8192 : i32
    %mul3A_400 = vector.broadcast %mul3A_399 : i32 to vector<16xi32>
    %mul3A_401 = arith.muli %shift_right_arithmetic3A_398, %mul3A_400 : vector<16xi32>
    %mul3A_402 = arith.constant 4 : i32
    %mul3A_403 = vector.broadcast %mul3A_402 : i32 to vector<16xi32>
    %mul3A_404 = arith.muli %and3A_395, %mul3A_403 : vector<16xi32>
    %add3A_405 = arith.addi %mul3A_401, %mul3A_404 : vector<16xi32>
    %add3A_406 = arith.constant 3 : i32
    %add3A_407 = vector.broadcast %add3A_406 : i32 to vector<16xi32>
    %add3A_408 = arith.addi %add3A_405, %add3A_407 : vector<16xi32>
    %sub3A_409 = arith.constant 683 : i32
    %sub3A_410 = vector.broadcast %sub3A_409 : i32 to vector<16xi32>
    %sub3A_411 = arith.subi %and3A_395, %sub3A_410 : vector<16xi32>
    %shift_right_logical3A_412 = arith.constant 31 : i32
    %shift_right_logical3A_413 = vector.broadcast %shift_right_logical3A_412 : i32 to vector<16xi32>
    %shift_right_logical3A_414 = arith.shrui %sub3A_411, %shift_right_logical3A_413 : vector<16xi32>
    %sub3A_415 = arith.subi %add3A_408, %shift_right_logical3A_414 : vector<16xi32>
    %sub3A_416 = arith.constant 1365 : i32
    %sub3A_417 = vector.broadcast %sub3A_416 : i32 to vector<16xi32>
    %sub3A_418 = arith.subi %and3A_395, %sub3A_417 : vector<16xi32>
    %shift_right_logical3A_419 = arith.constant 31 : i32
    %shift_right_logical3A_420 = vector.broadcast %shift_right_logical3A_419 : i32 to vector<16xi32>
    %shift_right_logical3A_421 = arith.shrui %sub3A_418, %shift_right_logical3A_420 : vector<16xi32>
    %sub3A_422 = arith.subi %sub3A_415, %shift_right_logical3A_421 : vector<16xi32>
    %sub3A_423 = arith.constant 2047 : i32
    %sub3A_424 = vector.broadcast %sub3A_423 : i32 to vector<16xi32>
    %sub3A_425 = arith.subi %and3A_395, %sub3A_424 : vector<16xi32>
    %shift_right_logical3A_426 = arith.constant 31 : i32
    %shift_right_logical3A_427 = vector.broadcast %shift_right_logical3A_426 : i32 to vector<16xi32>
    %shift_right_logical3A_428 = arith.shrui %sub3A_425, %shift_right_logical3A_427 : vector<16xi32>
    %sub3A_429 = arith.subi %sub3A_422, %shift_right_logical3A_428 : vector<16xi32>
    %dma_start3A_430 = arith.constant 0 : i32
    %dma_start3A_431 = arith.constant 0 : i32
    %dma_start3A_432 = arith.constant 0 : i32
    %dma_start3A_433 = arith.constant 0 : i32
    %dma_start3A_434 = tpu.memref_slice %arg4[%dma_start3A_430, %dma_start3A_432, %dma_start3A_433] : memref<6x16x1024xf32, #tpu.memory_space<vmem>> -> memref<1x16x1024xf32, #tpu.memory_space<vmem>>
    %dma_start3A_435 = tpu.memref_squeeze %dma_start3A_434 : memref<1x16x1024xf32, #tpu.memory_space<vmem>> -> memref<16x1024xf32, #tpu.memory_space<vmem>>
    %dma_start3A_436 = arith.constant 0 : i32
    %dma_start3A_437 = arith.constant 0 : i32
    %dma_start3A_438 = tpu.memref_slice %arg2[%dma_start3A_436, %dma_start3A_437] : memref<32768x1024xf32, #tpu.memory_space<hbm>> -> memref<32768x1024xf32, #tpu.memory_space<hbm>>
    %dma_start3A_439 = tpu.memref_slice %arg5[%dma_start3A_431] : memref<6x!tpu.dma_semaphore, #tpu.memory_space<semaphore_mem>> -> memref<1x!tpu.dma_semaphore, #tpu.memory_space<semaphore_mem>>
    %dma_start3A_440 = tpu.memref_squeeze %dma_start3A_439 : memref<1x!tpu.dma_semaphore, #tpu.memory_space<semaphore_mem>> -> memref<!tpu.dma_semaphore, #tpu.memory_space<semaphore_mem>>
    tpu.enqueue_indirect_dma source(%dma_start3A_438 : memref<32768x1024xf32, #tpu.memory_space<hbm>>) target(%dma_start3A_435 : memref<16x1024xf32, #tpu.memory_space<vmem>>) offsets(%sub3A_429 : vector<16xi32>) semaphore(%dma_start3A_440 : memref<!tpu.dma_semaphore, #tpu.memory_space<semaphore_mem>>)
    %dma_wait3A_441 = arith.constant 2 : i32
    %dma_wait3A_442 = arith.constant 2 : i32
    %dma_wait3A_443 = arith.constant 0 : i32
    %dma_wait3A_444 = arith.constant 0 : i32
    %dma_wait3A_445 = tpu.memref_slice %arg4[%dma_wait3A_441, %dma_wait3A_443, %dma_wait3A_444] : memref<6x16x1024xf32, #tpu.memory_space<vmem>> -> memref<1x16x1024xf32, #tpu.memory_space<vmem>>
    %dma_wait3A_446 = tpu.memref_squeeze %dma_wait3A_445 : memref<1x16x1024xf32, #tpu.memory_space<vmem>> -> memref<16x1024xf32, #tpu.memory_space<vmem>>
    %dma_wait3A_447 = arith.constant 0 : i32
    %dma_wait3A_448 = arith.constant 0 : i32
    %dma_wait3A_449 = tpu.memref_slice %arg2[%dma_wait3A_447, %dma_wait3A_448] : memref<32768x1024xf32, #tpu.memory_space<hbm>> -> memref<32768x1024xf32, #tpu.memory_space<hbm>>
    %dma_wait3A_450 = tpu.memref_slice %arg5[%dma_wait3A_442] : memref<6x!tpu.dma_semaphore, #tpu.memory_space<semaphore_mem>> -> memref<1x!tpu.dma_semaphore, #tpu.memory_space<semaphore_mem>>
    %dma_wait3A_451 = tpu.memref_squeeze %dma_wait3A_450 : memref<1x!tpu.dma_semaphore, #tpu.memory_space<semaphore_mem>> -> memref<!tpu.dma_semaphore, #tpu.memory_space<semaphore_mem>>
    tpu.wait_indirect_dma semaphore(%dma_wait3A_451 : memref<!tpu.dma_semaphore, #tpu.memory_space<semaphore_mem>>) src(%dma_wait3A_449 : memref<32768x1024xf32, #tpu.memory_space<hbm>>) dst(%dma_wait3A_446 : memref<16x1024xf32, #tpu.memory_space<vmem>>)
    %add3A_452 = arith.constant 32 : i32
    %add3A_453 = arith.addi %mul3A_2, %add3A_452 : i32
    %dma_start3A_454 = arith.constant 2 : i32
    %dma_start3A_455 = arith.constant 2 : i32
    %dma_start3A_456 = arith.constant 0 : i32
    %dma_start3A_457 = arith.constant 0 : i32
    %dma_start3A_458 = tpu.memref_slice %arg4[%dma_start3A_454, %dma_start3A_456, %dma_start3A_457] : memref<6x16x1024xf32, #tpu.memory_space<vmem>> -> memref<1x16x1024xf32, #tpu.memory_space<vmem>>
    %dma_start3A_459 = tpu.memref_squeeze %dma_start3A_458 : memref<1x16x1024xf32, #tpu.memory_space<vmem>> -> memref<16x1024xf32, #tpu.memory_space<vmem>>
    %dma_start3A_460 = arith.constant 0 : i32
    %dma_start3A_461 = tpu.memref_slice %arg3[%add3A_453, %dma_start3A_460] : memref<8192x1024xf32, #tpu.memory_space<hbm>> -> memref<16x1024xf32, #tpu.memory_space<hbm>>
    %dma_start3A_462 = tpu.memref_slice %arg6[%dma_start3A_455] : memref<6x!tpu.dma_semaphore, #tpu.memory_space<semaphore_mem>> -> memref<1x!tpu.dma_semaphore, #tpu.memory_space<semaphore_mem>>
    %dma_start3A_463 = tpu.memref_squeeze %dma_start3A_462 : memref<1x!tpu.dma_semaphore, #tpu.memory_space<semaphore_mem>> -> memref<!tpu.dma_semaphore, #tpu.memory_space<semaphore_mem>>
    %dma_start3A_464 = arith.constant 0 : i32
    %dma_start3A_465 = tpu.memref_slice %arg3[%add3A_453, %dma_start3A_464] : memref<8192x1024xf32, #tpu.memory_space<hbm>> -> memref<16x1024xf32, #tpu.memory_space<hbm>>
    %dma_start3A_466 = arith.constant 0 : i32
    %dma_start3A_467 = arith.constant 0 : i32
    %dma_start3A_468 = tpu.memref_slice %arg4[%dma_start3A_454, %dma_start3A_466, %dma_start3A_467] : memref<6x16x1024xf32, #tpu.memory_space<vmem>> -> memref<1x16x1024xf32, #tpu.memory_space<vmem>>
    %dma_start3A_469 = tpu.memref_squeeze %dma_start3A_468 : memref<1x16x1024xf32, #tpu.memory_space<vmem>> -> memref<16x1024xf32, #tpu.memory_space<vmem>>
    tpu.enqueue_dma source(%dma_start3A_469 : memref<16x1024xf32, #tpu.memory_space<vmem>>) target(%dma_start3A_465 : memref<16x1024xf32, #tpu.memory_space<hbm>>) target_semaphore(%dma_start3A_463 : memref<!tpu.dma_semaphore, #tpu.memory_space<semaphore_mem>>)
    %dma_wait3A_470 = arith.constant 1 : i32
    %dma_wait3A_471 = arith.constant 1 : i32
    %dma_wait3A_472 = arith.constant 0 : i32
    %dma_wait3A_473 = arith.constant 0 : i32
    %dma_wait3A_474 = tpu.memref_slice %arg4[%dma_wait3A_470, %dma_wait3A_472, %dma_wait3A_473] : memref<6x16x1024xf32, #tpu.memory_space<vmem>> -> memref<1x16x1024xf32, #tpu.memory_space<vmem>>
    %dma_wait3A_475 = tpu.memref_squeeze %dma_wait3A_474 : memref<1x16x1024xf32, #tpu.memory_space<vmem>> -> memref<16x1024xf32, #tpu.memory_space<vmem>>
    %dma_wait3A_476 = arith.constant 0 : i32
    %dma_wait3A_477 = tpu.memref_slice %arg3[%add3A_355, %dma_wait3A_476] : memref<8192x1024xf32, #tpu.memory_space<hbm>> -> memref<16x1024xf32, #tpu.memory_space<hbm>>
    %dma_wait3A_478 = tpu.memref_slice %arg6[%dma_wait3A_471] : memref<6x!tpu.dma_semaphore, #tpu.memory_space<semaphore_mem>> -> memref<1x!tpu.dma_semaphore, #tpu.memory_space<semaphore_mem>>
    %dma_wait3A_479 = tpu.memref_squeeze %dma_wait3A_478 : memref<1x!tpu.dma_semaphore, #tpu.memory_space<semaphore_mem>> -> memref<!tpu.dma_semaphore, #tpu.memory_space<semaphore_mem>>
    %dma_wait3A_480 = arith.constant 0 : i32
    %dma_wait3A_481 = tpu.memref_slice %arg3[%add3A_355, %dma_wait3A_480] : memref<8192x1024xf32, #tpu.memory_space<hbm>> -> memref<16x1024xf32, #tpu.memory_space<hbm>>
    %dma_wait3A_482 = arith.constant 0 : i32
    %dma_wait3A_483 = arith.constant 0 : i32
    %dma_wait3A_484 = tpu.memref_slice %arg4[%dma_wait3A_470, %dma_wait3A_482, %dma_wait3A_483] : memref<6x16x1024xf32, #tpu.memory_space<vmem>> -> memref<1x16x1024xf32, #tpu.memory_space<vmem>>
    %dma_wait3A_485 = tpu.memref_squeeze %dma_wait3A_484 : memref<1x16x1024xf32, #tpu.memory_space<vmem>> -> memref<16x1024xf32, #tpu.memory_space<vmem>>
    tpu.wait_dma2 semaphore(%dma_wait3A_479 : memref<!tpu.dma_semaphore, #tpu.memory_space<semaphore_mem>>) src(%dma_wait3A_485 : memref<16x1024xf32, #tpu.memory_space<vmem>>) dst(%dma_wait3A_481 : memref<16x1024xf32, #tpu.memory_space<hbm>>)
    %add3A_486 = arith.constant 112 : i32
    %add3A_487 = arith.addi %mul3A_2, %add3A_486 : i32
    %iota3A_488 = tpu.iota {dimensions = array<i32: 0>} : vector<16xi32>
    %add3A_489 = vector.broadcast %add3A_487 : i32 to vector<16xi32>
    %add3A_490 = arith.addi %add3A_489, %iota3A_488 : vector<16xi32>
    %and3A_491 = arith.constant 2047 : i32
    %and3A_492 = vector.broadcast %and3A_491 : i32 to vector<16xi32>
    %and3A_493 = arith.andi %add3A_490, %and3A_492 : vector<16xi32>
    %shift_right_arithmetic3A_494 = arith.constant 11 : i32
    %shift_right_arithmetic3A_495 = vector.broadcast %shift_right_arithmetic3A_494 : i32 to vector<16xi32>
    %shift_right_arithmetic3A_496 = arith.shrsi %add3A_490, %shift_right_arithmetic3A_495 : vector<16xi32>
    %mul3A_497 = arith.constant 8192 : i32
    %mul3A_498 = vector.broadcast %mul3A_497 : i32 to vector<16xi32>
    %mul3A_499 = arith.muli %shift_right_arithmetic3A_496, %mul3A_498 : vector<16xi32>
    %mul3A_500 = arith.constant 4 : i32
    %mul3A_501 = vector.broadcast %mul3A_500 : i32 to vector<16xi32>
    %mul3A_502 = arith.muli %and3A_493, %mul3A_501 : vector<16xi32>
    %add3A_503 = arith.addi %mul3A_499, %mul3A_502 : vector<16xi32>
    %add3A_504 = arith.constant 3 : i32
    %add3A_505 = vector.broadcast %add3A_504 : i32 to vector<16xi32>
    %add3A_506 = arith.addi %add3A_503, %add3A_505 : vector<16xi32>
    %sub3A_507 = arith.constant 683 : i32
    %sub3A_508 = vector.broadcast %sub3A_507 : i32 to vector<16xi32>
    %sub3A_509 = arith.subi %and3A_493, %sub3A_508 : vector<16xi32>
    %shift_right_logical3A_510 = arith.constant 31 : i32
    %shift_right_logical3A_511 = vector.broadcast %shift_right_logical3A_510 : i32 to vector<16xi32>
    %shift_right_logical3A_512 = arith.shrui %sub3A_509, %shift_right_logical3A_511 : vector<16xi32>
    %sub3A_513 = arith.subi %add3A_506, %shift_right_logical3A_512 : vector<16xi32>
    %sub3A_514 = arith.constant 1365 : i32
    %sub3A_515 = vector.broadcast %sub3A_514 : i32 to vector<16xi32>
    %sub3A_516 = arith.subi %and3A_493, %sub3A_515 : vector<16xi32>
    %shift_right_logical3A_517 = arith.constant 31 : i32
    %shift_right_logical3A_518 = vector.broadcast %shift_right_logical3A_517 : i32 to vector<16xi32>
    %shift_right_logical3A_519 = arith.shrui %sub3A_516, %shift_right_logical3A_518 : vector<16xi32>
    %sub3A_520 = arith.subi %sub3A_513, %shift_right_logical3A_519 : vector<16xi32>
    %sub3A_521 = arith.constant 2047 : i32
    %sub3A_522 = vector.broadcast %sub3A_521 : i32 to vector<16xi32>
    %sub3A_523 = arith.subi %and3A_493, %sub3A_522 : vector<16xi32>
    %shift_right_logical3A_524 = arith.constant 31 : i32
    %shift_right_logical3A_525 = vector.broadcast %shift_right_logical3A_524 : i32 to vector<16xi32>
    %shift_right_logical3A_526 = arith.shrui %sub3A_523, %shift_right_logical3A_525 : vector<16xi32>
    %sub3A_527 = arith.subi %sub3A_520, %shift_right_logical3A_526 : vector<16xi32>
    %dma_start3A_528 = arith.constant 1 : i32
    %dma_start3A_529 = arith.constant 1 : i32
    %dma_start3A_530 = arith.constant 0 : i32
    %dma_start3A_531 = arith.constant 0 : i32
    %dma_start3A_532 = tpu.memref_slice %arg4[%dma_start3A_528, %dma_start3A_530, %dma_start3A_531] : memref<6x16x1024xf32, #tpu.memory_space<vmem>> -> memref<1x16x1024xf32, #tpu.memory_space<vmem>>
    %dma_start3A_533 = tpu.memref_squeeze %dma_start3A_532 : memref<1x16x1024xf32, #tpu.memory_space<vmem>> -> memref<16x1024xf32, #tpu.memory_space<vmem>>
    %dma_start3A_534 = arith.constant 0 : i32
    %dma_start3A_535 = arith.constant 0 : i32
    %dma_start3A_536 = tpu.memref_slice %arg2[%dma_start3A_534, %dma_start3A_535] : memref<32768x1024xf32, #tpu.memory_space<hbm>> -> memref<32768x1024xf32, #tpu.memory_space<hbm>>
    %dma_start3A_537 = tpu.memref_slice %arg5[%dma_start3A_529] : memref<6x!tpu.dma_semaphore, #tpu.memory_space<semaphore_mem>> -> memref<1x!tpu.dma_semaphore, #tpu.memory_space<semaphore_mem>>
    %dma_start3A_538 = tpu.memref_squeeze %dma_start3A_537 : memref<1x!tpu.dma_semaphore, #tpu.memory_space<semaphore_mem>> -> memref<!tpu.dma_semaphore, #tpu.memory_space<semaphore_mem>>
    tpu.enqueue_indirect_dma source(%dma_start3A_536 : memref<32768x1024xf32, #tpu.memory_space<hbm>>) target(%dma_start3A_533 : memref<16x1024xf32, #tpu.memory_space<vmem>>) offsets(%sub3A_527 : vector<16xi32>) semaphore(%dma_start3A_538 : memref<!tpu.dma_semaphore, #tpu.memory_space<semaphore_mem>>)
    %dma_wait3A_539 = arith.constant 3 : i32
    %dma_wait3A_540 = arith.constant 3 : i32
    %dma_wait3A_541 = arith.constant 0 : i32
    %dma_wait3A_542 = arith.constant 0 : i32
    %dma_wait3A_543 = tpu.memref_slice %arg4[%dma_wait3A_539, %dma_wait3A_541, %dma_wait3A_542] : memref<6x16x1024xf32, #tpu.memory_space<vmem>> -> memref<1x16x1024xf32, #tpu.memory_space<vmem>>
    %dma_wait3A_544 = tpu.memref_squeeze %dma_wait3A_543 : memref<1x16x1024xf32, #tpu.memory_space<vmem>> -> memref<16x1024xf32, #tpu.memory_space<vmem>>
    %dma_wait3A_545 = arith.constant 0 : i32
    %dma_wait3A_546 = arith.constant 0 : i32
    %dma_wait3A_547 = tpu.memref_slice %arg2[%dma_wait3A_545, %dma_wait3A_546] : memref<32768x1024xf32, #tpu.memory_space<hbm>> -> memref<32768x1024xf32, #tpu.memory_space<hbm>>
    %dma_wait3A_548 = tpu.memref_slice %arg5[%dma_wait3A_540] : memref<6x!tpu.dma_semaphore, #tpu.memory_space<semaphore_mem>> -> memref<1x!tpu.dma_semaphore, #tpu.memory_space<semaphore_mem>>
    %dma_wait3A_549 = tpu.memref_squeeze %dma_wait3A_548 : memref<1x!tpu.dma_semaphore, #tpu.memory_space<semaphore_mem>> -> memref<!tpu.dma_semaphore, #tpu.memory_space<semaphore_mem>>
    tpu.wait_indirect_dma semaphore(%dma_wait3A_549 : memref<!tpu.dma_semaphore, #tpu.memory_space<semaphore_mem>>) src(%dma_wait3A_547 : memref<32768x1024xf32, #tpu.memory_space<hbm>>) dst(%dma_wait3A_544 : memref<16x1024xf32, #tpu.memory_space<vmem>>)
    %add3A_550 = arith.constant 48 : i32
    %add3A_551 = arith.addi %mul3A_2, %add3A_550 : i32
    %dma_start3A_552 = arith.constant 3 : i32
    %dma_start3A_553 = arith.constant 3 : i32
    %dma_start3A_554 = arith.constant 0 : i32
    %dma_start3A_555 = arith.constant 0 : i32
    %dma_start3A_556 = tpu.memref_slice %arg4[%dma_start3A_552, %dma_start3A_554, %dma_start3A_555] : memref<6x16x1024xf32, #tpu.memory_space<vmem>> -> memref<1x16x1024xf32, #tpu.memory_space<vmem>>
    %dma_start3A_557 = tpu.memref_squeeze %dma_start3A_556 : memref<1x16x1024xf32, #tpu.memory_space<vmem>> -> memref<16x1024xf32, #tpu.memory_space<vmem>>
    %dma_start3A_558 = arith.constant 0 : i32
    %dma_start3A_559 = tpu.memref_slice %arg3[%add3A_551, %dma_start3A_558] : memref<8192x1024xf32, #tpu.memory_space<hbm>> -> memref<16x1024xf32, #tpu.memory_space<hbm>>
    %dma_start3A_560 = tpu.memref_slice %arg6[%dma_start3A_553] : memref<6x!tpu.dma_semaphore, #tpu.memory_space<semaphore_mem>> -> memref<1x!tpu.dma_semaphore, #tpu.memory_space<semaphore_mem>>
    %dma_start3A_561 = tpu.memref_squeeze %dma_start3A_560 : memref<1x!tpu.dma_semaphore, #tpu.memory_space<semaphore_mem>> -> memref<!tpu.dma_semaphore, #tpu.memory_space<semaphore_mem>>
    %dma_start3A_562 = arith.constant 0 : i32
    %dma_start3A_563 = tpu.memref_slice %arg3[%add3A_551, %dma_start3A_562] : memref<8192x1024xf32, #tpu.memory_space<hbm>> -> memref<16x1024xf32, #tpu.memory_space<hbm>>
    %dma_start3A_564 = arith.constant 0 : i32
    %dma_start3A_565 = arith.constant 0 : i32
    %dma_start3A_566 = tpu.memref_slice %arg4[%dma_start3A_552, %dma_start3A_564, %dma_start3A_565] : memref<6x16x1024xf32, #tpu.memory_space<vmem>> -> memref<1x16x1024xf32, #tpu.memory_space<vmem>>
    %dma_start3A_567 = tpu.memref_squeeze %dma_start3A_566 : memref<1x16x1024xf32, #tpu.memory_space<vmem>> -> memref<16x1024xf32, #tpu.memory_space<vmem>>
    tpu.enqueue_dma source(%dma_start3A_567 : memref<16x1024xf32, #tpu.memory_space<vmem>>) target(%dma_start3A_563 : memref<16x1024xf32, #tpu.memory_space<hbm>>) target_semaphore(%dma_start3A_561 : memref<!tpu.dma_semaphore, #tpu.memory_space<semaphore_mem>>)
    %dma_wait3A_568 = arith.constant 2 : i32
    %dma_wait3A_569 = arith.constant 2 : i32
    %dma_wait3A_570 = arith.constant 0 : i32
    %dma_wait3A_571 = arith.constant 0 : i32
    %dma_wait3A_572 = tpu.memref_slice %arg4[%dma_wait3A_568, %dma_wait3A_570, %dma_wait3A_571] : memref<6x16x1024xf32, #tpu.memory_space<vmem>> -> memref<1x16x1024xf32, #tpu.memory_space<vmem>>
    %dma_wait3A_573 = tpu.memref_squeeze %dma_wait3A_572 : memref<1x16x1024xf32, #tpu.memory_space<vmem>> -> memref<16x1024xf32, #tpu.memory_space<vmem>>
    %dma_wait3A_574 = arith.constant 0 : i32
    %dma_wait3A_575 = tpu.memref_slice %arg3[%add3A_453, %dma_wait3A_574] : memref<8192x1024xf32, #tpu.memory_space<hbm>> -> memref<16x1024xf32, #tpu.memory_space<hbm>>
    %dma_wait3A_576 = tpu.memref_slice %arg6[%dma_wait3A_569] : memref<6x!tpu.dma_semaphore, #tpu.memory_space<semaphore_mem>> -> memref<1x!tpu.dma_semaphore, #tpu.memory_space<semaphore_mem>>
    %dma_wait3A_577 = tpu.memref_squeeze %dma_wait3A_576 : memref<1x!tpu.dma_semaphore, #tpu.memory_space<semaphore_mem>> -> memref<!tpu.dma_semaphore, #tpu.memory_space<semaphore_mem>>
    %dma_wait3A_578 = arith.constant 0 : i32
    %dma_wait3A_579 = tpu.memref_slice %arg3[%add3A_453, %dma_wait3A_578] : memref<8192x1024xf32, #tpu.memory_space<hbm>> -> memref<16x1024xf32, #tpu.memory_space<hbm>>
    %dma_wait3A_580 = arith.constant 0 : i32
    %dma_wait3A_581 = arith.constant 0 : i32
    %dma_wait3A_582 = tpu.memref_slice %arg4[%dma_wait3A_568, %dma_wait3A_580, %dma_wait3A_581] : memref<6x16x1024xf32, #tpu.memory_space<vmem>> -> memref<1x16x1024xf32, #tpu.memory_space<vmem>>
    %dma_wait3A_583 = tpu.memref_squeeze %dma_wait3A_582 : memref<1x16x1024xf32, #tpu.memory_space<vmem>> -> memref<16x1024xf32, #tpu.memory_space<vmem>>
    tpu.wait_dma2 semaphore(%dma_wait3A_577 : memref<!tpu.dma_semaphore, #tpu.memory_space<semaphore_mem>>) src(%dma_wait3A_583 : memref<16x1024xf32, #tpu.memory_space<vmem>>) dst(%dma_wait3A_579 : memref<16x1024xf32, #tpu.memory_space<hbm>>)
    %add3A_584 = arith.constant 128 : i32
    %add3A_585 = arith.addi %mul3A_2, %add3A_584 : i32
    %iota3A_586 = tpu.iota {dimensions = array<i32: 0>} : vector<16xi32>
    %add3A_587 = vector.broadcast %add3A_585 : i32 to vector<16xi32>
    %add3A_588 = arith.addi %add3A_587, %iota3A_586 : vector<16xi32>
    %and3A_589 = arith.constant 2047 : i32
    %and3A_590 = vector.broadcast %and3A_589 : i32 to vector<16xi32>
    %and3A_591 = arith.andi %add3A_588, %and3A_590 : vector<16xi32>
    %shift_right_arithmetic3A_592 = arith.constant 11 : i32
    %shift_right_arithmetic3A_593 = vector.broadcast %shift_right_arithmetic3A_592 : i32 to vector<16xi32>
    %shift_right_arithmetic3A_594 = arith.shrsi %add3A_588, %shift_right_arithmetic3A_593 : vector<16xi32>
    %mul3A_595 = arith.constant 8192 : i32
    %mul3A_596 = vector.broadcast %mul3A_595 : i32 to vector<16xi32>
    %mul3A_597 = arith.muli %shift_right_arithmetic3A_594, %mul3A_596 : vector<16xi32>
    %mul3A_598 = arith.constant 4 : i32
    %mul3A_599 = vector.broadcast %mul3A_598 : i32 to vector<16xi32>
    %mul3A_600 = arith.muli %and3A_591, %mul3A_599 : vector<16xi32>
    %add3A_601 = arith.addi %mul3A_597, %mul3A_600 : vector<16xi32>
    %add3A_602 = arith.constant 3 : i32
    %add3A_603 = vector.broadcast %add3A_602 : i32 to vector<16xi32>
    %add3A_604 = arith.addi %add3A_601, %add3A_603 : vector<16xi32>
    %sub3A_605 = arith.constant 683 : i32
    %sub3A_606 = vector.broadcast %sub3A_605 : i32 to vector<16xi32>
    %sub3A_607 = arith.subi %and3A_591, %sub3A_606 : vector<16xi32>
    %shift_right_logical3A_608 = arith.constant 31 : i32
    %shift_right_logical3A_609 = vector.broadcast %shift_right_logical3A_608 : i32 to vector<16xi32>
    %shift_right_logical3A_610 = arith.shrui %sub3A_607, %shift_right_logical3A_609 : vector<16xi32>
    %sub3A_611 = arith.subi %add3A_604, %shift_right_logical3A_610 : vector<16xi32>
    %sub3A_612 = arith.constant 1365 : i32
    %sub3A_613 = vector.broadcast %sub3A_612 : i32 to vector<16xi32>
    %sub3A_614 = arith.subi %and3A_591, %sub3A_613 : vector<16xi32>
    %shift_right_logical3A_615 = arith.constant 31 : i32
    %shift_right_logical3A_616 = vector.broadcast %shift_right_logical3A_615 : i32 to vector<16xi32>
    %shift_right_logical3A_617 = arith.shrui %sub3A_614, %shift_right_logical3A_616 : vector<16xi32>
    %sub3A_618 = arith.subi %sub3A_611, %shift_right_logical3A_617 : vector<16xi32>
    %sub3A_619 = arith.constant 2047 : i32
    %sub3A_620 = vector.broadcast %sub3A_619 : i32 to vector<16xi32>
    %sub3A_621 = arith.subi %and3A_591, %sub3A_620 : vector<16xi32>
    %shift_right_logical3A_622 = arith.constant 31 : i32
    %shift_right_logical3A_623 = vector.broadcast %shift_right_logical3A_622 : i32 to vector<16xi32>
    %shift_right_logical3A_624 = arith.shrui %sub3A_621, %shift_right_logical3A_623 : vector<16xi32>
    %sub3A_625 = arith.subi %sub3A_618, %shift_right_logical3A_624 : vector<16xi32>
    %dma_start3A_626 = arith.constant 2 : i32
    %dma_start3A_627 = arith.constant 2 : i32
    %dma_start3A_628 = arith.constant 0 : i32
    %dma_start3A_629 = arith.constant 0 : i32
    %dma_start3A_630 = tpu.memref_slice %arg4[%dma_start3A_626, %dma_start3A_628, %dma_start3A_629] : memref<6x16x1024xf32, #tpu.memory_space<vmem>> -> memref<1x16x1024xf32, #tpu.memory_space<vmem>>
    %dma_start3A_631 = tpu.memref_squeeze %dma_start3A_630 : memref<1x16x1024xf32, #tpu.memory_space<vmem>> -> memref<16x1024xf32, #tpu.memory_space<vmem>>
    %dma_start3A_632 = arith.constant 0 : i32
    %dma_start3A_633 = arith.constant 0 : i32
    %dma_start3A_634 = tpu.memref_slice %arg2[%dma_start3A_632, %dma_start3A_633] : memref<32768x1024xf32, #tpu.memory_space<hbm>> -> memref<32768x1024xf32, #tpu.memory_space<hbm>>
    %dma_start3A_635 = tpu.memref_slice %arg5[%dma_start3A_627] : memref<6x!tpu.dma_semaphore, #tpu.memory_space<semaphore_mem>> -> memref<1x!tpu.dma_semaphore, #tpu.memory_space<semaphore_mem>>
    %dma_start3A_636 = tpu.memref_squeeze %dma_start3A_635 : memref<1x!tpu.dma_semaphore, #tpu.memory_space<semaphore_mem>> -> memref<!tpu.dma_semaphore, #tpu.memory_space<semaphore_mem>>
    tpu.enqueue_indirect_dma source(%dma_start3A_634 : memref<32768x1024xf32, #tpu.memory_space<hbm>>) target(%dma_start3A_631 : memref<16x1024xf32, #tpu.memory_space<vmem>>) offsets(%sub3A_625 : vector<16xi32>) semaphore(%dma_start3A_636 : memref<!tpu.dma_semaphore, #tpu.memory_space<semaphore_mem>>)
    %dma_wait3A_637 = arith.constant 4 : i32
    %dma_wait3A_638 = arith.constant 4 : i32
    %dma_wait3A_639 = arith.constant 0 : i32
    %dma_wait3A_640 = arith.constant 0 : i32
    %dma_wait3A_641 = tpu.memref_slice %arg4[%dma_wait3A_637, %dma_wait3A_639, %dma_wait3A_640] : memref<6x16x1024xf32, #tpu.memory_space<vmem>> -> memref<1x16x1024xf32, #tpu.memory_space<vmem>>
    %dma_wait3A_642 = tpu.memref_squeeze %dma_wait3A_641 : memref<1x16x1024xf32, #tpu.memory_space<vmem>> -> memref<16x1024xf32, #tpu.memory_space<vmem>>
    %dma_wait3A_643 = arith.constant 0 : i32
    %dma_wait3A_644 = arith.constant 0 : i32
    %dma_wait3A_645 = tpu.memref_slice %arg2[%dma_wait3A_643, %dma_wait3A_644] : memref<32768x1024xf32, #tpu.memory_space<hbm>> -> memref<32768x1024xf32, #tpu.memory_space<hbm>>
    %dma_wait3A_646 = tpu.memref_slice %arg5[%dma_wait3A_638] : memref<6x!tpu.dma_semaphore, #tpu.memory_space<semaphore_mem>> -> memref<1x!tpu.dma_semaphore, #tpu.memory_space<semaphore_mem>>
    %dma_wait3A_647 = tpu.memref_squeeze %dma_wait3A_646 : memref<1x!tpu.dma_semaphore, #tpu.memory_space<semaphore_mem>> -> memref<!tpu.dma_semaphore, #tpu.memory_space<semaphore_mem>>
    tpu.wait_indirect_dma semaphore(%dma_wait3A_647 : memref<!tpu.dma_semaphore, #tpu.memory_space<semaphore_mem>>) src(%dma_wait3A_645 : memref<32768x1024xf32, #tpu.memory_space<hbm>>) dst(%dma_wait3A_642 : memref<16x1024xf32, #tpu.memory_space<vmem>>)
    %add3A_648 = arith.constant 64 : i32
    %add3A_649 = arith.addi %mul3A_2, %add3A_648 : i32
    %dma_start3A_650 = arith.constant 4 : i32
    %dma_start3A_651 = arith.constant 4 : i32
    %dma_start3A_652 = arith.constant 0 : i32
    %dma_start3A_653 = arith.constant 0 : i32
    %dma_start3A_654 = tpu.memref_slice %arg4[%dma_start3A_650, %dma_start3A_652, %dma_start3A_653] : memref<6x16x1024xf32, #tpu.memory_space<vmem>> -> memref<1x16x1024xf32, #tpu.memory_space<vmem>>
    %dma_start3A_655 = tpu.memref_squeeze %dma_start3A_654 : memref<1x16x1024xf32, #tpu.memory_space<vmem>> -> memref<16x1024xf32, #tpu.memory_space<vmem>>
    %dma_start3A_656 = arith.constant 0 : i32
    %dma_start3A_657 = tpu.memref_slice %arg3[%add3A_649, %dma_start3A_656] : memref<8192x1024xf32, #tpu.memory_space<hbm>> -> memref<16x1024xf32, #tpu.memory_space<hbm>>
    %dma_start3A_658 = tpu.memref_slice %arg6[%dma_start3A_651] : memref<6x!tpu.dma_semaphore, #tpu.memory_space<semaphore_mem>> -> memref<1x!tpu.dma_semaphore, #tpu.memory_space<semaphore_mem>>
    %dma_start3A_659 = tpu.memref_squeeze %dma_start3A_658 : memref<1x!tpu.dma_semaphore, #tpu.memory_space<semaphore_mem>> -> memref<!tpu.dma_semaphore, #tpu.memory_space<semaphore_mem>>
    %dma_start3A_660 = arith.constant 0 : i32
    %dma_start3A_661 = tpu.memref_slice %arg3[%add3A_649, %dma_start3A_660] : memref<8192x1024xf32, #tpu.memory_space<hbm>> -> memref<16x1024xf32, #tpu.memory_space<hbm>>
    %dma_start3A_662 = arith.constant 0 : i32
    %dma_start3A_663 = arith.constant 0 : i32
    %dma_start3A_664 = tpu.memref_slice %arg4[%dma_start3A_650, %dma_start3A_662, %dma_start3A_663] : memref<6x16x1024xf32, #tpu.memory_space<vmem>> -> memref<1x16x1024xf32, #tpu.memory_space<vmem>>
    %dma_start3A_665 = tpu.memref_squeeze %dma_start3A_664 : memref<1x16x1024xf32, #tpu.memory_space<vmem>> -> memref<16x1024xf32, #tpu.memory_space<vmem>>
    tpu.enqueue_dma source(%dma_start3A_665 : memref<16x1024xf32, #tpu.memory_space<vmem>>) target(%dma_start3A_661 : memref<16x1024xf32, #tpu.memory_space<hbm>>) target_semaphore(%dma_start3A_659 : memref<!tpu.dma_semaphore, #tpu.memory_space<semaphore_mem>>)
    %dma_wait3A_666 = arith.constant 3 : i32
    %dma_wait3A_667 = arith.constant 3 : i32
    %dma_wait3A_668 = arith.constant 0 : i32
    %dma_wait3A_669 = arith.constant 0 : i32
    %dma_wait3A_670 = tpu.memref_slice %arg4[%dma_wait3A_666, %dma_wait3A_668, %dma_wait3A_669] : memref<6x16x1024xf32, #tpu.memory_space<vmem>> -> memref<1x16x1024xf32, #tpu.memory_space<vmem>>
    %dma_wait3A_671 = tpu.memref_squeeze %dma_wait3A_670 : memref<1x16x1024xf32, #tpu.memory_space<vmem>> -> memref<16x1024xf32, #tpu.memory_space<vmem>>
    %dma_wait3A_672 = arith.constant 0 : i32
    %dma_wait3A_673 = tpu.memref_slice %arg3[%add3A_551, %dma_wait3A_672] : memref<8192x1024xf32, #tpu.memory_space<hbm>> -> memref<16x1024xf32, #tpu.memory_space<hbm>>
    %dma_wait3A_674 = tpu.memref_slice %arg6[%dma_wait3A_667] : memref<6x!tpu.dma_semaphore, #tpu.memory_space<semaphore_mem>> -> memref<1x!tpu.dma_semaphore, #tpu.memory_space<semaphore_mem>>
    %dma_wait3A_675 = tpu.memref_squeeze %dma_wait3A_674 : memref<1x!tpu.dma_semaphore, #tpu.memory_space<semaphore_mem>> -> memref<!tpu.dma_semaphore, #tpu.memory_space<semaphore_mem>>
    %dma_wait3A_676 = arith.constant 0 : i32
    %dma_wait3A_677 = tpu.memref_slice %arg3[%add3A_551, %dma_wait3A_676] : memref<8192x1024xf32, #tpu.memory_space<hbm>> -> memref<16x1024xf32, #tpu.memory_space<hbm>>
    %dma_wait3A_678 = arith.constant 0 : i32
    %dma_wait3A_679 = arith.constant 0 : i32
    %dma_wait3A_680 = tpu.memref_slice %arg4[%dma_wait3A_666, %dma_wait3A_678, %dma_wait3A_679] : memref<6x16x1024xf32, #tpu.memory_space<vmem>> -> memref<1x16x1024xf32, #tpu.memory_space<vmem>>
    %dma_wait3A_681 = tpu.memref_squeeze %dma_wait3A_680 : memref<1x16x1024xf32, #tpu.memory_space<vmem>> -> memref<16x1024xf32, #tpu.memory_space<vmem>>
    tpu.wait_dma2 semaphore(%dma_wait3A_675 : memref<!tpu.dma_semaphore, #tpu.memory_space<semaphore_mem>>) src(%dma_wait3A_681 : memref<16x1024xf32, #tpu.memory_space<vmem>>) dst(%dma_wait3A_677 : memref<16x1024xf32, #tpu.memory_space<hbm>>)
    %add3A_682 = arith.constant 144 : i32
    %add3A_683 = arith.addi %mul3A_2, %add3A_682 : i32
    %iota3A_684 = tpu.iota {dimensions = array<i32: 0>} : vector<16xi32>
    %add3A_685 = vector.broadcast %add3A_683 : i32 to vector<16xi32>
    %add3A_686 = arith.addi %add3A_685, %iota3A_684 : vector<16xi32>
    %and3A_687 = arith.constant 2047 : i32
    %and3A_688 = vector.broadcast %and3A_687 : i32 to vector<16xi32>
    %and3A_689 = arith.andi %add3A_686, %and3A_688 : vector<16xi32>
    %shift_right_arithmetic3A_690 = arith.constant 11 : i32
    %shift_right_arithmetic3A_691 = vector.broadcast %shift_right_arithmetic3A_690 : i32 to vector<16xi32>
    %shift_right_arithmetic3A_692 = arith.shrsi %add3A_686, %shift_right_arithmetic3A_691 : vector<16xi32>
    %mul3A_693 = arith.constant 8192 : i32
    %mul3A_694 = vector.broadcast %mul3A_693 : i32 to vector<16xi32>
    %mul3A_695 = arith.muli %shift_right_arithmetic3A_692, %mul3A_694 : vector<16xi32>
    %mul3A_696 = arith.constant 4 : i32
    %mul3A_697 = vector.broadcast %mul3A_696 : i32 to vector<16xi32>
    %mul3A_698 = arith.muli %and3A_689, %mul3A_697 : vector<16xi32>
    %add3A_699 = arith.addi %mul3A_695, %mul3A_698 : vector<16xi32>
    %add3A_700 = arith.constant 3 : i32
    %add3A_701 = vector.broadcast %add3A_700 : i32 to vector<16xi32>
    %add3A_702 = arith.addi %add3A_699, %add3A_701 : vector<16xi32>
    %sub3A_703 = arith.constant 683 : i32
    %sub3A_704 = vector.broadcast %sub3A_703 : i32 to vector<16xi32>
    %sub3A_705 = arith.subi %and3A_689, %sub3A_704 : vector<16xi32>
    %shift_right_logical3A_706 = arith.constant 31 : i32
    %shift_right_logical3A_707 = vector.broadcast %shift_right_logical3A_706 : i32 to vector<16xi32>
    %shift_right_logical3A_708 = arith.shrui %sub3A_705, %shift_right_logical3A_707 : vector<16xi32>
    %sub3A_709 = arith.subi %add3A_702, %shift_right_logical3A_708 : vector<16xi32>
    %sub3A_710 = arith.constant 1365 : i32
    %sub3A_711 = vector.broadcast %sub3A_710 : i32 to vector<16xi32>
    %sub3A_712 = arith.subi %and3A_689, %sub3A_711 : vector<16xi32>
    %shift_right_logical3A_713 = arith.constant 31 : i32
    %shift_right_logical3A_714 = vector.broadcast %shift_right_logical3A_713 : i32 to vector<16xi32>
    %shift_right_logical3A_715 = arith.shrui %sub3A_712, %shift_right_logical3A_714 : vector<16xi32>
    %sub3A_716 = arith.subi %sub3A_709, %shift_right_logical3A_715 : vector<16xi32>
    %sub3A_717 = arith.constant 2047 : i32
    %sub3A_718 = vector.broadcast %sub3A_717 : i32 to vector<16xi32>
    %sub3A_719 = arith.subi %and3A_689, %sub3A_718 : vector<16xi32>
    %shift_right_logical3A_720 = arith.constant 31 : i32
    %shift_right_logical3A_721 = vector.broadcast %shift_right_logical3A_720 : i32 to vector<16xi32>
    %shift_right_logical3A_722 = arith.shrui %sub3A_719, %shift_right_logical3A_721 : vector<16xi32>
    %sub3A_723 = arith.subi %sub3A_716, %shift_right_logical3A_722 : vector<16xi32>
    %dma_start3A_724 = arith.constant 3 : i32
    %dma_start3A_725 = arith.constant 3 : i32
    %dma_start3A_726 = arith.constant 0 : i32
    %dma_start3A_727 = arith.constant 0 : i32
    %dma_start3A_728 = tpu.memref_slice %arg4[%dma_start3A_724, %dma_start3A_726, %dma_start3A_727] : memref<6x16x1024xf32, #tpu.memory_space<vmem>> -> memref<1x16x1024xf32, #tpu.memory_space<vmem>>
    %dma_start3A_729 = tpu.memref_squeeze %dma_start3A_728 : memref<1x16x1024xf32, #tpu.memory_space<vmem>> -> memref<16x1024xf32, #tpu.memory_space<vmem>>
    %dma_start3A_730 = arith.constant 0 : i32
    %dma_start3A_731 = arith.constant 0 : i32
    %dma_start3A_732 = tpu.memref_slice %arg2[%dma_start3A_730, %dma_start3A_731] : memref<32768x1024xf32, #tpu.memory_space<hbm>> -> memref<32768x1024xf32, #tpu.memory_space<hbm>>
    %dma_start3A_733 = tpu.memref_slice %arg5[%dma_start3A_725] : memref<6x!tpu.dma_semaphore, #tpu.memory_space<semaphore_mem>> -> memref<1x!tpu.dma_semaphore, #tpu.memory_space<semaphore_mem>>
    %dma_start3A_734 = tpu.memref_squeeze %dma_start3A_733 : memref<1x!tpu.dma_semaphore, #tpu.memory_space<semaphore_mem>> -> memref<!tpu.dma_semaphore, #tpu.memory_space<semaphore_mem>>
    tpu.enqueue_indirect_dma source(%dma_start3A_732 : memref<32768x1024xf32, #tpu.memory_space<hbm>>) target(%dma_start3A_729 : memref<16x1024xf32, #tpu.memory_space<vmem>>) offsets(%sub3A_723 : vector<16xi32>) semaphore(%dma_start3A_734 : memref<!tpu.dma_semaphore, #tpu.memory_space<semaphore_mem>>)
    %dma_wait3A_735 = arith.constant 5 : i32
    %dma_wait3A_736 = arith.constant 5 : i32
    %dma_wait3A_737 = arith.constant 0 : i32
    %dma_wait3A_738 = arith.constant 0 : i32
    %dma_wait3A_739 = tpu.memref_slice %arg4[%dma_wait3A_735, %dma_wait3A_737, %dma_wait3A_738] : memref<6x16x1024xf32, #tpu.memory_space<vmem>> -> memref<1x16x1024xf32, #tpu.memory_space<vmem>>
    %dma_wait3A_740 = tpu.memref_squeeze %dma_wait3A_739 : memref<1x16x1024xf32, #tpu.memory_space<vmem>> -> memref<16x1024xf32, #tpu.memory_space<vmem>>
    %dma_wait3A_741 = arith.constant 0 : i32
    %dma_wait3A_742 = arith.constant 0 : i32
    %dma_wait3A_743 = tpu.memref_slice %arg2[%dma_wait3A_741, %dma_wait3A_742] : memref<32768x1024xf32, #tpu.memory_space<hbm>> -> memref<32768x1024xf32, #tpu.memory_space<hbm>>
    %dma_wait3A_744 = tpu.memref_slice %arg5[%dma_wait3A_736] : memref<6x!tpu.dma_semaphore, #tpu.memory_space<semaphore_mem>> -> memref<1x!tpu.dma_semaphore, #tpu.memory_space<semaphore_mem>>
    %dma_wait3A_745 = tpu.memref_squeeze %dma_wait3A_744 : memref<1x!tpu.dma_semaphore, #tpu.memory_space<semaphore_mem>> -> memref<!tpu.dma_semaphore, #tpu.memory_space<semaphore_mem>>
    tpu.wait_indirect_dma semaphore(%dma_wait3A_745 : memref<!tpu.dma_semaphore, #tpu.memory_space<semaphore_mem>>) src(%dma_wait3A_743 : memref<32768x1024xf32, #tpu.memory_space<hbm>>) dst(%dma_wait3A_740 : memref<16x1024xf32, #tpu.memory_space<vmem>>)
    %add3A_746 = arith.constant 80 : i32
    %add3A_747 = arith.addi %mul3A_2, %add3A_746 : i32
    %dma_start3A_748 = arith.constant 5 : i32
    %dma_start3A_749 = arith.constant 5 : i32
    %dma_start3A_750 = arith.constant 0 : i32
    %dma_start3A_751 = arith.constant 0 : i32
    %dma_start3A_752 = tpu.memref_slice %arg4[%dma_start3A_748, %dma_start3A_750, %dma_start3A_751] : memref<6x16x1024xf32, #tpu.memory_space<vmem>> -> memref<1x16x1024xf32, #tpu.memory_space<vmem>>
    %dma_start3A_753 = tpu.memref_squeeze %dma_start3A_752 : memref<1x16x1024xf32, #tpu.memory_space<vmem>> -> memref<16x1024xf32, #tpu.memory_space<vmem>>
    %dma_start3A_754 = arith.constant 0 : i32
    %dma_start3A_755 = tpu.memref_slice %arg3[%add3A_747, %dma_start3A_754] : memref<8192x1024xf32, #tpu.memory_space<hbm>> -> memref<16x1024xf32, #tpu.memory_space<hbm>>
    %dma_start3A_756 = tpu.memref_slice %arg6[%dma_start3A_749] : memref<6x!tpu.dma_semaphore, #tpu.memory_space<semaphore_mem>> -> memref<1x!tpu.dma_semaphore, #tpu.memory_space<semaphore_mem>>
    %dma_start3A_757 = tpu.memref_squeeze %dma_start3A_756 : memref<1x!tpu.dma_semaphore, #tpu.memory_space<semaphore_mem>> -> memref<!tpu.dma_semaphore, #tpu.memory_space<semaphore_mem>>
    %dma_start3A_758 = arith.constant 0 : i32
    %dma_start3A_759 = tpu.memref_slice %arg3[%add3A_747, %dma_start3A_758] : memref<8192x1024xf32, #tpu.memory_space<hbm>> -> memref<16x1024xf32, #tpu.memory_space<hbm>>
    %dma_start3A_760 = arith.constant 0 : i32
    %dma_start3A_761 = arith.constant 0 : i32
    %dma_start3A_762 = tpu.memref_slice %arg4[%dma_start3A_748, %dma_start3A_760, %dma_start3A_761] : memref<6x16x1024xf32, #tpu.memory_space<vmem>> -> memref<1x16x1024xf32, #tpu.memory_space<vmem>>
    %dma_start3A_763 = tpu.memref_squeeze %dma_start3A_762 : memref<1x16x1024xf32, #tpu.memory_space<vmem>> -> memref<16x1024xf32, #tpu.memory_space<vmem>>
    tpu.enqueue_dma source(%dma_start3A_763 : memref<16x1024xf32, #tpu.memory_space<vmem>>) target(%dma_start3A_759 : memref<16x1024xf32, #tpu.memory_space<hbm>>) target_semaphore(%dma_start3A_757 : memref<!tpu.dma_semaphore, #tpu.memory_space<semaphore_mem>>)
    %dma_wait3A_764 = arith.constant 4 : i32
    %dma_wait3A_765 = arith.constant 4 : i32
    %dma_wait3A_766 = arith.constant 0 : i32
    %dma_wait3A_767 = arith.constant 0 : i32
    %dma_wait3A_768 = tpu.memref_slice %arg4[%dma_wait3A_764, %dma_wait3A_766, %dma_wait3A_767] : memref<6x16x1024xf32, #tpu.memory_space<vmem>> -> memref<1x16x1024xf32, #tpu.memory_space<vmem>>
    %dma_wait3A_769 = tpu.memref_squeeze %dma_wait3A_768 : memref<1x16x1024xf32, #tpu.memory_space<vmem>> -> memref<16x1024xf32, #tpu.memory_space<vmem>>
    %dma_wait3A_770 = arith.constant 0 : i32
    %dma_wait3A_771 = tpu.memref_slice %arg3[%add3A_649, %dma_wait3A_770] : memref<8192x1024xf32, #tpu.memory_space<hbm>> -> memref<16x1024xf32, #tpu.memory_space<hbm>>
    %dma_wait3A_772 = tpu.memref_slice %arg6[%dma_wait3A_765] : memref<6x!tpu.dma_semaphore, #tpu.memory_space<semaphore_mem>> -> memref<1x!tpu.dma_semaphore, #tpu.memory_space<semaphore_mem>>
    %dma_wait3A_773 = tpu.memref_squeeze %dma_wait3A_772 : memref<1x!tpu.dma_semaphore, #tpu.memory_space<semaphore_mem>> -> memref<!tpu.dma_semaphore, #tpu.memory_space<semaphore_mem>>
    %dma_wait3A_774 = arith.constant 0 : i32
    %dma_wait3A_775 = tpu.memref_slice %arg3[%add3A_649, %dma_wait3A_774] : memref<8192x1024xf32, #tpu.memory_space<hbm>> -> memref<16x1024xf32, #tpu.memory_space<hbm>>
    %dma_wait3A_776 = arith.constant 0 : i32
    %dma_wait3A_777 = arith.constant 0 : i32
    %dma_wait3A_778 = tpu.memref_slice %arg4[%dma_wait3A_764, %dma_wait3A_776, %dma_wait3A_777] : memref<6x16x1024xf32, #tpu.memory_space<vmem>> -> memref<1x16x1024xf32, #tpu.memory_space<vmem>>
    %dma_wait3A_779 = tpu.memref_squeeze %dma_wait3A_778 : memref<1x16x1024xf32, #tpu.memory_space<vmem>> -> memref<16x1024xf32, #tpu.memory_space<vmem>>
    tpu.wait_dma2 semaphore(%dma_wait3A_773 : memref<!tpu.dma_semaphore, #tpu.memory_space<semaphore_mem>>) src(%dma_wait3A_779 : memref<16x1024xf32, #tpu.memory_space<vmem>>) dst(%dma_wait3A_775 : memref<16x1024xf32, #tpu.memory_space<hbm>>)
    %add3A_780 = arith.constant 160 : i32
    %add3A_781 = arith.addi %mul3A_2, %add3A_780 : i32
    %iota3A_782 = tpu.iota {dimensions = array<i32: 0>} : vector<16xi32>
    %add3A_783 = vector.broadcast %add3A_781 : i32 to vector<16xi32>
    %add3A_784 = arith.addi %add3A_783, %iota3A_782 : vector<16xi32>
    %and3A_785 = arith.constant 2047 : i32
    %and3A_786 = vector.broadcast %and3A_785 : i32 to vector<16xi32>
    %and3A_787 = arith.andi %add3A_784, %and3A_786 : vector<16xi32>
    %shift_right_arithmetic3A_788 = arith.constant 11 : i32
    %shift_right_arithmetic3A_789 = vector.broadcast %shift_right_arithmetic3A_788 : i32 to vector<16xi32>
    %shift_right_arithmetic3A_790 = arith.shrsi %add3A_784, %shift_right_arithmetic3A_789 : vector<16xi32>
    %mul3A_791 = arith.constant 8192 : i32
    %mul3A_792 = vector.broadcast %mul3A_791 : i32 to vector<16xi32>
    %mul3A_793 = arith.muli %shift_right_arithmetic3A_790, %mul3A_792 : vector<16xi32>
    %mul3A_794 = arith.constant 4 : i32
    %mul3A_795 = vector.broadcast %mul3A_794 : i32 to vector<16xi32>
    %mul3A_796 = arith.muli %and3A_787, %mul3A_795 : vector<16xi32>
    %add3A_797 = arith.addi %mul3A_793, %mul3A_796 : vector<16xi32>
    %add3A_798 = arith.constant 3 : i32
    %add3A_799 = vector.broadcast %add3A_798 : i32 to vector<16xi32>
    %add3A_800 = arith.addi %add3A_797, %add3A_799 : vector<16xi32>
    %sub3A_801 = arith.constant 683 : i32
    %sub3A_802 = vector.broadcast %sub3A_801 : i32 to vector<16xi32>
    %sub3A_803 = arith.subi %and3A_787, %sub3A_802 : vector<16xi32>
    %shift_right_logical3A_804 = arith.constant 31 : i32
    %shift_right_logical3A_805 = vector.broadcast %shift_right_logical3A_804 : i32 to vector<16xi32>
    %shift_right_logical3A_806 = arith.shrui %sub3A_803, %shift_right_logical3A_805 : vector<16xi32>
    %sub3A_807 = arith.subi %add3A_800, %shift_right_logical3A_806 : vector<16xi32>
    %sub3A_808 = arith.constant 1365 : i32
    %sub3A_809 = vector.broadcast %sub3A_808 : i32 to vector<16xi32>
    %sub3A_810 = arith.subi %and3A_787, %sub3A_809 : vector<16xi32>
    %shift_right_logical3A_811 = arith.constant 31 : i32
    %shift_right_logical3A_812 = vector.broadcast %shift_right_logical3A_811 : i32 to vector<16xi32>
    %shift_right_logical3A_813 = arith.shrui %sub3A_810, %shift_right_logical3A_812 : vector<16xi32>
    %sub3A_814 = arith.subi %sub3A_807, %shift_right_logical3A_813 : vector<16xi32>
    %sub3A_815 = arith.constant 2047 : i32
    %sub3A_816 = vector.broadcast %sub3A_815 : i32 to vector<16xi32>
    %sub3A_817 = arith.subi %and3A_787, %sub3A_816 : vector<16xi32>
    %shift_right_logical3A_818 = arith.constant 31 : i32
    %shift_right_logical3A_819 = vector.broadcast %shift_right_logical3A_818 : i32 to vector<16xi32>
    %shift_right_logical3A_820 = arith.shrui %sub3A_817, %shift_right_logical3A_819 : vector<16xi32>
    %sub3A_821 = arith.subi %sub3A_814, %shift_right_logical3A_820 : vector<16xi32>
    %dma_start3A_822 = arith.constant 4 : i32
    %dma_start3A_823 = arith.constant 4 : i32
    %dma_start3A_824 = arith.constant 0 : i32
    %dma_start3A_825 = arith.constant 0 : i32
    %dma_start3A_826 = tpu.memref_slice %arg4[%dma_start3A_822, %dma_start3A_824, %dma_start3A_825] : memref<6x16x1024xf32, #tpu.memory_space<vmem>> -> memref<1x16x1024xf32, #tpu.memory_space<vmem>>
    %dma_start3A_827 = tpu.memref_squeeze %dma_start3A_826 : memref<1x16x1024xf32, #tpu.memory_space<vmem>> -> memref<16x1024xf32, #tpu.memory_space<vmem>>
    %dma_start3A_828 = arith.constant 0 : i32
    %dma_start3A_829 = arith.constant 0 : i32
    %dma_start3A_830 = tpu.memref_slice %arg2[%dma_start3A_828, %dma_start3A_829] : memref<32768x1024xf32, #tpu.memory_space<hbm>> -> memref<32768x1024xf32, #tpu.memory_space<hbm>>
    %dma_start3A_831 = tpu.memref_slice %arg5[%dma_start3A_823] : memref<6x!tpu.dma_semaphore, #tpu.memory_space<semaphore_mem>> -> memref<1x!tpu.dma_semaphore, #tpu.memory_space<semaphore_mem>>
    %dma_start3A_832 = tpu.memref_squeeze %dma_start3A_831 : memref<1x!tpu.dma_semaphore, #tpu.memory_space<semaphore_mem>> -> memref<!tpu.dma_semaphore, #tpu.memory_space<semaphore_mem>>
    tpu.enqueue_indirect_dma source(%dma_start3A_830 : memref<32768x1024xf32, #tpu.memory_space<hbm>>) target(%dma_start3A_827 : memref<16x1024xf32, #tpu.memory_space<vmem>>) offsets(%sub3A_821 : vector<16xi32>) semaphore(%dma_start3A_832 : memref<!tpu.dma_semaphore, #tpu.memory_space<semaphore_mem>>)
    %dma_wait3A_833 = arith.constant 0 : i32
    %dma_wait3A_834 = arith.constant 0 : i32
    %dma_wait3A_835 = arith.constant 0 : i32
    %dma_wait3A_836 = arith.constant 0 : i32
    %dma_wait3A_837 = tpu.memref_slice %arg4[%dma_wait3A_833, %dma_wait3A_835, %dma_wait3A_836] : memref<6x16x1024xf32, #tpu.memory_space<vmem>> -> memref<1x16x1024xf32, #tpu.memory_space<vmem>>
    %dma_wait3A_838 = tpu.memref_squeeze %dma_wait3A_837 : memref<1x16x1024xf32, #tpu.memory_space<vmem>> -> memref<16x1024xf32, #tpu.memory_space<vmem>>
    %dma_wait3A_839 = arith.constant 0 : i32
    %dma_wait3A_840 = arith.constant 0 : i32
    %dma_wait3A_841 = tpu.memref_slice %arg2[%dma_wait3A_839, %dma_wait3A_840] : memref<32768x1024xf32, #tpu.memory_space<hbm>> -> memref<32768x1024xf32, #tpu.memory_space<hbm>>
    %dma_wait3A_842 = tpu.memref_slice %arg5[%dma_wait3A_834] : memref<6x!tpu.dma_semaphore, #tpu.memory_space<semaphore_mem>> -> memref<1x!tpu.dma_semaphore, #tpu.memory_space<semaphore_mem>>
    %dma_wait3A_843 = tpu.memref_squeeze %dma_wait3A_842 : memref<1x!tpu.dma_semaphore, #tpu.memory_space<semaphore_mem>> -> memref<!tpu.dma_semaphore, #tpu.memory_space<semaphore_mem>>
    tpu.wait_indirect_dma semaphore(%dma_wait3A_843 : memref<!tpu.dma_semaphore, #tpu.memory_space<semaphore_mem>>) src(%dma_wait3A_841 : memref<32768x1024xf32, #tpu.memory_space<hbm>>) dst(%dma_wait3A_838 : memref<16x1024xf32, #tpu.memory_space<vmem>>)
    %add3A_844 = arith.constant 96 : i32
    %add3A_845 = arith.addi %mul3A_2, %add3A_844 : i32
    %dma_start3A_846 = arith.constant 0 : i32
    %dma_start3A_847 = arith.constant 0 : i32
    %dma_start3A_848 = arith.constant 0 : i32
    %dma_start3A_849 = arith.constant 0 : i32
    %dma_start3A_850 = tpu.memref_slice %arg4[%dma_start3A_846, %dma_start3A_848, %dma_start3A_849] : memref<6x16x1024xf32, #tpu.memory_space<vmem>> -> memref<1x16x1024xf32, #tpu.memory_space<vmem>>
    %dma_start3A_851 = tpu.memref_squeeze %dma_start3A_850 : memref<1x16x1024xf32, #tpu.memory_space<vmem>> -> memref<16x1024xf32, #tpu.memory_space<vmem>>
    %dma_start3A_852 = arith.constant 0 : i32
    %dma_start3A_853 = tpu.memref_slice %arg3[%add3A_845, %dma_start3A_852] : memref<8192x1024xf32, #tpu.memory_space<hbm>> -> memref<16x1024xf32, #tpu.memory_space<hbm>>
    %dma_start3A_854 = tpu.memref_slice %arg6[%dma_start3A_847] : memref<6x!tpu.dma_semaphore, #tpu.memory_space<semaphore_mem>> -> memref<1x!tpu.dma_semaphore, #tpu.memory_space<semaphore_mem>>
    %dma_start3A_855 = tpu.memref_squeeze %dma_start3A_854 : memref<1x!tpu.dma_semaphore, #tpu.memory_space<semaphore_mem>> -> memref<!tpu.dma_semaphore, #tpu.memory_space<semaphore_mem>>
    %dma_start3A_856 = arith.constant 0 : i32
    %dma_start3A_857 = tpu.memref_slice %arg3[%add3A_845, %dma_start3A_856] : memref<8192x1024xf32, #tpu.memory_space<hbm>> -> memref<16x1024xf32, #tpu.memory_space<hbm>>
    %dma_start3A_858 = arith.constant 0 : i32
    %dma_start3A_859 = arith.constant 0 : i32
    %dma_start3A_860 = tpu.memref_slice %arg4[%dma_start3A_846, %dma_start3A_858, %dma_start3A_859] : memref<6x16x1024xf32, #tpu.memory_space<vmem>> -> memref<1x16x1024xf32, #tpu.memory_space<vmem>>
    %dma_start3A_861 = tpu.memref_squeeze %dma_start3A_860 : memref<1x16x1024xf32, #tpu.memory_space<vmem>> -> memref<16x1024xf32, #tpu.memory_space<vmem>>
    tpu.enqueue_dma source(%dma_start3A_861 : memref<16x1024xf32, #tpu.memory_space<vmem>>) target(%dma_start3A_857 : memref<16x1024xf32, #tpu.memory_space<hbm>>) target_semaphore(%dma_start3A_855 : memref<!tpu.dma_semaphore, #tpu.memory_space<semaphore_mem>>)
    %dma_wait3A_862 = arith.constant 5 : i32
    %dma_wait3A_863 = arith.constant 5 : i32
    %dma_wait3A_864 = arith.constant 0 : i32
    %dma_wait3A_865 = arith.constant 0 : i32
    %dma_wait3A_866 = tpu.memref_slice %arg4[%dma_wait3A_862, %dma_wait3A_864, %dma_wait3A_865] : memref<6x16x1024xf32, #tpu.memory_space<vmem>> -> memref<1x16x1024xf32, #tpu.memory_space<vmem>>
    %dma_wait3A_867 = tpu.memref_squeeze %dma_wait3A_866 : memref<1x16x1024xf32, #tpu.memory_space<vmem>> -> memref<16x1024xf32, #tpu.memory_space<vmem>>
    %dma_wait3A_868 = arith.constant 0 : i32
    %dma_wait3A_869 = tpu.memref_slice %arg3[%add3A_747, %dma_wait3A_868] : memref<8192x1024xf32, #tpu.memory_space<hbm>> -> memref<16x1024xf32, #tpu.memory_space<hbm>>
    %dma_wait3A_870 = tpu.memref_slice %arg6[%dma_wait3A_863] : memref<6x!tpu.dma_semaphore, #tpu.memory_space<semaphore_mem>> -> memref<1x!tpu.dma_semaphore, #tpu.memory_space<semaphore_mem>>
    %dma_wait3A_871 = tpu.memref_squeeze %dma_wait3A_870 : memref<1x!tpu.dma_semaphore, #tpu.memory_space<semaphore_mem>> -> memref<!tpu.dma_semaphore, #tpu.memory_space<semaphore_mem>>
    %dma_wait3A_872 = arith.constant 0 : i32
    %dma_wait3A_873 = tpu.memref_slice %arg3[%add3A_747, %dma_wait3A_872] : memref<8192x1024xf32, #tpu.memory_space<hbm>> -> memref<16x1024xf32, #tpu.memory_space<hbm>>
    %dma_wait3A_874 = arith.constant 0 : i32
    %dma_wait3A_875 = arith.constant 0 : i32
    %dma_wait3A_876 = tpu.memref_slice %arg4[%dma_wait3A_862, %dma_wait3A_874, %dma_wait3A_875] : memref<6x16x1024xf32, #tpu.memory_space<vmem>> -> memref<1x16x1024xf32, #tpu.memory_space<vmem>>
    %dma_wait3A_877 = tpu.memref_squeeze %dma_wait3A_876 : memref<1x16x1024xf32, #tpu.memory_space<vmem>> -> memref<16x1024xf32, #tpu.memory_space<vmem>>
    tpu.wait_dma2 semaphore(%dma_wait3A_871 : memref<!tpu.dma_semaphore, #tpu.memory_space<semaphore_mem>>) src(%dma_wait3A_877 : memref<16x1024xf32, #tpu.memory_space<vmem>>) dst(%dma_wait3A_873 : memref<16x1024xf32, #tpu.memory_space<hbm>>)
    %add3A_878 = arith.constant 176 : i32
    %add3A_879 = arith.addi %mul3A_2, %add3A_878 : i32
    %iota3A_880 = tpu.iota {dimensions = array<i32: 0>} : vector<16xi32>
    %add3A_881 = vector.broadcast %add3A_879 : i32 to vector<16xi32>
    %add3A_882 = arith.addi %add3A_881, %iota3A_880 : vector<16xi32>
    %and3A_883 = arith.constant 2047 : i32
    %and3A_884 = vector.broadcast %and3A_883 : i32 to vector<16xi32>
    %and3A_885 = arith.andi %add3A_882, %and3A_884 : vector<16xi32>
    %shift_right_arithmetic3A_886 = arith.constant 11 : i32
    %shift_right_arithmetic3A_887 = vector.broadcast %shift_right_arithmetic3A_886 : i32 to vector<16xi32>
    %shift_right_arithmetic3A_888 = arith.shrsi %add3A_882, %shift_right_arithmetic3A_887 : vector<16xi32>
    %mul3A_889 = arith.constant 8192 : i32
    %mul3A_890 = vector.broadcast %mul3A_889 : i32 to vector<16xi32>
    %mul3A_891 = arith.muli %shift_right_arithmetic3A_888, %mul3A_890 : vector<16xi32>
    %mul3A_892 = arith.constant 4 : i32
    %mul3A_893 = vector.broadcast %mul3A_892 : i32 to vector<16xi32>
    %mul3A_894 = arith.muli %and3A_885, %mul3A_893 : vector<16xi32>
    %add3A_895 = arith.addi %mul3A_891, %mul3A_894 : vector<16xi32>
    %add3A_896 = arith.constant 3 : i32
    %add3A_897 = vector.broadcast %add3A_896 : i32 to vector<16xi32>
    %add3A_898 = arith.addi %add3A_895, %add3A_897 : vector<16xi32>
    %sub3A_899 = arith.constant 683 : i32
    %sub3A_900 = vector.broadcast %sub3A_899 : i32 to vector<16xi32>
    %sub3A_901 = arith.subi %and3A_885, %sub3A_900 : vector<16xi32>
    %shift_right_logical3A_902 = arith.constant 31 : i32
    %shift_right_logical3A_903 = vector.broadcast %shift_right_logical3A_902 : i32 to vector<16xi32>
    %shift_right_logical3A_904 = arith.shrui %sub3A_901, %shift_right_logical3A_903 : vector<16xi32>
    %sub3A_905 = arith.subi %add3A_898, %shift_right_logical3A_904 : vector<16xi32>
    %sub3A_906 = arith.constant 1365 : i32
    %sub3A_907 = vector.broadcast %sub3A_906 : i32 to vector<16xi32>
    %sub3A_908 = arith.subi %and3A_885, %sub3A_907 : vector<16xi32>
    %shift_right_logical3A_909 = arith.constant 31 : i32
    %shift_right_logical3A_910 = vector.broadcast %shift_right_logical3A_909 : i32 to vector<16xi32>
    %shift_right_logical3A_911 = arith.shrui %sub3A_908, %shift_right_logical3A_910 : vector<16xi32>
    %sub3A_912 = arith.subi %sub3A_905, %shift_right_logical3A_911 : vector<16xi32>
    %sub3A_913 = arith.constant 2047 : i32
    %sub3A_914 = vector.broadcast %sub3A_913 : i32 to vector<16xi32>
    %sub3A_915 = arith.subi %and3A_885, %sub3A_914 : vector<16xi32>
    %shift_right_logical3A_916 = arith.constant 31 : i32
    %shift_right_logical3A_917 = vector.broadcast %shift_right_logical3A_916 : i32 to vector<16xi32>
    %shift_right_logical3A_918 = arith.shrui %sub3A_915, %shift_right_logical3A_917 : vector<16xi32>
    %sub3A_919 = arith.subi %sub3A_912, %shift_right_logical3A_918 : vector<16xi32>
    %dma_start3A_920 = arith.constant 5 : i32
    %dma_start3A_921 = arith.constant 5 : i32
    %dma_start3A_922 = arith.constant 0 : i32
    %dma_start3A_923 = arith.constant 0 : i32
    %dma_start3A_924 = tpu.memref_slice %arg4[%dma_start3A_920, %dma_start3A_922, %dma_start3A_923] : memref<6x16x1024xf32, #tpu.memory_space<vmem>> -> memref<1x16x1024xf32, #tpu.memory_space<vmem>>
    %dma_start3A_925 = tpu.memref_squeeze %dma_start3A_924 : memref<1x16x1024xf32, #tpu.memory_space<vmem>> -> memref<16x1024xf32, #tpu.memory_space<vmem>>
    %dma_start3A_926 = arith.constant 0 : i32
    %dma_start3A_927 = arith.constant 0 : i32
    %dma_start3A_928 = tpu.memref_slice %arg2[%dma_start3A_926, %dma_start3A_927] : memref<32768x1024xf32, #tpu.memory_space<hbm>> -> memref<32768x1024xf32, #tpu.memory_space<hbm>>
    %dma_start3A_929 = tpu.memref_slice %arg5[%dma_start3A_921] : memref<6x!tpu.dma_semaphore, #tpu.memory_space<semaphore_mem>> -> memref<1x!tpu.dma_semaphore, #tpu.memory_space<semaphore_mem>>
    %dma_start3A_930 = tpu.memref_squeeze %dma_start3A_929 : memref<1x!tpu.dma_semaphore, #tpu.memory_space<semaphore_mem>> -> memref<!tpu.dma_semaphore, #tpu.memory_space<semaphore_mem>>
    tpu.enqueue_indirect_dma source(%dma_start3A_928 : memref<32768x1024xf32, #tpu.memory_space<hbm>>) target(%dma_start3A_925 : memref<16x1024xf32, #tpu.memory_space<vmem>>) offsets(%sub3A_919 : vector<16xi32>) semaphore(%dma_start3A_930 : memref<!tpu.dma_semaphore, #tpu.memory_space<semaphore_mem>>)
    %dma_wait3A_931 = arith.constant 1 : i32
    %dma_wait3A_932 = arith.constant 1 : i32
    %dma_wait3A_933 = arith.constant 0 : i32
    %dma_wait3A_934 = arith.constant 0 : i32
    %dma_wait3A_935 = tpu.memref_slice %arg4[%dma_wait3A_931, %dma_wait3A_933, %dma_wait3A_934] : memref<6x16x1024xf32, #tpu.memory_space<vmem>> -> memref<1x16x1024xf32, #tpu.memory_space<vmem>>
    %dma_wait3A_936 = tpu.memref_squeeze %dma_wait3A_935 : memref<1x16x1024xf32, #tpu.memory_space<vmem>> -> memref<16x1024xf32, #tpu.memory_space<vmem>>
    %dma_wait3A_937 = arith.constant 0 : i32
    %dma_wait3A_938 = arith.constant 0 : i32
    %dma_wait3A_939 = tpu.memref_slice %arg2[%dma_wait3A_937, %dma_wait3A_938] : memref<32768x1024xf32, #tpu.memory_space<hbm>> -> memref<32768x1024xf32, #tpu.memory_space<hbm>>
    %dma_wait3A_940 = tpu.memref_slice %arg5[%dma_wait3A_932] : memref<6x!tpu.dma_semaphore, #tpu.memory_space<semaphore_mem>> -> memref<1x!tpu.dma_semaphore, #tpu.memory_space<semaphore_mem>>
    %dma_wait3A_941 = tpu.memref_squeeze %dma_wait3A_940 : memref<1x!tpu.dma_semaphore, #tpu.memory_space<semaphore_mem>> -> memref<!tpu.dma_semaphore, #tpu.memory_space<semaphore_mem>>
    tpu.wait_indirect_dma semaphore(%dma_wait3A_941 : memref<!tpu.dma_semaphore, #tpu.memory_space<semaphore_mem>>) src(%dma_wait3A_939 : memref<32768x1024xf32, #tpu.memory_space<hbm>>) dst(%dma_wait3A_936 : memref<16x1024xf32, #tpu.memory_space<vmem>>)
    %add3A_942 = arith.constant 112 : i32
    %add3A_943 = arith.addi %mul3A_2, %add3A_942 : i32
    %dma_start3A_944 = arith.constant 1 : i32
    %dma_start3A_945 = arith.constant 1 : i32
    %dma_start3A_946 = arith.constant 0 : i32
    %dma_start3A_947 = arith.constant 0 : i32
    %dma_start3A_948 = tpu.memref_slice %arg4[%dma_start3A_944, %dma_start3A_946, %dma_start3A_947] : memref<6x16x1024xf32, #tpu.memory_space<vmem>> -> memref<1x16x1024xf32, #tpu.memory_space<vmem>>
    %dma_start3A_949 = tpu.memref_squeeze %dma_start3A_948 : memref<1x16x1024xf32, #tpu.memory_space<vmem>> -> memref<16x1024xf32, #tpu.memory_space<vmem>>
    %dma_start3A_950 = arith.constant 0 : i32
    %dma_start3A_951 = tpu.memref_slice %arg3[%add3A_943, %dma_start3A_950] : memref<8192x1024xf32, #tpu.memory_space<hbm>> -> memref<16x1024xf32, #tpu.memory_space<hbm>>
    %dma_start3A_952 = tpu.memref_slice %arg6[%dma_start3A_945] : memref<6x!tpu.dma_semaphore, #tpu.memory_space<semaphore_mem>> -> memref<1x!tpu.dma_semaphore, #tpu.memory_space<semaphore_mem>>
    %dma_start3A_953 = tpu.memref_squeeze %dma_start3A_952 : memref<1x!tpu.dma_semaphore, #tpu.memory_space<semaphore_mem>> -> memref<!tpu.dma_semaphore, #tpu.memory_space<semaphore_mem>>
    %dma_start3A_954 = arith.constant 0 : i32
    %dma_start3A_955 = tpu.memref_slice %arg3[%add3A_943, %dma_start3A_954] : memref<8192x1024xf32, #tpu.memory_space<hbm>> -> memref<16x1024xf32, #tpu.memory_space<hbm>>
    %dma_start3A_956 = arith.constant 0 : i32
    %dma_start3A_957 = arith.constant 0 : i32
    %dma_start3A_958 = tpu.memref_slice %arg4[%dma_start3A_944, %dma_start3A_956, %dma_start3A_957] : memref<6x16x1024xf32, #tpu.memory_space<vmem>> -> memref<1x16x1024xf32, #tpu.memory_space<vmem>>
    %dma_start3A_959 = tpu.memref_squeeze %dma_start3A_958 : memref<1x16x1024xf32, #tpu.memory_space<vmem>> -> memref<16x1024xf32, #tpu.memory_space<vmem>>
    tpu.enqueue_dma source(%dma_start3A_959 : memref<16x1024xf32, #tpu.memory_space<vmem>>) target(%dma_start3A_955 : memref<16x1024xf32, #tpu.memory_space<hbm>>) target_semaphore(%dma_start3A_953 : memref<!tpu.dma_semaphore, #tpu.memory_space<semaphore_mem>>)
    %dma_wait3A_960 = arith.constant 0 : i32
    %dma_wait3A_961 = arith.constant 0 : i32
    %dma_wait3A_962 = arith.constant 0 : i32
    %dma_wait3A_963 = arith.constant 0 : i32
    %dma_wait3A_964 = tpu.memref_slice %arg4[%dma_wait3A_960, %dma_wait3A_962, %dma_wait3A_963] : memref<6x16x1024xf32, #tpu.memory_space<vmem>> -> memref<1x16x1024xf32, #tpu.memory_space<vmem>>
    %dma_wait3A_965 = tpu.memref_squeeze %dma_wait3A_964 : memref<1x16x1024xf32, #tpu.memory_space<vmem>> -> memref<16x1024xf32, #tpu.memory_space<vmem>>
    %dma_wait3A_966 = arith.constant 0 : i32
    %dma_wait3A_967 = tpu.memref_slice %arg3[%add3A_845, %dma_wait3A_966] : memref<8192x1024xf32, #tpu.memory_space<hbm>> -> memref<16x1024xf32, #tpu.memory_space<hbm>>
    %dma_wait3A_968 = tpu.memref_slice %arg6[%dma_wait3A_961] : memref<6x!tpu.dma_semaphore, #tpu.memory_space<semaphore_mem>> -> memref<1x!tpu.dma_semaphore, #tpu.memory_space<semaphore_mem>>
    %dma_wait3A_969 = tpu.memref_squeeze %dma_wait3A_968 : memref<1x!tpu.dma_semaphore, #tpu.memory_space<semaphore_mem>> -> memref<!tpu.dma_semaphore, #tpu.memory_space<semaphore_mem>>
    %dma_wait3A_970 = arith.constant 0 : i32
    %dma_wait3A_971 = tpu.memref_slice %arg3[%add3A_845, %dma_wait3A_970] : memref<8192x1024xf32, #tpu.memory_space<hbm>> -> memref<16x1024xf32, #tpu.memory_space<hbm>>
    %dma_wait3A_972 = arith.constant 0 : i32
    %dma_wait3A_973 = arith.constant 0 : i32
    %dma_wait3A_974 = tpu.memref_slice %arg4[%dma_wait3A_960, %dma_wait3A_972, %dma_wait3A_973] : memref<6x16x1024xf32, #tpu.memory_space<vmem>> -> memref<1x16x1024xf32, #tpu.memory_space<vmem>>
    %dma_wait3A_975 = tpu.memref_squeeze %dma_wait3A_974 : memref<1x16x1024xf32, #tpu.memory_space<vmem>> -> memref<16x1024xf32, #tpu.memory_space<vmem>>
    tpu.wait_dma2 semaphore(%dma_wait3A_969 : memref<!tpu.dma_semaphore, #tpu.memory_space<semaphore_mem>>) src(%dma_wait3A_975 : memref<16x1024xf32, #tpu.memory_space<vmem>>) dst(%dma_wait3A_971 : memref<16x1024xf32, #tpu.memory_space<hbm>>)
    %add3A_976 = arith.constant 192 : i32
    %add3A_977 = arith.addi %mul3A_2, %add3A_976 : i32
    %iota3A_978 = tpu.iota {dimensions = array<i32: 0>} : vector<16xi32>
    %add3A_979 = vector.broadcast %add3A_977 : i32 to vector<16xi32>
    %add3A_980 = arith.addi %add3A_979, %iota3A_978 : vector<16xi32>
    %and3A_981 = arith.constant 2047 : i32
    %and3A_982 = vector.broadcast %and3A_981 : i32 to vector<16xi32>
    %and3A_983 = arith.andi %add3A_980, %and3A_982 : vector<16xi32>
    %shift_right_arithmetic3A_984 = arith.constant 11 : i32
    %shift_right_arithmetic3A_985 = vector.broadcast %shift_right_arithmetic3A_984 : i32 to vector<16xi32>
    %shift_right_arithmetic3A_986 = arith.shrsi %add3A_980, %shift_right_arithmetic3A_985 : vector<16xi32>
    %mul3A_987 = arith.constant 8192 : i32
    %mul3A_988 = vector.broadcast %mul3A_987 : i32 to vector<16xi32>
    %mul3A_989 = arith.muli %shift_right_arithmetic3A_986, %mul3A_988 : vector<16xi32>
    %mul3A_990 = arith.constant 4 : i32
    %mul3A_991 = vector.broadcast %mul3A_990 : i32 to vector<16xi32>
    %mul3A_992 = arith.muli %and3A_983, %mul3A_991 : vector<16xi32>
    %add3A_993 = arith.addi %mul3A_989, %mul3A_992 : vector<16xi32>
    %add3A_994 = arith.constant 3 : i32
    %add3A_995 = vector.broadcast %add3A_994 : i32 to vector<16xi32>
    %add3A_996 = arith.addi %add3A_993, %add3A_995 : vector<16xi32>
    %sub3A_997 = arith.constant 683 : i32
    %sub3A_998 = vector.broadcast %sub3A_997 : i32 to vector<16xi32>
    %sub3A_999 = arith.subi %and3A_983, %sub3A_998 : vector<16xi32>
    %shift_right_logical3A_1000 = arith.constant 31 : i32
    %shift_right_logical3A_1001 = vector.broadcast %shift_right_logical3A_1000 : i32 to vector<16xi32>
    %shift_right_logical3A_1002 = arith.shrui %sub3A_999, %shift_right_logical3A_1001 : vector<16xi32>
    %sub3A_1003 = arith.subi %add3A_996, %shift_right_logical3A_1002 : vector<16xi32>
    %sub3A_1004 = arith.constant 1365 : i32
    %sub3A_1005 = vector.broadcast %sub3A_1004 : i32 to vector<16xi32>
    %sub3A_1006 = arith.subi %and3A_983, %sub3A_1005 : vector<16xi32>
    %shift_right_logical3A_1007 = arith.constant 31 : i32
    %shift_right_logical3A_1008 = vector.broadcast %shift_right_logical3A_1007 : i32 to vector<16xi32>
    %shift_right_logical3A_1009 = arith.shrui %sub3A_1006, %shift_right_logical3A_1008 : vector<16xi32>
    %sub3A_1010 = arith.subi %sub3A_1003, %shift_right_logical3A_1009 : vector<16xi32>
    %sub3A_1011 = arith.constant 2047 : i32
    %sub3A_1012 = vector.broadcast %sub3A_1011 : i32 to vector<16xi32>
    %sub3A_1013 = arith.subi %and3A_983, %sub3A_1012 : vector<16xi32>
    %shift_right_logical3A_1014 = arith.constant 31 : i32
    %shift_right_logical3A_1015 = vector.broadcast %shift_right_logical3A_1014 : i32 to vector<16xi32>
    %shift_right_logical3A_1016 = arith.shrui %sub3A_1013, %shift_right_logical3A_1015 : vector<16xi32>
    %sub3A_1017 = arith.subi %sub3A_1010, %shift_right_logical3A_1016 : vector<16xi32>
    %dma_start3A_1018 = arith.constant 0 : i32
    %dma_start3A_1019 = arith.constant 0 : i32
    %dma_start3A_1020 = arith.constant 0 : i32
    %dma_start3A_1021 = arith.constant 0 : i32
    %dma_start3A_1022 = tpu.memref_slice %arg4[%dma_start3A_1018, %dma_start3A_1020, %dma_start3A_1021] : memref<6x16x1024xf32, #tpu.memory_space<vmem>> -> memref<1x16x1024xf32, #tpu.memory_space<vmem>>
    %dma_start3A_1023 = tpu.memref_squeeze %dma_start3A_1022 : memref<1x16x1024xf32, #tpu.memory_space<vmem>> -> memref<16x1024xf32, #tpu.memory_space<vmem>>
    %dma_start3A_1024 = arith.constant 0 : i32
    %dma_start3A_1025 = arith.constant 0 : i32
    %dma_start3A_1026 = tpu.memref_slice %arg2[%dma_start3A_1024, %dma_start3A_1025] : memref<32768x1024xf32, #tpu.memory_space<hbm>> -> memref<32768x1024xf32, #tpu.memory_space<hbm>>
    %dma_start3A_1027 = tpu.memref_slice %arg5[%dma_start3A_1019] : memref<6x!tpu.dma_semaphore, #tpu.memory_space<semaphore_mem>> -> memref<1x!tpu.dma_semaphore, #tpu.memory_space<semaphore_mem>>
    %dma_start3A_1028 = tpu.memref_squeeze %dma_start3A_1027 : memref<1x!tpu.dma_semaphore, #tpu.memory_space<semaphore_mem>> -> memref<!tpu.dma_semaphore, #tpu.memory_space<semaphore_mem>>
    tpu.enqueue_indirect_dma source(%dma_start3A_1026 : memref<32768x1024xf32, #tpu.memory_space<hbm>>) target(%dma_start3A_1023 : memref<16x1024xf32, #tpu.memory_space<vmem>>) offsets(%sub3A_1017 : vector<16xi32>) semaphore(%dma_start3A_1028 : memref<!tpu.dma_semaphore, #tpu.memory_space<semaphore_mem>>)
    %dma_wait3A_1029 = arith.constant 2 : i32
    %dma_wait3A_1030 = arith.constant 2 : i32
    %dma_wait3A_1031 = arith.constant 0 : i32
    %dma_wait3A_1032 = arith.constant 0 : i32
    %dma_wait3A_1033 = tpu.memref_slice %arg4[%dma_wait3A_1029, %dma_wait3A_1031, %dma_wait3A_1032] : memref<6x16x1024xf32, #tpu.memory_space<vmem>> -> memref<1x16x1024xf32, #tpu.memory_space<vmem>>
    %dma_wait3A_1034 = tpu.memref_squeeze %dma_wait3A_1033 : memref<1x16x1024xf32, #tpu.memory_space<vmem>> -> memref<16x1024xf32, #tpu.memory_space<vmem>>
    %dma_wait3A_1035 = arith.constant 0 : i32
    %dma_wait3A_1036 = arith.constant 0 : i32
    %dma_wait3A_1037 = tpu.memref_slice %arg2[%dma_wait3A_1035, %dma_wait3A_1036] : memref<32768x1024xf32, #tpu.memory_space<hbm>> -> memref<32768x1024xf32, #tpu.memory_space<hbm>>
    %dma_wait3A_1038 = tpu.memref_slice %arg5[%dma_wait3A_1030] : memref<6x!tpu.dma_semaphore, #tpu.memory_space<semaphore_mem>> -> memref<1x!tpu.dma_semaphore, #tpu.memory_space<semaphore_mem>>
    %dma_wait3A_1039 = tpu.memref_squeeze %dma_wait3A_1038 : memref<1x!tpu.dma_semaphore, #tpu.memory_space<semaphore_mem>> -> memref<!tpu.dma_semaphore, #tpu.memory_space<semaphore_mem>>
    tpu.wait_indirect_dma semaphore(%dma_wait3A_1039 : memref<!tpu.dma_semaphore, #tpu.memory_space<semaphore_mem>>) src(%dma_wait3A_1037 : memref<32768x1024xf32, #tpu.memory_space<hbm>>) dst(%dma_wait3A_1034 : memref<16x1024xf32, #tpu.memory_space<vmem>>)
    %add3A_1040 = arith.constant 128 : i32
    %add3A_1041 = arith.addi %mul3A_2, %add3A_1040 : i32
    %dma_start3A_1042 = arith.constant 2 : i32
    %dma_start3A_1043 = arith.constant 2 : i32
    %dma_start3A_1044 = arith.constant 0 : i32
    %dma_start3A_1045 = arith.constant 0 : i32
    %dma_start3A_1046 = tpu.memref_slice %arg4[%dma_start3A_1042, %dma_start3A_1044, %dma_start3A_1045] : memref<6x16x1024xf32, #tpu.memory_space<vmem>> -> memref<1x16x1024xf32, #tpu.memory_space<vmem>>
    %dma_start3A_1047 = tpu.memref_squeeze %dma_start3A_1046 : memref<1x16x1024xf32, #tpu.memory_space<vmem>> -> memref<16x1024xf32, #tpu.memory_space<vmem>>
    %dma_start3A_1048 = arith.constant 0 : i32
    %dma_start3A_1049 = tpu.memref_slice %arg3[%add3A_1041, %dma_start3A_1048] : memref<8192x1024xf32, #tpu.memory_space<hbm>> -> memref<16x1024xf32, #tpu.memory_space<hbm>>
    %dma_start3A_1050 = tpu.memref_slice %arg6[%dma_start3A_1043] : memref<6x!tpu.dma_semaphore, #tpu.memory_space<semaphore_mem>> -> memref<1x!tpu.dma_semaphore, #tpu.memory_space<semaphore_mem>>
    %dma_start3A_1051 = tpu.memref_squeeze %dma_start3A_1050 : memref<1x!tpu.dma_semaphore, #tpu.memory_space<semaphore_mem>> -> memref<!tpu.dma_semaphore, #tpu.memory_space<semaphore_mem>>
    %dma_start3A_1052 = arith.constant 0 : i32
    %dma_start3A_1053 = tpu.memref_slice %arg3[%add3A_1041, %dma_start3A_1052] : memref<8192x1024xf32, #tpu.memory_space<hbm>> -> memref<16x1024xf32, #tpu.memory_space<hbm>>
    %dma_start3A_1054 = arith.constant 0 : i32
    %dma_start3A_1055 = arith.constant 0 : i32
    %dma_start3A_1056 = tpu.memref_slice %arg4[%dma_start3A_1042, %dma_start3A_1054, %dma_start3A_1055] : memref<6x16x1024xf32, #tpu.memory_space<vmem>> -> memref<1x16x1024xf32, #tpu.memory_space<vmem>>
    %dma_start3A_1057 = tpu.memref_squeeze %dma_start3A_1056 : memref<1x16x1024xf32, #tpu.memory_space<vmem>> -> memref<16x1024xf32, #tpu.memory_space<vmem>>
    tpu.enqueue_dma source(%dma_start3A_1057 : memref<16x1024xf32, #tpu.memory_space<vmem>>) target(%dma_start3A_1053 : memref<16x1024xf32, #tpu.memory_space<hbm>>) target_semaphore(%dma_start3A_1051 : memref<!tpu.dma_semaphore, #tpu.memory_space<semaphore_mem>>)
    %dma_wait3A_1058 = arith.constant 1 : i32
    %dma_wait3A_1059 = arith.constant 1 : i32
    %dma_wait3A_1060 = arith.constant 0 : i32
    %dma_wait3A_1061 = arith.constant 0 : i32
    %dma_wait3A_1062 = tpu.memref_slice %arg4[%dma_wait3A_1058, %dma_wait3A_1060, %dma_wait3A_1061] : memref<6x16x1024xf32, #tpu.memory_space<vmem>> -> memref<1x16x1024xf32, #tpu.memory_space<vmem>>
    %dma_wait3A_1063 = tpu.memref_squeeze %dma_wait3A_1062 : memref<1x16x1024xf32, #tpu.memory_space<vmem>> -> memref<16x1024xf32, #tpu.memory_space<vmem>>
    %dma_wait3A_1064 = arith.constant 0 : i32
    %dma_wait3A_1065 = tpu.memref_slice %arg3[%add3A_943, %dma_wait3A_1064] : memref<8192x1024xf32, #tpu.memory_space<hbm>> -> memref<16x1024xf32, #tpu.memory_space<hbm>>
    %dma_wait3A_1066 = tpu.memref_slice %arg6[%dma_wait3A_1059] : memref<6x!tpu.dma_semaphore, #tpu.memory_space<semaphore_mem>> -> memref<1x!tpu.dma_semaphore, #tpu.memory_space<semaphore_mem>>
    %dma_wait3A_1067 = tpu.memref_squeeze %dma_wait3A_1066 : memref<1x!tpu.dma_semaphore, #tpu.memory_space<semaphore_mem>> -> memref<!tpu.dma_semaphore, #tpu.memory_space<semaphore_mem>>
    %dma_wait3A_1068 = arith.constant 0 : i32
    %dma_wait3A_1069 = tpu.memref_slice %arg3[%add3A_943, %dma_wait3A_1068] : memref<8192x1024xf32, #tpu.memory_space<hbm>> -> memref<16x1024xf32, #tpu.memory_space<hbm>>
    %dma_wait3A_1070 = arith.constant 0 : i32
    %dma_wait3A_1071 = arith.constant 0 : i32
    %dma_wait3A_1072 = tpu.memref_slice %arg4[%dma_wait3A_1058, %dma_wait3A_1070, %dma_wait3A_1071] : memref<6x16x1024xf32, #tpu.memory_space<vmem>> -> memref<1x16x1024xf32, #tpu.memory_space<vmem>>
    %dma_wait3A_1073 = tpu.memref_squeeze %dma_wait3A_1072 : memref<1x16x1024xf32, #tpu.memory_space<vmem>> -> memref<16x1024xf32, #tpu.memory_space<vmem>>
    tpu.wait_dma2 semaphore(%dma_wait3A_1067 : memref<!tpu.dma_semaphore, #tpu.memory_space<semaphore_mem>>) src(%dma_wait3A_1073 : memref<16x1024xf32, #tpu.memory_space<vmem>>) dst(%dma_wait3A_1069 : memref<16x1024xf32, #tpu.memory_space<hbm>>)
    %add3A_1074 = arith.constant 208 : i32
    %add3A_1075 = arith.addi %mul3A_2, %add3A_1074 : i32
    %iota3A_1076 = tpu.iota {dimensions = array<i32: 0>} : vector<16xi32>
    %add3A_1077 = vector.broadcast %add3A_1075 : i32 to vector<16xi32>
    %add3A_1078 = arith.addi %add3A_1077, %iota3A_1076 : vector<16xi32>
    %and3A_1079 = arith.constant 2047 : i32
    %and3A_1080 = vector.broadcast %and3A_1079 : i32 to vector<16xi32>
    %and3A_1081 = arith.andi %add3A_1078, %and3A_1080 : vector<16xi32>
    %shift_right_arithmetic3A_1082 = arith.constant 11 : i32
    %shift_right_arithmetic3A_1083 = vector.broadcast %shift_right_arithmetic3A_1082 : i32 to vector<16xi32>
    %shift_right_arithmetic3A_1084 = arith.shrsi %add3A_1078, %shift_right_arithmetic3A_1083 : vector<16xi32>
    %mul3A_1085 = arith.constant 8192 : i32
    %mul3A_1086 = vector.broadcast %mul3A_1085 : i32 to vector<16xi32>
    %mul3A_1087 = arith.muli %shift_right_arithmetic3A_1084, %mul3A_1086 : vector<16xi32>
    %mul3A_1088 = arith.constant 4 : i32
    %mul3A_1089 = vector.broadcast %mul3A_1088 : i32 to vector<16xi32>
    %mul3A_1090 = arith.muli %and3A_1081, %mul3A_1089 : vector<16xi32>
    %add3A_1091 = arith.addi %mul3A_1087, %mul3A_1090 : vector<16xi32>
    %add3A_1092 = arith.constant 3 : i32
    %add3A_1093 = vector.broadcast %add3A_1092 : i32 to vector<16xi32>
    %add3A_1094 = arith.addi %add3A_1091, %add3A_1093 : vector<16xi32>
    %sub3A_1095 = arith.constant 683 : i32
    %sub3A_1096 = vector.broadcast %sub3A_1095 : i32 to vector<16xi32>
    %sub3A_1097 = arith.subi %and3A_1081, %sub3A_1096 : vector<16xi32>
    %shift_right_logical3A_1098 = arith.constant 31 : i32
    %shift_right_logical3A_1099 = vector.broadcast %shift_right_logical3A_1098 : i32 to vector<16xi32>
    %shift_right_logical3A_1100 = arith.shrui %sub3A_1097, %shift_right_logical3A_1099 : vector<16xi32>
    %sub3A_1101 = arith.subi %add3A_1094, %shift_right_logical3A_1100 : vector<16xi32>
    %sub3A_1102 = arith.constant 1365 : i32
    %sub3A_1103 = vector.broadcast %sub3A_1102 : i32 to vector<16xi32>
    %sub3A_1104 = arith.subi %and3A_1081, %sub3A_1103 : vector<16xi32>
    %shift_right_logical3A_1105 = arith.constant 31 : i32
    %shift_right_logical3A_1106 = vector.broadcast %shift_right_logical3A_1105 : i32 to vector<16xi32>
    %shift_right_logical3A_1107 = arith.shrui %sub3A_1104, %shift_right_logical3A_1106 : vector<16xi32>
    %sub3A_1108 = arith.subi %sub3A_1101, %shift_right_logical3A_1107 : vector<16xi32>
    %sub3A_1109 = arith.constant 2047 : i32
    %sub3A_1110 = vector.broadcast %sub3A_1109 : i32 to vector<16xi32>
    %sub3A_1111 = arith.subi %and3A_1081, %sub3A_1110 : vector<16xi32>
    %shift_right_logical3A_1112 = arith.constant 31 : i32
    %shift_right_logical3A_1113 = vector.broadcast %shift_right_logical3A_1112 : i32 to vector<16xi32>
    %shift_right_logical3A_1114 = arith.shrui %sub3A_1111, %shift_right_logical3A_1113 : vector<16xi32>
    %sub3A_1115 = arith.subi %sub3A_1108, %shift_right_logical3A_1114 : vector<16xi32>
    %dma_start3A_1116 = arith.constant 1 : i32
    %dma_start3A_1117 = arith.constant 1 : i32
    %dma_start3A_1118 = arith.constant 0 : i32
    %dma_start3A_1119 = arith.constant 0 : i32
    %dma_start3A_1120 = tpu.memref_slice %arg4[%dma_start3A_1116, %dma_start3A_1118, %dma_start3A_1119] : memref<6x16x1024xf32, #tpu.memory_space<vmem>> -> memref<1x16x1024xf32, #tpu.memory_space<vmem>>
    %dma_start3A_1121 = tpu.memref_squeeze %dma_start3A_1120 : memref<1x16x1024xf32, #tpu.memory_space<vmem>> -> memref<16x1024xf32, #tpu.memory_space<vmem>>
    %dma_start3A_1122 = arith.constant 0 : i32
    %dma_start3A_1123 = arith.constant 0 : i32
    %dma_start3A_1124 = tpu.memref_slice %arg2[%dma_start3A_1122, %dma_start3A_1123] : memref<32768x1024xf32, #tpu.memory_space<hbm>> -> memref<32768x1024xf32, #tpu.memory_space<hbm>>
    %dma_start3A_1125 = tpu.memref_slice %arg5[%dma_start3A_1117] : memref<6x!tpu.dma_semaphore, #tpu.memory_space<semaphore_mem>> -> memref<1x!tpu.dma_semaphore, #tpu.memory_space<semaphore_mem>>
    %dma_start3A_1126 = tpu.memref_squeeze %dma_start3A_1125 : memref<1x!tpu.dma_semaphore, #tpu.memory_space<semaphore_mem>> -> memref<!tpu.dma_semaphore, #tpu.memory_space<semaphore_mem>>
    tpu.enqueue_indirect_dma source(%dma_start3A_1124 : memref<32768x1024xf32, #tpu.memory_space<hbm>>) target(%dma_start3A_1121 : memref<16x1024xf32, #tpu.memory_space<vmem>>) offsets(%sub3A_1115 : vector<16xi32>) semaphore(%dma_start3A_1126 : memref<!tpu.dma_semaphore, #tpu.memory_space<semaphore_mem>>)
    %dma_wait3A_1127 = arith.constant 3 : i32
    %dma_wait3A_1128 = arith.constant 3 : i32
    %dma_wait3A_1129 = arith.constant 0 : i32
    %dma_wait3A_1130 = arith.constant 0 : i32
    %dma_wait3A_1131 = tpu.memref_slice %arg4[%dma_wait3A_1127, %dma_wait3A_1129, %dma_wait3A_1130] : memref<6x16x1024xf32, #tpu.memory_space<vmem>> -> memref<1x16x1024xf32, #tpu.memory_space<vmem>>
    %dma_wait3A_1132 = tpu.memref_squeeze %dma_wait3A_1131 : memref<1x16x1024xf32, #tpu.memory_space<vmem>> -> memref<16x1024xf32, #tpu.memory_space<vmem>>
    %dma_wait3A_1133 = arith.constant 0 : i32
    %dma_wait3A_1134 = arith.constant 0 : i32
    %dma_wait3A_1135 = tpu.memref_slice %arg2[%dma_wait3A_1133, %dma_wait3A_1134] : memref<32768x1024xf32, #tpu.memory_space<hbm>> -> memref<32768x1024xf32, #tpu.memory_space<hbm>>
    %dma_wait3A_1136 = tpu.memref_slice %arg5[%dma_wait3A_1128] : memref<6x!tpu.dma_semaphore, #tpu.memory_space<semaphore_mem>> -> memref<1x!tpu.dma_semaphore, #tpu.memory_space<semaphore_mem>>
    %dma_wait3A_1137 = tpu.memref_squeeze %dma_wait3A_1136 : memref<1x!tpu.dma_semaphore, #tpu.memory_space<semaphore_mem>> -> memref<!tpu.dma_semaphore, #tpu.memory_space<semaphore_mem>>
    tpu.wait_indirect_dma semaphore(%dma_wait3A_1137 : memref<!tpu.dma_semaphore, #tpu.memory_space<semaphore_mem>>) src(%dma_wait3A_1135 : memref<32768x1024xf32, #tpu.memory_space<hbm>>) dst(%dma_wait3A_1132 : memref<16x1024xf32, #tpu.memory_space<vmem>>)
    %add3A_1138 = arith.constant 144 : i32
    %add3A_1139 = arith.addi %mul3A_2, %add3A_1138 : i32
    %dma_start3A_1140 = arith.constant 3 : i32
    %dma_start3A_1141 = arith.constant 3 : i32
    %dma_start3A_1142 = arith.constant 0 : i32
    %dma_start3A_1143 = arith.constant 0 : i32
    %dma_start3A_1144 = tpu.memref_slice %arg4[%dma_start3A_1140, %dma_start3A_1142, %dma_start3A_1143] : memref<6x16x1024xf32, #tpu.memory_space<vmem>> -> memref<1x16x1024xf32, #tpu.memory_space<vmem>>
    %dma_start3A_1145 = tpu.memref_squeeze %dma_start3A_1144 : memref<1x16x1024xf32, #tpu.memory_space<vmem>> -> memref<16x1024xf32, #tpu.memory_space<vmem>>
    %dma_start3A_1146 = arith.constant 0 : i32
    %dma_start3A_1147 = tpu.memref_slice %arg3[%add3A_1139, %dma_start3A_1146] : memref<8192x1024xf32, #tpu.memory_space<hbm>> -> memref<16x1024xf32, #tpu.memory_space<hbm>>
    %dma_start3A_1148 = tpu.memref_slice %arg6[%dma_start3A_1141] : memref<6x!tpu.dma_semaphore, #tpu.memory_space<semaphore_mem>> -> memref<1x!tpu.dma_semaphore, #tpu.memory_space<semaphore_mem>>
    %dma_start3A_1149 = tpu.memref_squeeze %dma_start3A_1148 : memref<1x!tpu.dma_semaphore, #tpu.memory_space<semaphore_mem>> -> memref<!tpu.dma_semaphore, #tpu.memory_space<semaphore_mem>>
    %dma_start3A_1150 = arith.constant 0 : i32
    %dma_start3A_1151 = tpu.memref_slice %arg3[%add3A_1139, %dma_start3A_1150] : memref<8192x1024xf32, #tpu.memory_space<hbm>> -> memref<16x1024xf32, #tpu.memory_space<hbm>>
    %dma_start3A_1152 = arith.constant 0 : i32
    %dma_start3A_1153 = arith.constant 0 : i32
    %dma_start3A_1154 = tpu.memref_slice %arg4[%dma_start3A_1140, %dma_start3A_1152, %dma_start3A_1153] : memref<6x16x1024xf32, #tpu.memory_space<vmem>> -> memref<1x16x1024xf32, #tpu.memory_space<vmem>>
    %dma_start3A_1155 = tpu.memref_squeeze %dma_start3A_1154 : memref<1x16x1024xf32, #tpu.memory_space<vmem>> -> memref<16x1024xf32, #tpu.memory_space<vmem>>
    tpu.enqueue_dma source(%dma_start3A_1155 : memref<16x1024xf32, #tpu.memory_space<vmem>>) target(%dma_start3A_1151 : memref<16x1024xf32, #tpu.memory_space<hbm>>) target_semaphore(%dma_start3A_1149 : memref<!tpu.dma_semaphore, #tpu.memory_space<semaphore_mem>>)
    %dma_wait3A_1156 = arith.constant 2 : i32
    %dma_wait3A_1157 = arith.constant 2 : i32
    %dma_wait3A_1158 = arith.constant 0 : i32
    %dma_wait3A_1159 = arith.constant 0 : i32
    %dma_wait3A_1160 = tpu.memref_slice %arg4[%dma_wait3A_1156, %dma_wait3A_1158, %dma_wait3A_1159] : memref<6x16x1024xf32, #tpu.memory_space<vmem>> -> memref<1x16x1024xf32, #tpu.memory_space<vmem>>
    %dma_wait3A_1161 = tpu.memref_squeeze %dma_wait3A_1160 : memref<1x16x1024xf32, #tpu.memory_space<vmem>> -> memref<16x1024xf32, #tpu.memory_space<vmem>>
    %dma_wait3A_1162 = arith.constant 0 : i32
    %dma_wait3A_1163 = tpu.memref_slice %arg3[%add3A_1041, %dma_wait3A_1162] : memref<8192x1024xf32, #tpu.memory_space<hbm>> -> memref<16x1024xf32, #tpu.memory_space<hbm>>
    %dma_wait3A_1164 = tpu.memref_slice %arg6[%dma_wait3A_1157] : memref<6x!tpu.dma_semaphore, #tpu.memory_space<semaphore_mem>> -> memref<1x!tpu.dma_semaphore, #tpu.memory_space<semaphore_mem>>
    %dma_wait3A_1165 = tpu.memref_squeeze %dma_wait3A_1164 : memref<1x!tpu.dma_semaphore, #tpu.memory_space<semaphore_mem>> -> memref<!tpu.dma_semaphore, #tpu.memory_space<semaphore_mem>>
    %dma_wait3A_1166 = arith.constant 0 : i32
    %dma_wait3A_1167 = tpu.memref_slice %arg3[%add3A_1041, %dma_wait3A_1166] : memref<8192x1024xf32, #tpu.memory_space<hbm>> -> memref<16x1024xf32, #tpu.memory_space<hbm>>
    %dma_wait3A_1168 = arith.constant 0 : i32
    %dma_wait3A_1169 = arith.constant 0 : i32
    %dma_wait3A_1170 = tpu.memref_slice %arg4[%dma_wait3A_1156, %dma_wait3A_1168, %dma_wait3A_1169] : memref<6x16x1024xf32, #tpu.memory_space<vmem>> -> memref<1x16x1024xf32, #tpu.memory_space<vmem>>
    %dma_wait3A_1171 = tpu.memref_squeeze %dma_wait3A_1170 : memref<1x16x1024xf32, #tpu.memory_space<vmem>> -> memref<16x1024xf32, #tpu.memory_space<vmem>>
    tpu.wait_dma2 semaphore(%dma_wait3A_1165 : memref<!tpu.dma_semaphore, #tpu.memory_space<semaphore_mem>>) src(%dma_wait3A_1171 : memref<16x1024xf32, #tpu.memory_space<vmem>>) dst(%dma_wait3A_1167 : memref<16x1024xf32, #tpu.memory_space<hbm>>)
    %add3A_1172 = arith.constant 224 : i32
    %add3A_1173 = arith.addi %mul3A_2, %add3A_1172 : i32
    %iota3A_1174 = tpu.iota {dimensions = array<i32: 0>} : vector<16xi32>
    %add3A_1175 = vector.broadcast %add3A_1173 : i32 to vector<16xi32>
    %add3A_1176 = arith.addi %add3A_1175, %iota3A_1174 : vector<16xi32>
    %and3A_1177 = arith.constant 2047 : i32
    %and3A_1178 = vector.broadcast %and3A_1177 : i32 to vector<16xi32>
    %and3A_1179 = arith.andi %add3A_1176, %and3A_1178 : vector<16xi32>
    %shift_right_arithmetic3A_1180 = arith.constant 11 : i32
    %shift_right_arithmetic3A_1181 = vector.broadcast %shift_right_arithmetic3A_1180 : i32 to vector<16xi32>
    %shift_right_arithmetic3A_1182 = arith.shrsi %add3A_1176, %shift_right_arithmetic3A_1181 : vector<16xi32>
    %mul3A_1183 = arith.constant 8192 : i32
    %mul3A_1184 = vector.broadcast %mul3A_1183 : i32 to vector<16xi32>
    %mul3A_1185 = arith.muli %shift_right_arithmetic3A_1182, %mul3A_1184 : vector<16xi32>
    %mul3A_1186 = arith.constant 4 : i32
    %mul3A_1187 = vector.broadcast %mul3A_1186 : i32 to vector<16xi32>
    %mul3A_1188 = arith.muli %and3A_1179, %mul3A_1187 : vector<16xi32>
    %add3A_1189 = arith.addi %mul3A_1185, %mul3A_1188 : vector<16xi32>
    %add3A_1190 = arith.constant 3 : i32
    %add3A_1191 = vector.broadcast %add3A_1190 : i32 to vector<16xi32>
    %add3A_1192 = arith.addi %add3A_1189, %add3A_1191 : vector<16xi32>
    %sub3A_1193 = arith.constant 683 : i32
    %sub3A_1194 = vector.broadcast %sub3A_1193 : i32 to vector<16xi32>
    %sub3A_1195 = arith.subi %and3A_1179, %sub3A_1194 : vector<16xi32>
    %shift_right_logical3A_1196 = arith.constant 31 : i32
    %shift_right_logical3A_1197 = vector.broadcast %shift_right_logical3A_1196 : i32 to vector<16xi32>
    %shift_right_logical3A_1198 = arith.shrui %sub3A_1195, %shift_right_logical3A_1197 : vector<16xi32>
    %sub3A_1199 = arith.subi %add3A_1192, %shift_right_logical3A_1198 : vector<16xi32>
    %sub3A_1200 = arith.constant 1365 : i32
    %sub3A_1201 = vector.broadcast %sub3A_1200 : i32 to vector<16xi32>
    %sub3A_1202 = arith.subi %and3A_1179, %sub3A_1201 : vector<16xi32>
    %shift_right_logical3A_1203 = arith.constant 31 : i32
    %shift_right_logical3A_1204 = vector.broadcast %shift_right_logical3A_1203 : i32 to vector<16xi32>
    %shift_right_logical3A_1205 = arith.shrui %sub3A_1202, %shift_right_logical3A_1204 : vector<16xi32>
    %sub3A_1206 = arith.subi %sub3A_1199, %shift_right_logical3A_1205 : vector<16xi32>
    %sub3A_1207 = arith.constant 2047 : i32
    %sub3A_1208 = vector.broadcast %sub3A_1207 : i32 to vector<16xi32>
    %sub3A_1209 = arith.subi %and3A_1179, %sub3A_1208 : vector<16xi32>
    %shift_right_logical3A_1210 = arith.constant 31 : i32
    %shift_right_logical3A_1211 = vector.broadcast %shift_right_logical3A_1210 : i32 to vector<16xi32>
    %shift_right_logical3A_1212 = arith.shrui %sub3A_1209, %shift_right_logical3A_1211 : vector<16xi32>
    %sub3A_1213 = arith.subi %sub3A_1206, %shift_right_logical3A_1212 : vector<16xi32>
    %dma_start3A_1214 = arith.constant 2 : i32
    %dma_start3A_1215 = arith.constant 2 : i32
    %dma_start3A_1216 = arith.constant 0 : i32
    %dma_start3A_1217 = arith.constant 0 : i32
    %dma_start3A_1218 = tpu.memref_slice %arg4[%dma_start3A_1214, %dma_start3A_1216, %dma_start3A_1217] : memref<6x16x1024xf32, #tpu.memory_space<vmem>> -> memref<1x16x1024xf32, #tpu.memory_space<vmem>>
    %dma_start3A_1219 = tpu.memref_squeeze %dma_start3A_1218 : memref<1x16x1024xf32, #tpu.memory_space<vmem>> -> memref<16x1024xf32, #tpu.memory_space<vmem>>
    %dma_start3A_1220 = arith.constant 0 : i32
    %dma_start3A_1221 = arith.constant 0 : i32
    %dma_start3A_1222 = tpu.memref_slice %arg2[%dma_start3A_1220, %dma_start3A_1221] : memref<32768x1024xf32, #tpu.memory_space<hbm>> -> memref<32768x1024xf32, #tpu.memory_space<hbm>>
    %dma_start3A_1223 = tpu.memref_slice %arg5[%dma_start3A_1215] : memref<6x!tpu.dma_semaphore, #tpu.memory_space<semaphore_mem>> -> memref<1x!tpu.dma_semaphore, #tpu.memory_space<semaphore_mem>>
    %dma_start3A_1224 = tpu.memref_squeeze %dma_start3A_1223 : memref<1x!tpu.dma_semaphore, #tpu.memory_space<semaphore_mem>> -> memref<!tpu.dma_semaphore, #tpu.memory_space<semaphore_mem>>
    tpu.enqueue_indirect_dma source(%dma_start3A_1222 : memref<32768x1024xf32, #tpu.memory_space<hbm>>) target(%dma_start3A_1219 : memref<16x1024xf32, #tpu.memory_space<vmem>>) offsets(%sub3A_1213 : vector<16xi32>) semaphore(%dma_start3A_1224 : memref<!tpu.dma_semaphore, #tpu.memory_space<semaphore_mem>>)
    %dma_wait3A_1225 = arith.constant 4 : i32
    %dma_wait3A_1226 = arith.constant 4 : i32
    %dma_wait3A_1227 = arith.constant 0 : i32
    %dma_wait3A_1228 = arith.constant 0 : i32
    %dma_wait3A_1229 = tpu.memref_slice %arg4[%dma_wait3A_1225, %dma_wait3A_1227, %dma_wait3A_1228] : memref<6x16x1024xf32, #tpu.memory_space<vmem>> -> memref<1x16x1024xf32, #tpu.memory_space<vmem>>
    %dma_wait3A_1230 = tpu.memref_squeeze %dma_wait3A_1229 : memref<1x16x1024xf32, #tpu.memory_space<vmem>> -> memref<16x1024xf32, #tpu.memory_space<vmem>>
    %dma_wait3A_1231 = arith.constant 0 : i32
    %dma_wait3A_1232 = arith.constant 0 : i32
    %dma_wait3A_1233 = tpu.memref_slice %arg2[%dma_wait3A_1231, %dma_wait3A_1232] : memref<32768x1024xf32, #tpu.memory_space<hbm>> -> memref<32768x1024xf32, #tpu.memory_space<hbm>>
    %dma_wait3A_1234 = tpu.memref_slice %arg5[%dma_wait3A_1226] : memref<6x!tpu.dma_semaphore, #tpu.memory_space<semaphore_mem>> -> memref<1x!tpu.dma_semaphore, #tpu.memory_space<semaphore_mem>>
    %dma_wait3A_1235 = tpu.memref_squeeze %dma_wait3A_1234 : memref<1x!tpu.dma_semaphore, #tpu.memory_space<semaphore_mem>> -> memref<!tpu.dma_semaphore, #tpu.memory_space<semaphore_mem>>
    tpu.wait_indirect_dma semaphore(%dma_wait3A_1235 : memref<!tpu.dma_semaphore, #tpu.memory_space<semaphore_mem>>) src(%dma_wait3A_1233 : memref<32768x1024xf32, #tpu.memory_space<hbm>>) dst(%dma_wait3A_1230 : memref<16x1024xf32, #tpu.memory_space<vmem>>)
    %add3A_1236 = arith.constant 160 : i32
    %add3A_1237 = arith.addi %mul3A_2, %add3A_1236 : i32
    %dma_start3A_1238 = arith.constant 4 : i32
    %dma_start3A_1239 = arith.constant 4 : i32
    %dma_start3A_1240 = arith.constant 0 : i32
    %dma_start3A_1241 = arith.constant 0 : i32
    %dma_start3A_1242 = tpu.memref_slice %arg4[%dma_start3A_1238, %dma_start3A_1240, %dma_start3A_1241] : memref<6x16x1024xf32, #tpu.memory_space<vmem>> -> memref<1x16x1024xf32, #tpu.memory_space<vmem>>
    %dma_start3A_1243 = tpu.memref_squeeze %dma_start3A_1242 : memref<1x16x1024xf32, #tpu.memory_space<vmem>> -> memref<16x1024xf32, #tpu.memory_space<vmem>>
    %dma_start3A_1244 = arith.constant 0 : i32
    %dma_start3A_1245 = tpu.memref_slice %arg3[%add3A_1237, %dma_start3A_1244] : memref<8192x1024xf32, #tpu.memory_space<hbm>> -> memref<16x1024xf32, #tpu.memory_space<hbm>>
    %dma_start3A_1246 = tpu.memref_slice %arg6[%dma_start3A_1239] : memref<6x!tpu.dma_semaphore, #tpu.memory_space<semaphore_mem>> -> memref<1x!tpu.dma_semaphore, #tpu.memory_space<semaphore_mem>>
    %dma_start3A_1247 = tpu.memref_squeeze %dma_start3A_1246 : memref<1x!tpu.dma_semaphore, #tpu.memory_space<semaphore_mem>> -> memref<!tpu.dma_semaphore, #tpu.memory_space<semaphore_mem>>
    %dma_start3A_1248 = arith.constant 0 : i32
    %dma_start3A_1249 = tpu.memref_slice %arg3[%add3A_1237, %dma_start3A_1248] : memref<8192x1024xf32, #tpu.memory_space<hbm>> -> memref<16x1024xf32, #tpu.memory_space<hbm>>
    %dma_start3A_1250 = arith.constant 0 : i32
    %dma_start3A_1251 = arith.constant 0 : i32
    %dma_start3A_1252 = tpu.memref_slice %arg4[%dma_start3A_1238, %dma_start3A_1250, %dma_start3A_1251] : memref<6x16x1024xf32, #tpu.memory_space<vmem>> -> memref<1x16x1024xf32, #tpu.memory_space<vmem>>
    %dma_start3A_1253 = tpu.memref_squeeze %dma_start3A_1252 : memref<1x16x1024xf32, #tpu.memory_space<vmem>> -> memref<16x1024xf32, #tpu.memory_space<vmem>>
    tpu.enqueue_dma source(%dma_start3A_1253 : memref<16x1024xf32, #tpu.memory_space<vmem>>) target(%dma_start3A_1249 : memref<16x1024xf32, #tpu.memory_space<hbm>>) target_semaphore(%dma_start3A_1247 : memref<!tpu.dma_semaphore, #tpu.memory_space<semaphore_mem>>)
    %dma_wait3A_1254 = arith.constant 3 : i32
    %dma_wait3A_1255 = arith.constant 3 : i32
    %dma_wait3A_1256 = arith.constant 0 : i32
    %dma_wait3A_1257 = arith.constant 0 : i32
    %dma_wait3A_1258 = tpu.memref_slice %arg4[%dma_wait3A_1254, %dma_wait3A_1256, %dma_wait3A_1257] : memref<6x16x1024xf32, #tpu.memory_space<vmem>> -> memref<1x16x1024xf32, #tpu.memory_space<vmem>>
    %dma_wait3A_1259 = tpu.memref_squeeze %dma_wait3A_1258 : memref<1x16x1024xf32, #tpu.memory_space<vmem>> -> memref<16x1024xf32, #tpu.memory_space<vmem>>
    %dma_wait3A_1260 = arith.constant 0 : i32
    %dma_wait3A_1261 = tpu.memref_slice %arg3[%add3A_1139, %dma_wait3A_1260] : memref<8192x1024xf32, #tpu.memory_space<hbm>> -> memref<16x1024xf32, #tpu.memory_space<hbm>>
    %dma_wait3A_1262 = tpu.memref_slice %arg6[%dma_wait3A_1255] : memref<6x!tpu.dma_semaphore, #tpu.memory_space<semaphore_mem>> -> memref<1x!tpu.dma_semaphore, #tpu.memory_space<semaphore_mem>>
    %dma_wait3A_1263 = tpu.memref_squeeze %dma_wait3A_1262 : memref<1x!tpu.dma_semaphore, #tpu.memory_space<semaphore_mem>> -> memref<!tpu.dma_semaphore, #tpu.memory_space<semaphore_mem>>
    %dma_wait3A_1264 = arith.constant 0 : i32
    %dma_wait3A_1265 = tpu.memref_slice %arg3[%add3A_1139, %dma_wait3A_1264] : memref<8192x1024xf32, #tpu.memory_space<hbm>> -> memref<16x1024xf32, #tpu.memory_space<hbm>>
    %dma_wait3A_1266 = arith.constant 0 : i32
    %dma_wait3A_1267 = arith.constant 0 : i32
    %dma_wait3A_1268 = tpu.memref_slice %arg4[%dma_wait3A_1254, %dma_wait3A_1266, %dma_wait3A_1267] : memref<6x16x1024xf32, #tpu.memory_space<vmem>> -> memref<1x16x1024xf32, #tpu.memory_space<vmem>>
    %dma_wait3A_1269 = tpu.memref_squeeze %dma_wait3A_1268 : memref<1x16x1024xf32, #tpu.memory_space<vmem>> -> memref<16x1024xf32, #tpu.memory_space<vmem>>
    tpu.wait_dma2 semaphore(%dma_wait3A_1263 : memref<!tpu.dma_semaphore, #tpu.memory_space<semaphore_mem>>) src(%dma_wait3A_1269 : memref<16x1024xf32, #tpu.memory_space<vmem>>) dst(%dma_wait3A_1265 : memref<16x1024xf32, #tpu.memory_space<hbm>>)
    %add3A_1270 = arith.constant 240 : i32
    %add3A_1271 = arith.addi %mul3A_2, %add3A_1270 : i32
    %iota3A_1272 = tpu.iota {dimensions = array<i32: 0>} : vector<16xi32>
    %add3A_1273 = vector.broadcast %add3A_1271 : i32 to vector<16xi32>
    %add3A_1274 = arith.addi %add3A_1273, %iota3A_1272 : vector<16xi32>
    %and3A_1275 = arith.constant 2047 : i32
    %and3A_1276 = vector.broadcast %and3A_1275 : i32 to vector<16xi32>
    %and3A_1277 = arith.andi %add3A_1274, %and3A_1276 : vector<16xi32>
    %shift_right_arithmetic3A_1278 = arith.constant 11 : i32
    %shift_right_arithmetic3A_1279 = vector.broadcast %shift_right_arithmetic3A_1278 : i32 to vector<16xi32>
    %shift_right_arithmetic3A_1280 = arith.shrsi %add3A_1274, %shift_right_arithmetic3A_1279 : vector<16xi32>
    %mul3A_1281 = arith.constant 8192 : i32
    %mul3A_1282 = vector.broadcast %mul3A_1281 : i32 to vector<16xi32>
    %mul3A_1283 = arith.muli %shift_right_arithmetic3A_1280, %mul3A_1282 : vector<16xi32>
    %mul3A_1284 = arith.constant 4 : i32
    %mul3A_1285 = vector.broadcast %mul3A_1284 : i32 to vector<16xi32>
    %mul3A_1286 = arith.muli %and3A_1277, %mul3A_1285 : vector<16xi32>
    %add3A_1287 = arith.addi %mul3A_1283, %mul3A_1286 : vector<16xi32>
    %add3A_1288 = arith.constant 3 : i32
    %add3A_1289 = vector.broadcast %add3A_1288 : i32 to vector<16xi32>
    %add3A_1290 = arith.addi %add3A_1287, %add3A_1289 : vector<16xi32>
    %sub3A_1291 = arith.constant 683 : i32
    %sub3A_1292 = vector.broadcast %sub3A_1291 : i32 to vector<16xi32>
    %sub3A_1293 = arith.subi %and3A_1277, %sub3A_1292 : vector<16xi32>
    %shift_right_logical3A_1294 = arith.constant 31 : i32
    %shift_right_logical3A_1295 = vector.broadcast %shift_right_logical3A_1294 : i32 to vector<16xi32>
    %shift_right_logical3A_1296 = arith.shrui %sub3A_1293, %shift_right_logical3A_1295 : vector<16xi32>
    %sub3A_1297 = arith.subi %add3A_1290, %shift_right_logical3A_1296 : vector<16xi32>
    %sub3A_1298 = arith.constant 1365 : i32
    %sub3A_1299 = vector.broadcast %sub3A_1298 : i32 to vector<16xi32>
    %sub3A_1300 = arith.subi %and3A_1277, %sub3A_1299 : vector<16xi32>
    %shift_right_logical3A_1301 = arith.constant 31 : i32
    %shift_right_logical3A_1302 = vector.broadcast %shift_right_logical3A_1301 : i32 to vector<16xi32>
    %shift_right_logical3A_1303 = arith.shrui %sub3A_1300, %shift_right_logical3A_1302 : vector<16xi32>
    %sub3A_1304 = arith.subi %sub3A_1297, %shift_right_logical3A_1303 : vector<16xi32>
    %sub3A_1305 = arith.constant 2047 : i32
    %sub3A_1306 = vector.broadcast %sub3A_1305 : i32 to vector<16xi32>
    %sub3A_1307 = arith.subi %and3A_1277, %sub3A_1306 : vector<16xi32>
    %shift_right_logical3A_1308 = arith.constant 31 : i32
    %shift_right_logical3A_1309 = vector.broadcast %shift_right_logical3A_1308 : i32 to vector<16xi32>
    %shift_right_logical3A_1310 = arith.shrui %sub3A_1307, %shift_right_logical3A_1309 : vector<16xi32>
    %sub3A_1311 = arith.subi %sub3A_1304, %shift_right_logical3A_1310 : vector<16xi32>
    %dma_start3A_1312 = arith.constant 3 : i32
    %dma_start3A_1313 = arith.constant 3 : i32
    %dma_start3A_1314 = arith.constant 0 : i32
    %dma_start3A_1315 = arith.constant 0 : i32
    %dma_start3A_1316 = tpu.memref_slice %arg4[%dma_start3A_1312, %dma_start3A_1314, %dma_start3A_1315] : memref<6x16x1024xf32, #tpu.memory_space<vmem>> -> memref<1x16x1024xf32, #tpu.memory_space<vmem>>
    %dma_start3A_1317 = tpu.memref_squeeze %dma_start3A_1316 : memref<1x16x1024xf32, #tpu.memory_space<vmem>> -> memref<16x1024xf32, #tpu.memory_space<vmem>>
    %dma_start3A_1318 = arith.constant 0 : i32
    %dma_start3A_1319 = arith.constant 0 : i32
    %dma_start3A_1320 = tpu.memref_slice %arg2[%dma_start3A_1318, %dma_start3A_1319] : memref<32768x1024xf32, #tpu.memory_space<hbm>> -> memref<32768x1024xf32, #tpu.memory_space<hbm>>
    %dma_start3A_1321 = tpu.memref_slice %arg5[%dma_start3A_1313] : memref<6x!tpu.dma_semaphore, #tpu.memory_space<semaphore_mem>> -> memref<1x!tpu.dma_semaphore, #tpu.memory_space<semaphore_mem>>
    %dma_start3A_1322 = tpu.memref_squeeze %dma_start3A_1321 : memref<1x!tpu.dma_semaphore, #tpu.memory_space<semaphore_mem>> -> memref<!tpu.dma_semaphore, #tpu.memory_space<semaphore_mem>>
    tpu.enqueue_indirect_dma source(%dma_start3A_1320 : memref<32768x1024xf32, #tpu.memory_space<hbm>>) target(%dma_start3A_1317 : memref<16x1024xf32, #tpu.memory_space<vmem>>) offsets(%sub3A_1311 : vector<16xi32>) semaphore(%dma_start3A_1322 : memref<!tpu.dma_semaphore, #tpu.memory_space<semaphore_mem>>)
    %dma_wait3A_1323 = arith.constant 5 : i32
    %dma_wait3A_1324 = arith.constant 5 : i32
    %dma_wait3A_1325 = arith.constant 0 : i32
    %dma_wait3A_1326 = arith.constant 0 : i32
    %dma_wait3A_1327 = tpu.memref_slice %arg4[%dma_wait3A_1323, %dma_wait3A_1325, %dma_wait3A_1326] : memref<6x16x1024xf32, #tpu.memory_space<vmem>> -> memref<1x16x1024xf32, #tpu.memory_space<vmem>>
    %dma_wait3A_1328 = tpu.memref_squeeze %dma_wait3A_1327 : memref<1x16x1024xf32, #tpu.memory_space<vmem>> -> memref<16x1024xf32, #tpu.memory_space<vmem>>
    %dma_wait3A_1329 = arith.constant 0 : i32
    %dma_wait3A_1330 = arith.constant 0 : i32
    %dma_wait3A_1331 = tpu.memref_slice %arg2[%dma_wait3A_1329, %dma_wait3A_1330] : memref<32768x1024xf32, #tpu.memory_space<hbm>> -> memref<32768x1024xf32, #tpu.memory_space<hbm>>
    %dma_wait3A_1332 = tpu.memref_slice %arg5[%dma_wait3A_1324] : memref<6x!tpu.dma_semaphore, #tpu.memory_space<semaphore_mem>> -> memref<1x!tpu.dma_semaphore, #tpu.memory_space<semaphore_mem>>
    %dma_wait3A_1333 = tpu.memref_squeeze %dma_wait3A_1332 : memref<1x!tpu.dma_semaphore, #tpu.memory_space<semaphore_mem>> -> memref<!tpu.dma_semaphore, #tpu.memory_space<semaphore_mem>>
    tpu.wait_indirect_dma semaphore(%dma_wait3A_1333 : memref<!tpu.dma_semaphore, #tpu.memory_space<semaphore_mem>>) src(%dma_wait3A_1331 : memref<32768x1024xf32, #tpu.memory_space<hbm>>) dst(%dma_wait3A_1328 : memref<16x1024xf32, #tpu.memory_space<vmem>>)
    %add3A_1334 = arith.constant 176 : i32
    %add3A_1335 = arith.addi %mul3A_2, %add3A_1334 : i32
    %dma_start3A_1336 = arith.constant 5 : i32
    %dma_start3A_1337 = arith.constant 5 : i32
    %dma_start3A_1338 = arith.constant 0 : i32
    %dma_start3A_1339 = arith.constant 0 : i32
    %dma_start3A_1340 = tpu.memref_slice %arg4[%dma_start3A_1336, %dma_start3A_1338, %dma_start3A_1339] : memref<6x16x1024xf32, #tpu.memory_space<vmem>> -> memref<1x16x1024xf32, #tpu.memory_space<vmem>>
    %dma_start3A_1341 = tpu.memref_squeeze %dma_start3A_1340 : memref<1x16x1024xf32, #tpu.memory_space<vmem>> -> memref<16x1024xf32, #tpu.memory_space<vmem>>
    %dma_start3A_1342 = arith.constant 0 : i32
    %dma_start3A_1343 = tpu.memref_slice %arg3[%add3A_1335, %dma_start3A_1342] : memref<8192x1024xf32, #tpu.memory_space<hbm>> -> memref<16x1024xf32, #tpu.memory_space<hbm>>
    %dma_start3A_1344 = tpu.memref_slice %arg6[%dma_start3A_1337] : memref<6x!tpu.dma_semaphore, #tpu.memory_space<semaphore_mem>> -> memref<1x!tpu.dma_semaphore, #tpu.memory_space<semaphore_mem>>
    %dma_start3A_1345 = tpu.memref_squeeze %dma_start3A_1344 : memref<1x!tpu.dma_semaphore, #tpu.memory_space<semaphore_mem>> -> memref<!tpu.dma_semaphore, #tpu.memory_space<semaphore_mem>>
    %dma_start3A_1346 = arith.constant 0 : i32
    %dma_start3A_1347 = tpu.memref_slice %arg3[%add3A_1335, %dma_start3A_1346] : memref<8192x1024xf32, #tpu.memory_space<hbm>> -> memref<16x1024xf32, #tpu.memory_space<hbm>>
    %dma_start3A_1348 = arith.constant 0 : i32
    %dma_start3A_1349 = arith.constant 0 : i32
    %dma_start3A_1350 = tpu.memref_slice %arg4[%dma_start3A_1336, %dma_start3A_1348, %dma_start3A_1349] : memref<6x16x1024xf32, #tpu.memory_space<vmem>> -> memref<1x16x1024xf32, #tpu.memory_space<vmem>>
    %dma_start3A_1351 = tpu.memref_squeeze %dma_start3A_1350 : memref<1x16x1024xf32, #tpu.memory_space<vmem>> -> memref<16x1024xf32, #tpu.memory_space<vmem>>
    tpu.enqueue_dma source(%dma_start3A_1351 : memref<16x1024xf32, #tpu.memory_space<vmem>>) target(%dma_start3A_1347 : memref<16x1024xf32, #tpu.memory_space<hbm>>) target_semaphore(%dma_start3A_1345 : memref<!tpu.dma_semaphore, #tpu.memory_space<semaphore_mem>>)
    %dma_wait3A_1352 = arith.constant 0 : i32
    %dma_wait3A_1353 = arith.constant 0 : i32
    %dma_wait3A_1354 = arith.constant 0 : i32
    %dma_wait3A_1355 = arith.constant 0 : i32
    %dma_wait3A_1356 = tpu.memref_slice %arg4[%dma_wait3A_1352, %dma_wait3A_1354, %dma_wait3A_1355] : memref<6x16x1024xf32, #tpu.memory_space<vmem>> -> memref<1x16x1024xf32, #tpu.memory_space<vmem>>
    %dma_wait3A_1357 = tpu.memref_squeeze %dma_wait3A_1356 : memref<1x16x1024xf32, #tpu.memory_space<vmem>> -> memref<16x1024xf32, #tpu.memory_space<vmem>>
    %dma_wait3A_1358 = arith.constant 0 : i32
    %dma_wait3A_1359 = arith.constant 0 : i32
    %dma_wait3A_1360 = tpu.memref_slice %arg2[%dma_wait3A_1358, %dma_wait3A_1359] : memref<32768x1024xf32, #tpu.memory_space<hbm>> -> memref<32768x1024xf32, #tpu.memory_space<hbm>>
    %dma_wait3A_1361 = tpu.memref_slice %arg5[%dma_wait3A_1353] : memref<6x!tpu.dma_semaphore, #tpu.memory_space<semaphore_mem>> -> memref<1x!tpu.dma_semaphore, #tpu.memory_space<semaphore_mem>>
    %dma_wait3A_1362 = tpu.memref_squeeze %dma_wait3A_1361 : memref<1x!tpu.dma_semaphore, #tpu.memory_space<semaphore_mem>> -> memref<!tpu.dma_semaphore, #tpu.memory_space<semaphore_mem>>
    tpu.wait_indirect_dma semaphore(%dma_wait3A_1362 : memref<!tpu.dma_semaphore, #tpu.memory_space<semaphore_mem>>) src(%dma_wait3A_1360 : memref<32768x1024xf32, #tpu.memory_space<hbm>>) dst(%dma_wait3A_1357 : memref<16x1024xf32, #tpu.memory_space<vmem>>)
    %add3A_1363 = arith.constant 192 : i32
    %add3A_1364 = arith.addi %mul3A_2, %add3A_1363 : i32
    %dma_start3A_1365 = arith.constant 0 : i32
    %dma_start3A_1366 = arith.constant 0 : i32
    %dma_start3A_1367 = arith.constant 0 : i32
    %dma_start3A_1368 = arith.constant 0 : i32
    %dma_start3A_1369 = tpu.memref_slice %arg4[%dma_start3A_1365, %dma_start3A_1367, %dma_start3A_1368] : memref<6x16x1024xf32, #tpu.memory_space<vmem>> -> memref<1x16x1024xf32, #tpu.memory_space<vmem>>
    %dma_start3A_1370 = tpu.memref_squeeze %dma_start3A_1369 : memref<1x16x1024xf32, #tpu.memory_space<vmem>> -> memref<16x1024xf32, #tpu.memory_space<vmem>>
    %dma_start3A_1371 = arith.constant 0 : i32
    %dma_start3A_1372 = tpu.memref_slice %arg3[%add3A_1364, %dma_start3A_1371] : memref<8192x1024xf32, #tpu.memory_space<hbm>> -> memref<16x1024xf32, #tpu.memory_space<hbm>>
    %dma_start3A_1373 = tpu.memref_slice %arg6[%dma_start3A_1366] : memref<6x!tpu.dma_semaphore, #tpu.memory_space<semaphore_mem>> -> memref<1x!tpu.dma_semaphore, #tpu.memory_space<semaphore_mem>>
    %dma_start3A_1374 = tpu.memref_squeeze %dma_start3A_1373 : memref<1x!tpu.dma_semaphore, #tpu.memory_space<semaphore_mem>> -> memref<!tpu.dma_semaphore, #tpu.memory_space<semaphore_mem>>
    %dma_start3A_1375 = arith.constant 0 : i32
    %dma_start3A_1376 = tpu.memref_slice %arg3[%add3A_1364, %dma_start3A_1375] : memref<8192x1024xf32, #tpu.memory_space<hbm>> -> memref<16x1024xf32, #tpu.memory_space<hbm>>
    %dma_start3A_1377 = arith.constant 0 : i32
    %dma_start3A_1378 = arith.constant 0 : i32
    %dma_start3A_1379 = tpu.memref_slice %arg4[%dma_start3A_1365, %dma_start3A_1377, %dma_start3A_1378] : memref<6x16x1024xf32, #tpu.memory_space<vmem>> -> memref<1x16x1024xf32, #tpu.memory_space<vmem>>
    %dma_start3A_1380 = tpu.memref_squeeze %dma_start3A_1379 : memref<1x16x1024xf32, #tpu.memory_space<vmem>> -> memref<16x1024xf32, #tpu.memory_space<vmem>>
    tpu.enqueue_dma source(%dma_start3A_1380 : memref<16x1024xf32, #tpu.memory_space<vmem>>) target(%dma_start3A_1376 : memref<16x1024xf32, #tpu.memory_space<hbm>>) target_semaphore(%dma_start3A_1374 : memref<!tpu.dma_semaphore, #tpu.memory_space<semaphore_mem>>)
    %dma_wait3A_1381 = arith.constant 1 : i32
    %dma_wait3A_1382 = arith.constant 1 : i32
    %dma_wait3A_1383 = arith.constant 0 : i32
    %dma_wait3A_1384 = arith.constant 0 : i32
    %dma_wait3A_1385 = tpu.memref_slice %arg4[%dma_wait3A_1381, %dma_wait3A_1383, %dma_wait3A_1384] : memref<6x16x1024xf32, #tpu.memory_space<vmem>> -> memref<1x16x1024xf32, #tpu.memory_space<vmem>>
    %dma_wait3A_1386 = tpu.memref_squeeze %dma_wait3A_1385 : memref<1x16x1024xf32, #tpu.memory_space<vmem>> -> memref<16x1024xf32, #tpu.memory_space<vmem>>
    %dma_wait3A_1387 = arith.constant 0 : i32
    %dma_wait3A_1388 = arith.constant 0 : i32
    %dma_wait3A_1389 = tpu.memref_slice %arg2[%dma_wait3A_1387, %dma_wait3A_1388] : memref<32768x1024xf32, #tpu.memory_space<hbm>> -> memref<32768x1024xf32, #tpu.memory_space<hbm>>
    %dma_wait3A_1390 = tpu.memref_slice %arg5[%dma_wait3A_1382] : memref<6x!tpu.dma_semaphore, #tpu.memory_space<semaphore_mem>> -> memref<1x!tpu.dma_semaphore, #tpu.memory_space<semaphore_mem>>
    %dma_wait3A_1391 = tpu.memref_squeeze %dma_wait3A_1390 : memref<1x!tpu.dma_semaphore, #tpu.memory_space<semaphore_mem>> -> memref<!tpu.dma_semaphore, #tpu.memory_space<semaphore_mem>>
    tpu.wait_indirect_dma semaphore(%dma_wait3A_1391 : memref<!tpu.dma_semaphore, #tpu.memory_space<semaphore_mem>>) src(%dma_wait3A_1389 : memref<32768x1024xf32, #tpu.memory_space<hbm>>) dst(%dma_wait3A_1386 : memref<16x1024xf32, #tpu.memory_space<vmem>>)
    %add3A_1392 = arith.constant 208 : i32
    %add3A_1393 = arith.addi %mul3A_2, %add3A_1392 : i32
    %dma_start3A_1394 = arith.constant 1 : i32
    %dma_start3A_1395 = arith.constant 1 : i32
    %dma_start3A_1396 = arith.constant 0 : i32
    %dma_start3A_1397 = arith.constant 0 : i32
    %dma_start3A_1398 = tpu.memref_slice %arg4[%dma_start3A_1394, %dma_start3A_1396, %dma_start3A_1397] : memref<6x16x1024xf32, #tpu.memory_space<vmem>> -> memref<1x16x1024xf32, #tpu.memory_space<vmem>>
    %dma_start3A_1399 = tpu.memref_squeeze %dma_start3A_1398 : memref<1x16x1024xf32, #tpu.memory_space<vmem>> -> memref<16x1024xf32, #tpu.memory_space<vmem>>
    %dma_start3A_1400 = arith.constant 0 : i32
    %dma_start3A_1401 = tpu.memref_slice %arg3[%add3A_1393, %dma_start3A_1400] : memref<8192x1024xf32, #tpu.memory_space<hbm>> -> memref<16x1024xf32, #tpu.memory_space<hbm>>
    %dma_start3A_1402 = tpu.memref_slice %arg6[%dma_start3A_1395] : memref<6x!tpu.dma_semaphore, #tpu.memory_space<semaphore_mem>> -> memref<1x!tpu.dma_semaphore, #tpu.memory_space<semaphore_mem>>
    %dma_start3A_1403 = tpu.memref_squeeze %dma_start3A_1402 : memref<1x!tpu.dma_semaphore, #tpu.memory_space<semaphore_mem>> -> memref<!tpu.dma_semaphore, #tpu.memory_space<semaphore_mem>>
    %dma_start3A_1404 = arith.constant 0 : i32
    %dma_start3A_1405 = tpu.memref_slice %arg3[%add3A_1393, %dma_start3A_1404] : memref<8192x1024xf32, #tpu.memory_space<hbm>> -> memref<16x1024xf32, #tpu.memory_space<hbm>>
    %dma_start3A_1406 = arith.constant 0 : i32
    %dma_start3A_1407 = arith.constant 0 : i32
    %dma_start3A_1408 = tpu.memref_slice %arg4[%dma_start3A_1394, %dma_start3A_1406, %dma_start3A_1407] : memref<6x16x1024xf32, #tpu.memory_space<vmem>> -> memref<1x16x1024xf32, #tpu.memory_space<vmem>>
    %dma_start3A_1409 = tpu.memref_squeeze %dma_start3A_1408 : memref<1x16x1024xf32, #tpu.memory_space<vmem>> -> memref<16x1024xf32, #tpu.memory_space<vmem>>
    tpu.enqueue_dma source(%dma_start3A_1409 : memref<16x1024xf32, #tpu.memory_space<vmem>>) target(%dma_start3A_1405 : memref<16x1024xf32, #tpu.memory_space<hbm>>) target_semaphore(%dma_start3A_1403 : memref<!tpu.dma_semaphore, #tpu.memory_space<semaphore_mem>>)
    %dma_wait3A_1410 = arith.constant 2 : i32
    %dma_wait3A_1411 = arith.constant 2 : i32
    %dma_wait3A_1412 = arith.constant 0 : i32
    %dma_wait3A_1413 = arith.constant 0 : i32
    %dma_wait3A_1414 = tpu.memref_slice %arg4[%dma_wait3A_1410, %dma_wait3A_1412, %dma_wait3A_1413] : memref<6x16x1024xf32, #tpu.memory_space<vmem>> -> memref<1x16x1024xf32, #tpu.memory_space<vmem>>
    %dma_wait3A_1415 = tpu.memref_squeeze %dma_wait3A_1414 : memref<1x16x1024xf32, #tpu.memory_space<vmem>> -> memref<16x1024xf32, #tpu.memory_space<vmem>>
    %dma_wait3A_1416 = arith.constant 0 : i32
    %dma_wait3A_1417 = arith.constant 0 : i32
    %dma_wait3A_1418 = tpu.memref_slice %arg2[%dma_wait3A_1416, %dma_wait3A_1417] : memref<32768x1024xf32, #tpu.memory_space<hbm>> -> memref<32768x1024xf32, #tpu.memory_space<hbm>>
    %dma_wait3A_1419 = tpu.memref_slice %arg5[%dma_wait3A_1411] : memref<6x!tpu.dma_semaphore, #tpu.memory_space<semaphore_mem>> -> memref<1x!tpu.dma_semaphore, #tpu.memory_space<semaphore_mem>>
    %dma_wait3A_1420 = tpu.memref_squeeze %dma_wait3A_1419 : memref<1x!tpu.dma_semaphore, #tpu.memory_space<semaphore_mem>> -> memref<!tpu.dma_semaphore, #tpu.memory_space<semaphore_mem>>
    tpu.wait_indirect_dma semaphore(%dma_wait3A_1420 : memref<!tpu.dma_semaphore, #tpu.memory_space<semaphore_mem>>) src(%dma_wait3A_1418 : memref<32768x1024xf32, #tpu.memory_space<hbm>>) dst(%dma_wait3A_1415 : memref<16x1024xf32, #tpu.memory_space<vmem>>)
    %add3A_1421 = arith.constant 224 : i32
    %add3A_1422 = arith.addi %mul3A_2, %add3A_1421 : i32
    %dma_start3A_1423 = arith.constant 2 : i32
    %dma_start3A_1424 = arith.constant 2 : i32
    %dma_start3A_1425 = arith.constant 0 : i32
    %dma_start3A_1426 = arith.constant 0 : i32
    %dma_start3A_1427 = tpu.memref_slice %arg4[%dma_start3A_1423, %dma_start3A_1425, %dma_start3A_1426] : memref<6x16x1024xf32, #tpu.memory_space<vmem>> -> memref<1x16x1024xf32, #tpu.memory_space<vmem>>
    %dma_start3A_1428 = tpu.memref_squeeze %dma_start3A_1427 : memref<1x16x1024xf32, #tpu.memory_space<vmem>> -> memref<16x1024xf32, #tpu.memory_space<vmem>>
    %dma_start3A_1429 = arith.constant 0 : i32
    %dma_start3A_1430 = tpu.memref_slice %arg3[%add3A_1422, %dma_start3A_1429] : memref<8192x1024xf32, #tpu.memory_space<hbm>> -> memref<16x1024xf32, #tpu.memory_space<hbm>>
    %dma_start3A_1431 = tpu.memref_slice %arg6[%dma_start3A_1424] : memref<6x!tpu.dma_semaphore, #tpu.memory_space<semaphore_mem>> -> memref<1x!tpu.dma_semaphore, #tpu.memory_space<semaphore_mem>>
    %dma_start3A_1432 = tpu.memref_squeeze %dma_start3A_1431 : memref<1x!tpu.dma_semaphore, #tpu.memory_space<semaphore_mem>> -> memref<!tpu.dma_semaphore, #tpu.memory_space<semaphore_mem>>
    %dma_start3A_1433 = arith.constant 0 : i32
    %dma_start3A_1434 = tpu.memref_slice %arg3[%add3A_1422, %dma_start3A_1433] : memref<8192x1024xf32, #tpu.memory_space<hbm>> -> memref<16x1024xf32, #tpu.memory_space<hbm>>
    %dma_start3A_1435 = arith.constant 0 : i32
    %dma_start3A_1436 = arith.constant 0 : i32
    %dma_start3A_1437 = tpu.memref_slice %arg4[%dma_start3A_1423, %dma_start3A_1435, %dma_start3A_1436] : memref<6x16x1024xf32, #tpu.memory_space<vmem>> -> memref<1x16x1024xf32, #tpu.memory_space<vmem>>
    %dma_start3A_1438 = tpu.memref_squeeze %dma_start3A_1437 : memref<1x16x1024xf32, #tpu.memory_space<vmem>> -> memref<16x1024xf32, #tpu.memory_space<vmem>>
    tpu.enqueue_dma source(%dma_start3A_1438 : memref<16x1024xf32, #tpu.memory_space<vmem>>) target(%dma_start3A_1434 : memref<16x1024xf32, #tpu.memory_space<hbm>>) target_semaphore(%dma_start3A_1432 : memref<!tpu.dma_semaphore, #tpu.memory_space<semaphore_mem>>)
    %dma_wait3A_1439 = arith.constant 3 : i32
    %dma_wait3A_1440 = arith.constant 3 : i32
    %dma_wait3A_1441 = arith.constant 0 : i32
    %dma_wait3A_1442 = arith.constant 0 : i32
    %dma_wait3A_1443 = tpu.memref_slice %arg4[%dma_wait3A_1439, %dma_wait3A_1441, %dma_wait3A_1442] : memref<6x16x1024xf32, #tpu.memory_space<vmem>> -> memref<1x16x1024xf32, #tpu.memory_space<vmem>>
    %dma_wait3A_1444 = tpu.memref_squeeze %dma_wait3A_1443 : memref<1x16x1024xf32, #tpu.memory_space<vmem>> -> memref<16x1024xf32, #tpu.memory_space<vmem>>
    %dma_wait3A_1445 = arith.constant 0 : i32
    %dma_wait3A_1446 = arith.constant 0 : i32
    %dma_wait3A_1447 = tpu.memref_slice %arg2[%dma_wait3A_1445, %dma_wait3A_1446] : memref<32768x1024xf32, #tpu.memory_space<hbm>> -> memref<32768x1024xf32, #tpu.memory_space<hbm>>
    %dma_wait3A_1448 = tpu.memref_slice %arg5[%dma_wait3A_1440] : memref<6x!tpu.dma_semaphore, #tpu.memory_space<semaphore_mem>> -> memref<1x!tpu.dma_semaphore, #tpu.memory_space<semaphore_mem>>
    %dma_wait3A_1449 = tpu.memref_squeeze %dma_wait3A_1448 : memref<1x!tpu.dma_semaphore, #tpu.memory_space<semaphore_mem>> -> memref<!tpu.dma_semaphore, #tpu.memory_space<semaphore_mem>>
    tpu.wait_indirect_dma semaphore(%dma_wait3A_1449 : memref<!tpu.dma_semaphore, #tpu.memory_space<semaphore_mem>>) src(%dma_wait3A_1447 : memref<32768x1024xf32, #tpu.memory_space<hbm>>) dst(%dma_wait3A_1444 : memref<16x1024xf32, #tpu.memory_space<vmem>>)
    %add3A_1450 = arith.constant 240 : i32
    %add3A_1451 = arith.addi %mul3A_2, %add3A_1450 : i32
    %dma_start3A_1452 = arith.constant 3 : i32
    %dma_start3A_1453 = arith.constant 3 : i32
    %dma_start3A_1454 = arith.constant 0 : i32
    %dma_start3A_1455 = arith.constant 0 : i32
    %dma_start3A_1456 = tpu.memref_slice %arg4[%dma_start3A_1452, %dma_start3A_1454, %dma_start3A_1455] : memref<6x16x1024xf32, #tpu.memory_space<vmem>> -> memref<1x16x1024xf32, #tpu.memory_space<vmem>>
    %dma_start3A_1457 = tpu.memref_squeeze %dma_start3A_1456 : memref<1x16x1024xf32, #tpu.memory_space<vmem>> -> memref<16x1024xf32, #tpu.memory_space<vmem>>
    %dma_start3A_1458 = arith.constant 0 : i32
    %dma_start3A_1459 = tpu.memref_slice %arg3[%add3A_1451, %dma_start3A_1458] : memref<8192x1024xf32, #tpu.memory_space<hbm>> -> memref<16x1024xf32, #tpu.memory_space<hbm>>
    %dma_start3A_1460 = tpu.memref_slice %arg6[%dma_start3A_1453] : memref<6x!tpu.dma_semaphore, #tpu.memory_space<semaphore_mem>> -> memref<1x!tpu.dma_semaphore, #tpu.memory_space<semaphore_mem>>
    %dma_start3A_1461 = tpu.memref_squeeze %dma_start3A_1460 : memref<1x!tpu.dma_semaphore, #tpu.memory_space<semaphore_mem>> -> memref<!tpu.dma_semaphore, #tpu.memory_space<semaphore_mem>>
    %dma_start3A_1462 = arith.constant 0 : i32
    %dma_start3A_1463 = tpu.memref_slice %arg3[%add3A_1451, %dma_start3A_1462] : memref<8192x1024xf32, #tpu.memory_space<hbm>> -> memref<16x1024xf32, #tpu.memory_space<hbm>>
    %dma_start3A_1464 = arith.constant 0 : i32
    %dma_start3A_1465 = arith.constant 0 : i32
    %dma_start3A_1466 = tpu.memref_slice %arg4[%dma_start3A_1452, %dma_start3A_1464, %dma_start3A_1465] : memref<6x16x1024xf32, #tpu.memory_space<vmem>> -> memref<1x16x1024xf32, #tpu.memory_space<vmem>>
    %dma_start3A_1467 = tpu.memref_squeeze %dma_start3A_1466 : memref<1x16x1024xf32, #tpu.memory_space<vmem>> -> memref<16x1024xf32, #tpu.memory_space<vmem>>
    tpu.enqueue_dma source(%dma_start3A_1467 : memref<16x1024xf32, #tpu.memory_space<vmem>>) target(%dma_start3A_1463 : memref<16x1024xf32, #tpu.memory_space<hbm>>) target_semaphore(%dma_start3A_1461 : memref<!tpu.dma_semaphore, #tpu.memory_space<semaphore_mem>>)
    %dma_wait3A_1468 = arith.constant 4 : i32
    %dma_wait3A_1469 = arith.constant 4 : i32
    %dma_wait3A_1470 = arith.constant 0 : i32
    %dma_wait3A_1471 = arith.constant 0 : i32
    %dma_wait3A_1472 = tpu.memref_slice %arg4[%dma_wait3A_1468, %dma_wait3A_1470, %dma_wait3A_1471] : memref<6x16x1024xf32, #tpu.memory_space<vmem>> -> memref<1x16x1024xf32, #tpu.memory_space<vmem>>
    %dma_wait3A_1473 = tpu.memref_squeeze %dma_wait3A_1472 : memref<1x16x1024xf32, #tpu.memory_space<vmem>> -> memref<16x1024xf32, #tpu.memory_space<vmem>>
    %dma_wait3A_1474 = arith.constant 0 : i32
    %dma_wait3A_1475 = tpu.memref_slice %arg3[%add3A_1237, %dma_wait3A_1474] : memref<8192x1024xf32, #tpu.memory_space<hbm>> -> memref<16x1024xf32, #tpu.memory_space<hbm>>
    %dma_wait3A_1476 = tpu.memref_slice %arg6[%dma_wait3A_1469] : memref<6x!tpu.dma_semaphore, #tpu.memory_space<semaphore_mem>> -> memref<1x!tpu.dma_semaphore, #tpu.memory_space<semaphore_mem>>
    %dma_wait3A_1477 = tpu.memref_squeeze %dma_wait3A_1476 : memref<1x!tpu.dma_semaphore, #tpu.memory_space<semaphore_mem>> -> memref<!tpu.dma_semaphore, #tpu.memory_space<semaphore_mem>>
    %dma_wait3A_1478 = arith.constant 0 : i32
    %dma_wait3A_1479 = tpu.memref_slice %arg3[%add3A_1237, %dma_wait3A_1478] : memref<8192x1024xf32, #tpu.memory_space<hbm>> -> memref<16x1024xf32, #tpu.memory_space<hbm>>
    %dma_wait3A_1480 = arith.constant 0 : i32
    %dma_wait3A_1481 = arith.constant 0 : i32
    %dma_wait3A_1482 = tpu.memref_slice %arg4[%dma_wait3A_1468, %dma_wait3A_1480, %dma_wait3A_1481] : memref<6x16x1024xf32, #tpu.memory_space<vmem>> -> memref<1x16x1024xf32, #tpu.memory_space<vmem>>
    %dma_wait3A_1483 = tpu.memref_squeeze %dma_wait3A_1482 : memref<1x16x1024xf32, #tpu.memory_space<vmem>> -> memref<16x1024xf32, #tpu.memory_space<vmem>>
    tpu.wait_dma2 semaphore(%dma_wait3A_1477 : memref<!tpu.dma_semaphore, #tpu.memory_space<semaphore_mem>>) src(%dma_wait3A_1483 : memref<16x1024xf32, #tpu.memory_space<vmem>>) dst(%dma_wait3A_1479 : memref<16x1024xf32, #tpu.memory_space<hbm>>)
    %dma_wait3A_1484 = arith.constant 5 : i32
    %dma_wait3A_1485 = arith.constant 5 : i32
    %dma_wait3A_1486 = arith.constant 0 : i32
    %dma_wait3A_1487 = arith.constant 0 : i32
    %dma_wait3A_1488 = tpu.memref_slice %arg4[%dma_wait3A_1484, %dma_wait3A_1486, %dma_wait3A_1487] : memref<6x16x1024xf32, #tpu.memory_space<vmem>> -> memref<1x16x1024xf32, #tpu.memory_space<vmem>>
    %dma_wait3A_1489 = tpu.memref_squeeze %dma_wait3A_1488 : memref<1x16x1024xf32, #tpu.memory_space<vmem>> -> memref<16x1024xf32, #tpu.memory_space<vmem>>
    %dma_wait3A_1490 = arith.constant 0 : i32
    %dma_wait3A_1491 = tpu.memref_slice %arg3[%add3A_1335, %dma_wait3A_1490] : memref<8192x1024xf32, #tpu.memory_space<hbm>> -> memref<16x1024xf32, #tpu.memory_space<hbm>>
    %dma_wait3A_1492 = tpu.memref_slice %arg6[%dma_wait3A_1485] : memref<6x!tpu.dma_semaphore, #tpu.memory_space<semaphore_mem>> -> memref<1x!tpu.dma_semaphore, #tpu.memory_space<semaphore_mem>>
    %dma_wait3A_1493 = tpu.memref_squeeze %dma_wait3A_1492 : memref<1x!tpu.dma_semaphore, #tpu.memory_space<semaphore_mem>> -> memref<!tpu.dma_semaphore, #tpu.memory_space<semaphore_mem>>
    %dma_wait3A_1494 = arith.constant 0 : i32
    %dma_wait3A_1495 = tpu.memref_slice %arg3[%add3A_1335, %dma_wait3A_1494] : memref<8192x1024xf32, #tpu.memory_space<hbm>> -> memref<16x1024xf32, #tpu.memory_space<hbm>>
    %dma_wait3A_1496 = arith.constant 0 : i32
    %dma_wait3A_1497 = arith.constant 0 : i32
    %dma_wait3A_1498 = tpu.memref_slice %arg4[%dma_wait3A_1484, %dma_wait3A_1496, %dma_wait3A_1497] : memref<6x16x1024xf32, #tpu.memory_space<vmem>> -> memref<1x16x1024xf32, #tpu.memory_space<vmem>>
    %dma_wait3A_1499 = tpu.memref_squeeze %dma_wait3A_1498 : memref<1x16x1024xf32, #tpu.memory_space<vmem>> -> memref<16x1024xf32, #tpu.memory_space<vmem>>
    tpu.wait_dma2 semaphore(%dma_wait3A_1493 : memref<!tpu.dma_semaphore, #tpu.memory_space<semaphore_mem>>) src(%dma_wait3A_1499 : memref<16x1024xf32, #tpu.memory_space<vmem>>) dst(%dma_wait3A_1495 : memref<16x1024xf32, #tpu.memory_space<hbm>>)
    %dma_wait3A_1500 = arith.constant 0 : i32
    %dma_wait3A_1501 = arith.constant 0 : i32
    %dma_wait3A_1502 = arith.constant 0 : i32
    %dma_wait3A_1503 = arith.constant 0 : i32
    %dma_wait3A_1504 = tpu.memref_slice %arg4[%dma_wait3A_1500, %dma_wait3A_1502, %dma_wait3A_1503] : memref<6x16x1024xf32, #tpu.memory_space<vmem>> -> memref<1x16x1024xf32, #tpu.memory_space<vmem>>
    %dma_wait3A_1505 = tpu.memref_squeeze %dma_wait3A_1504 : memref<1x16x1024xf32, #tpu.memory_space<vmem>> -> memref<16x1024xf32, #tpu.memory_space<vmem>>
    %dma_wait3A_1506 = arith.constant 0 : i32
    %dma_wait3A_1507 = tpu.memref_slice %arg3[%add3A_1364, %dma_wait3A_1506] : memref<8192x1024xf32, #tpu.memory_space<hbm>> -> memref<16x1024xf32, #tpu.memory_space<hbm>>
    %dma_wait3A_1508 = tpu.memref_slice %arg6[%dma_wait3A_1501] : memref<6x!tpu.dma_semaphore, #tpu.memory_space<semaphore_mem>> -> memref<1x!tpu.dma_semaphore, #tpu.memory_space<semaphore_mem>>
    %dma_wait3A_1509 = tpu.memref_squeeze %dma_wait3A_1508 : memref<1x!tpu.dma_semaphore, #tpu.memory_space<semaphore_mem>> -> memref<!tpu.dma_semaphore, #tpu.memory_space<semaphore_mem>>
    %dma_wait3A_1510 = arith.constant 0 : i32
    %dma_wait3A_1511 = tpu.memref_slice %arg3[%add3A_1364, %dma_wait3A_1510] : memref<8192x1024xf32, #tpu.memory_space<hbm>> -> memref<16x1024xf32, #tpu.memory_space<hbm>>
    %dma_wait3A_1512 = arith.constant 0 : i32
    %dma_wait3A_1513 = arith.constant 0 : i32
    %dma_wait3A_1514 = tpu.memref_slice %arg4[%dma_wait3A_1500, %dma_wait3A_1512, %dma_wait3A_1513] : memref<6x16x1024xf32, #tpu.memory_space<vmem>> -> memref<1x16x1024xf32, #tpu.memory_space<vmem>>
    %dma_wait3A_1515 = tpu.memref_squeeze %dma_wait3A_1514 : memref<1x16x1024xf32, #tpu.memory_space<vmem>> -> memref<16x1024xf32, #tpu.memory_space<vmem>>
    tpu.wait_dma2 semaphore(%dma_wait3A_1509 : memref<!tpu.dma_semaphore, #tpu.memory_space<semaphore_mem>>) src(%dma_wait3A_1515 : memref<16x1024xf32, #tpu.memory_space<vmem>>) dst(%dma_wait3A_1511 : memref<16x1024xf32, #tpu.memory_space<hbm>>)
    %dma_wait3A_1516 = arith.constant 1 : i32
    %dma_wait3A_1517 = arith.constant 1 : i32
    %dma_wait3A_1518 = arith.constant 0 : i32
    %dma_wait3A_1519 = arith.constant 0 : i32
    %dma_wait3A_1520 = tpu.memref_slice %arg4[%dma_wait3A_1516, %dma_wait3A_1518, %dma_wait3A_1519] : memref<6x16x1024xf32, #tpu.memory_space<vmem>> -> memref<1x16x1024xf32, #tpu.memory_space<vmem>>
    %dma_wait3A_1521 = tpu.memref_squeeze %dma_wait3A_1520 : memref<1x16x1024xf32, #tpu.memory_space<vmem>> -> memref<16x1024xf32, #tpu.memory_space<vmem>>
    %dma_wait3A_1522 = arith.constant 0 : i32
    %dma_wait3A_1523 = tpu.memref_slice %arg3[%add3A_1393, %dma_wait3A_1522] : memref<8192x1024xf32, #tpu.memory_space<hbm>> -> memref<16x1024xf32, #tpu.memory_space<hbm>>
    %dma_wait3A_1524 = tpu.memref_slice %arg6[%dma_wait3A_1517] : memref<6x!tpu.dma_semaphore, #tpu.memory_space<semaphore_mem>> -> memref<1x!tpu.dma_semaphore, #tpu.memory_space<semaphore_mem>>
    %dma_wait3A_1525 = tpu.memref_squeeze %dma_wait3A_1524 : memref<1x!tpu.dma_semaphore, #tpu.memory_space<semaphore_mem>> -> memref<!tpu.dma_semaphore, #tpu.memory_space<semaphore_mem>>
    %dma_wait3A_1526 = arith.constant 0 : i32
    %dma_wait3A_1527 = tpu.memref_slice %arg3[%add3A_1393, %dma_wait3A_1526] : memref<8192x1024xf32, #tpu.memory_space<hbm>> -> memref<16x1024xf32, #tpu.memory_space<hbm>>
    %dma_wait3A_1528 = arith.constant 0 : i32
    %dma_wait3A_1529 = arith.constant 0 : i32
    %dma_wait3A_1530 = tpu.memref_slice %arg4[%dma_wait3A_1516, %dma_wait3A_1528, %dma_wait3A_1529] : memref<6x16x1024xf32, #tpu.memory_space<vmem>> -> memref<1x16x1024xf32, #tpu.memory_space<vmem>>
    %dma_wait3A_1531 = tpu.memref_squeeze %dma_wait3A_1530 : memref<1x16x1024xf32, #tpu.memory_space<vmem>> -> memref<16x1024xf32, #tpu.memory_space<vmem>>
    tpu.wait_dma2 semaphore(%dma_wait3A_1525 : memref<!tpu.dma_semaphore, #tpu.memory_space<semaphore_mem>>) src(%dma_wait3A_1531 : memref<16x1024xf32, #tpu.memory_space<vmem>>) dst(%dma_wait3A_1527 : memref<16x1024xf32, #tpu.memory_space<hbm>>)
    %dma_wait3A_1532 = arith.constant 2 : i32
    %dma_wait3A_1533 = arith.constant 2 : i32
    %dma_wait3A_1534 = arith.constant 0 : i32
    %dma_wait3A_1535 = arith.constant 0 : i32
    %dma_wait3A_1536 = tpu.memref_slice %arg4[%dma_wait3A_1532, %dma_wait3A_1534, %dma_wait3A_1535] : memref<6x16x1024xf32, #tpu.memory_space<vmem>> -> memref<1x16x1024xf32, #tpu.memory_space<vmem>>
    %dma_wait3A_1537 = tpu.memref_squeeze %dma_wait3A_1536 : memref<1x16x1024xf32, #tpu.memory_space<vmem>> -> memref<16x1024xf32, #tpu.memory_space<vmem>>
    %dma_wait3A_1538 = arith.constant 0 : i32
    %dma_wait3A_1539 = tpu.memref_slice %arg3[%add3A_1422, %dma_wait3A_1538] : memref<8192x1024xf32, #tpu.memory_space<hbm>> -> memref<16x1024xf32, #tpu.memory_space<hbm>>
    %dma_wait3A_1540 = tpu.memref_slice %arg6[%dma_wait3A_1533] : memref<6x!tpu.dma_semaphore, #tpu.memory_space<semaphore_mem>> -> memref<1x!tpu.dma_semaphore, #tpu.memory_space<semaphore_mem>>
    %dma_wait3A_1541 = tpu.memref_squeeze %dma_wait3A_1540 : memref<1x!tpu.dma_semaphore, #tpu.memory_space<semaphore_mem>> -> memref<!tpu.dma_semaphore, #tpu.memory_space<semaphore_mem>>
    %dma_wait3A_1542 = arith.constant 0 : i32
    %dma_wait3A_1543 = tpu.memref_slice %arg3[%add3A_1422, %dma_wait3A_1542] : memref<8192x1024xf32, #tpu.memory_space<hbm>> -> memref<16x1024xf32, #tpu.memory_space<hbm>>
    %dma_wait3A_1544 = arith.constant 0 : i32
    %dma_wait3A_1545 = arith.constant 0 : i32
    %dma_wait3A_1546 = tpu.memref_slice %arg4[%dma_wait3A_1532, %dma_wait3A_1544, %dma_wait3A_1545] : memref<6x16x1024xf32, #tpu.memory_space<vmem>> -> memref<1x16x1024xf32, #tpu.memory_space<vmem>>
    %dma_wait3A_1547 = tpu.memref_squeeze %dma_wait3A_1546 : memref<1x16x1024xf32, #tpu.memory_space<vmem>> -> memref<16x1024xf32, #tpu.memory_space<vmem>>
    tpu.wait_dma2 semaphore(%dma_wait3A_1541 : memref<!tpu.dma_semaphore, #tpu.memory_space<semaphore_mem>>) src(%dma_wait3A_1547 : memref<16x1024xf32, #tpu.memory_space<vmem>>) dst(%dma_wait3A_1543 : memref<16x1024xf32, #tpu.memory_space<hbm>>)
    %dma_wait3A_1548 = arith.constant 3 : i32
    %dma_wait3A_1549 = arith.constant 3 : i32
    %dma_wait3A_1550 = arith.constant 0 : i32
    %dma_wait3A_1551 = arith.constant 0 : i32
    %dma_wait3A_1552 = tpu.memref_slice %arg4[%dma_wait3A_1548, %dma_wait3A_1550, %dma_wait3A_1551] : memref<6x16x1024xf32, #tpu.memory_space<vmem>> -> memref<1x16x1024xf32, #tpu.memory_space<vmem>>
    %dma_wait3A_1553 = tpu.memref_squeeze %dma_wait3A_1552 : memref<1x16x1024xf32, #tpu.memory_space<vmem>> -> memref<16x1024xf32, #tpu.memory_space<vmem>>
    %dma_wait3A_1554 = arith.constant 0 : i32
    %dma_wait3A_1555 = tpu.memref_slice %arg3[%add3A_1451, %dma_wait3A_1554] : memref<8192x1024xf32, #tpu.memory_space<hbm>> -> memref<16x1024xf32, #tpu.memory_space<hbm>>
    %dma_wait3A_1556 = tpu.memref_slice %arg6[%dma_wait3A_1549] : memref<6x!tpu.dma_semaphore, #tpu.memory_space<semaphore_mem>> -> memref<1x!tpu.dma_semaphore, #tpu.memory_space<semaphore_mem>>
    %dma_wait3A_1557 = tpu.memref_squeeze %dma_wait3A_1556 : memref<1x!tpu.dma_semaphore, #tpu.memory_space<semaphore_mem>> -> memref<!tpu.dma_semaphore, #tpu.memory_space<semaphore_mem>>
    %dma_wait3A_1558 = arith.constant 0 : i32
    %dma_wait3A_1559 = tpu.memref_slice %arg3[%add3A_1451, %dma_wait3A_1558] : memref<8192x1024xf32, #tpu.memory_space<hbm>> -> memref<16x1024xf32, #tpu.memory_space<hbm>>
    %dma_wait3A_1560 = arith.constant 0 : i32
    %dma_wait3A_1561 = arith.constant 0 : i32
    %dma_wait3A_1562 = tpu.memref_slice %arg4[%dma_wait3A_1548, %dma_wait3A_1560, %dma_wait3A_1561] : memref<6x16x1024xf32, #tpu.memory_space<vmem>> -> memref<1x16x1024xf32, #tpu.memory_space<vmem>>
    %dma_wait3A_1563 = tpu.memref_squeeze %dma_wait3A_1562 : memref<1x16x1024xf32, #tpu.memory_space<vmem>> -> memref<16x1024xf32, #tpu.memory_space<vmem>>
    tpu.wait_dma2 semaphore(%dma_wait3A_1557 : memref<!tpu.dma_semaphore, #tpu.memory_space<semaphore_mem>>) src(%dma_wait3A_1563 : memref<16x1024xf32, #tpu.memory_space<vmem>>) dst(%dma_wait3A_1559 : memref<16x1024xf32, #tpu.memory_space<hbm>>)
    return
  }
}

</mosaic_0001>

<sc_bundles>
// kernel: kernel.3.cloned.1.call-start
scs
__scs_entry_jumppad:
0x0: {  	(pc) =	sbr.rel $0x88, $3  }
0x1: {  	(tag) =	ssettag $0x0;
	lr =	simm.s32 $0x1  }
0x2: {  	[smem:$0x3FA0] =	sst lr;
	_ =	strace $0xD0000000  }
0x3: {  	_ = 	snop  }
0x4: {  	_ = 	snop  }
0x5: {  	_ = 	snop  }
0x6: {  	_ = 	snop  }
0x7: {  	_ = 	snop  }
__scs_overlays_trampoline_lowered:
0x8: {  	[smem:$0x3FAF] =	sst s0  }
0x9: {  	[smem:$0x3FB0] =	sst s1  }
0xa: {  	[smem:$0x3FB1] =	sst s2  }
0xb: {  	[smem:$0x3FB2] =	sst s3  }
0xc: {  	[smem:$0x3FB3] =	sst s4  }
0xd: {  	[smem:$0x3FB4] =	sst s5  }
0xe: {  	[smem:$0x3FB5] =	sst s6  }
0xf: {  	[smem:$0x3FB6] =	sst s7  }
0x10: {  	[smem:$0x3FB7] =	sst s8  }
0x11: {  	[smem:$0x3FB8] =	sst s9;
	s0 =	simm.s32 @!p0 $0x0  }
0x12: {  	s1 =	sld [smem:$0x3F9E];
	s0 =	simm.s32 @p0 $0x1  }
0x13: {  	[smem:$0x3FB9] =	sst s0;
	s0 =	simm.s32 @!p1 $0x0  }
0x14: {  	s2 =	sld [smem:$0x3F9D];
	s0 =	simm.s32 @p1 $0x1  }
0x15: {  	[smem:$0x3FBA] =	sst s0;
	s0 =	simm.s32 @!p2 $0x0  }
0x16: {  	s3 =	sld [smem:$0x3FDB];
	s0 =	simm.s32 @p2 $0x1  }
0x17: {  	s4 =	simm.s32 $0x1BF5;
	[smem:$0x3FBC] =	sst s0  }
0x18: {  	s0 =	sld [smem:$0x3F9F];
	_ =	swait.ge [sflag:s4], $0x0  }
0x19: {  	s7 =	sld [smem:$0x3FA0]  }
0x1a: {  	s8 =	sadd.s32 $0xFFFFE003, lr  }
0x1b: {  	s9 =	sadd.s32 $0xFFFFFEF7, lr;
	s5 =	simm.s32 $0xFFFFFFFF;
	p2 =	slt.u32 s8, $0xFFFFF086  }
0x1c: {  	p1 =	slt.u32 s9, $0xF7A;
	s5 =	simm.s32 @!p2 $0x0  }
0x1d: {  	s5 =	simm.s32 @p1 $0x1;
	p0 =	seq.s32 s7, s2  }
0x1e: {  	s7 =	smul.u32 @!p0 $0xF7A, s2;
	p2 =	seq.s32 @!p0 s5, $0x0  }
0x1f: {  	s9 =	smul.u32 $0xF7A, s1;
	s8 =	simm.s32 @!p0 $0x1BF5;
	p2 =	por !p2, p0  }
0x20: {  	[sflag:s8] =	ssyncset.s32 @!p0 $0xFFFFF086;
	s6 =	sadd.s32 @!p0 s3, s7;
	s7 =	simm.s32 @!p0 $0x108  }
0x21: {  	s3 =	sadd.s32 s3, s9;
	s6 =	sadd.s32 @!p0 $0x88, s6;
	s7 =	simm.s32 @p2 $0x1082  }
0x22: {  	[simem:s7], [sflag:s8] =	dma.local @!p0 [hbm:s6], $0xF7A  }
0x23: {  	s9 =	sor.u32 $0xD0000000, s2;
	s6 =	simm.s32 $0x108;
	_ =	swait.ge @!p0 [sflag:s8], $0x0  }
0x24: {  	s3 =	sadd.s32 $0x88, s3;
	s6 =	simm.s32 @!p1 $0x1082;
	[sflag:s4] =	ssyncset.s32 $0xFFFFF086  }
0x25: {  	[simem:s6], [sflag:s4] =	dma.local [hbm:s3], $0xF7A  }
0x26: {  	[smem:$0x3FA0] =	sst s1;
	(tag) =	ssettag s2;
	_ =	strace s9  }
0x27: {  	s1 =	sld [smem:$0x3FB0]  }
0x28: {  	s2 =	sld [smem:$0x3FB1]  }
0x29: {  	s4 =	sld [smem:$0x3FB3]  }
0x2a: {  	p0 =	seq.s32 s5, $0x0;
	s5 =	sld [smem:$0x3FB4]  }
0x2b: {  	s6 =	sld [smem:$0x3FB5]  }
0x2c: {  	s7 =	sld [smem:$0x3FB6]  }
0x2d: {  	s3 =	simm.s32 $0x108;
	s8 =	sld [smem:$0x3FB7]  }
0x2e: {  	s3 =	simm.s32 @!p0 $0x1082;
	s9 =	sld [smem:$0x3FB8]  }
0x2f: {  	lr =	sadd.s32 s0, s3;
	s0 =	sld [smem:$0x3FAF]  }
0x30: {  	s3 =	sld [smem:$0x3FB2]  }
0x31: {  	[smem:$0x3FBB] =	sst s10  }
0x32: {  	s10 =	sld [smem:$0x3FB9];
	_ =	sdelay $0x3  }
0x33: {  	p0 =	seq.s32 s10, $0x1;
	s10 =	sld [smem:$0x3FBB];
	_ =	sdelay $0x3  }
0x34: {  	[smem:$0x3FBB] =	sst s10  }
0x35: {  	s10 =	sld [smem:$0x3FBA];
	_ =	sdelay $0x3  }
0x36: {  	p1 =	seq.s32 s10, $0x1;
	s10 =	sld [smem:$0x3FBB];
	_ =	sdelay $0x3  }
0x37: {  	[smem:$0x3FBB] =	sst s10  }
0x38: {  	s10 =	sld [smem:$0x3FBC]  }
0x39: {  	_ = 	snop;
	(pc) =	sbr.ind lr, $3  }
0x3a: {  	_ = 	snop  }
0x3b: {  	_ = 	snop  }
0x3c: {  	p2 =	seq.s32 s10, $0x1;
	s10 =	sld [smem:$0x3FBB]  }
0x3d: {  	_ =	shalt  }
0x3e: {  	_ =	shalt  }
0x3f: {  	_ =	shalt  }
0x40: {  	_ =	shalt  }
0x41: {  	_ =	shalt  }
0x42: {  	_ =	shalt  }
0x43: {  	_ =	shalt  }
0x44: {  	_ =	shalt  }
0x45: {  	_ =	shalt  }
0x46: {  	_ =	shalt  }
0x47: {  	_ =	shalt  }
0x48: {  	_ =	shalt  }
0x49: {  	_ =	shalt  }
0x4a: {  	_ =	shalt  }
0x4b: {  	_ =	shalt  }
0x4c: {  	_ =	shalt  }
0x4d: {  	_ =	shalt  }
0x4e: {  	_ =	shalt  }
0x4f: {  	_ =	shalt  }
0x50: {  	_ =	shalt  }
0x51: {  	_ =	shalt  }
0x52: {  	_ =	shalt  }
0x53: {  	_ =	shalt  }
0x54: {  	_ =	shalt  }
0x55: {  	_ =	shalt  }
0x56: {  	_ =	shalt  }
0x57: {  	_ =	shalt  }
0x58: {  	_ =	shalt  }
0x59: {  	_ =	shalt  }
0x5a: {  	_ =	shalt  }
0x5b: {  	_ =	shalt  }
0x5c: {  	_ =	shalt  }
0x5d: {  	_ =	shalt  }
0x5e: {  	_ =	shalt  }
0x5f: {  	_ =	shalt  }
0x60: {  	_ =	shalt  }
0x61: {  	_ =	shalt  }
0x62: {  	_ =	shalt  }
0x63: {  	_ =	shalt  }
0x64: {  	_ =	shalt  }
0x65: {  	_ =	shalt  }
0x66: {  	_ =	shalt  }
0x67: {  	_ =	shalt  }
0x68: {  	_ =	shalt  }
0x69: {  	_ =	shalt  }
0x6a: {  	_ =	shalt  }
0x6b: {  	_ =	shalt  }
0x6c: {  	_ =	shalt  }
0x6d: {  	_ =	shalt  }
0x6e: {  	_ =	shalt  }
0x6f: {  	_ =	shalt  }
0x70: {  	_ =	shalt  }
0x71: {  	_ =	shalt  }
0x72: {  	_ =	shalt  }
0x73: {  	_ =	shalt  }
0x74: {  	_ =	shalt  }
0x75: {  	_ =	shalt  }
0x76: {  	_ =	shalt  }
0x77: {  	_ =	shalt  }
0x78: {  	_ =	shalt  }
0x79: {  	_ =	shalt  }
0x7a: {  	_ =	shalt  }
0x7b: {  	_ =	shalt  }
0x7c: {  	_ =	shalt  }
0x7d: {  	_ =	shalt  }
0x7e: {  	_ =	shalt  }
0x7f: {  	_ =	shalt  }
0x80: {  	_ =	shalt  }
0x81: {  	_ =	shalt  }
0x82: {  	_ =	shalt  }
0x83: {  	_ =	shalt  }
0x84: {  	_ =	shalt  }
0x85: {  	_ =	shalt  }
0x86: {  	_ =	shalt  }
0x87: {  	_ =	shalt  }
.Lfunc_end0:
.L_simem_size_0:
called_computation_lowered:
.L_overlay_start_0:
0x88: {  	s2 =	sld [smem:$0x3FD9]  }
0x89: {  	s3 =	sld [smem:$0x3FFE];
	_ =	sdelay $0x1  }
0x8a: {  	s1 =	srdreg.scid  }
0x8b: {  	s0 =	sand.u32 $0x1, s1  }
0x8c: {  	s18 =	sshll.u32 s0, $0xA;
	s2 =	sadd.s32 s3, s2  }
0x8d: {  	s2 =	sadd.s32 s2, s18  }
0x8e: {  	[smem:$0x3FC7] =	sst s2  }
0x8f: {  	_ = 	snop  }
0x90: {  	s2 =	sld [smem:$0x3FC9]  }
0x91: {  	s19 =	sld [smem:$0x3FD0];
	(tm) =	ssettm $0x1  }
0x92: {  	s4 =	sld [smem:$0x3FFB];
	_ =	sdelay $0x3  }
0x93: {  	_ =	strace s4  }
0x94: {  	s4 =	sld [smem:$0x3FFC];
	_ =	sdelay $0x3  }
0x95: {  	_ =	strace s4  }
0x96: {  	s4 =	sld [smem:$0x3FFD];
	_ =	sdelay $0x3  }
0x97: {  	_ =	strace s4  }
0x98: {  	_ =	strace $0x8FFFFFFF  }
0x99: {  	s20 =	sld [smem:$0x3FDB];
	_ =	sdelay $0x1  }
0x9a: {  	s5 =	simm.s32 $_scs_section_size  }
0x9b: {  	s6 =	simm.s32 $_size__tile_overlayer_lowered;
	s7 =	simm.s32 $_tile_overlayer_lowered  }
0x9c: {  	s23 =	simm.s32 $0x1BFF;
	s22 =	sshll.u32 s7, $0x1;
	s4 =	sadd.s32 s5, s20  }
0x9d: {  	s8 =	simm.s32 $0x0;
	s21 =	sshll.u32 s6, $0x1;
	s6 =	sadd.s32 s22, s4  }
0x9e: {  	[timem:s8], [sflag:s23] =	dma.local [hbm:s6], s21  }
0x9f: {  	_ =	swait.ge [sflag:s23], s21  }
0xa0: {  	s5 =	ssub.s32 $0x0, s21;
	[sflag:s23] =	ssyncset.done $0x0  }
0xa1: {  	[sflag:s23] =	ssyncadd.s32 s5;
	_ =	sdelay $0x1  }
0xa2: {  	s24 =	simm.s32 $0x1B8B  }
0xa3: {  	_ =	swait.ge [sflag:s24], $0x1  }
0xa4: {  	[sflag:s24] =	ssyncset.done $0x0  }
0xa5: {  	s25 =	simm.s32 $0x1B8E;
	[sflag:s24] =	ssyncadd.s32 $0xFFFFFFFF  }
0xa6: {  	s26 =	simm.s32 $execute0_lowered;
	[smem:$0x3FD2] =	sst s25  }
0xa7: {  	s5 =	sshll.u32 s26, $0x1;
	_ =	strace $0x80000046;
	[dreg:$0x1] =	wrdreg $0xFFFFFFFF  }
0xa8: {  	s28 =	simm.s32 $_size_execute0_lowered;
	s4 =	sadd.s32 s4, s5;
	[dreg:$0x0] =	wrdreg $0x0  }
0xa9: {  	s5 =	sshll.u32 s28, $0x1;
	[dreg:$0x2] =	wrdreg s4  }
0xaa: {  	[dreg:$0x3] =	wrdreg s5  }
0xab: {  	[dreg:$0x4] =	wrdreg $0xC0  }
0xac: {  	_ =	task [dreg:s8], $0x5FFFF  }
0xad: {  	[dreg:$0x1] =	wrdreg $0xFFFFFFFF  }
0xae: {  	[dreg:$0x0] =	wrdreg $0x60  }
0xaf: {  	[dreg:$0x2] =	wrdreg s2  }
0xb0: {  	[dreg:$0x3] =	wrdreg s19  }
0xb1: {  	[dreg:$0x4] =	wrdreg $0x9  }
0xb2: {  	_ =	task.clear_ibuf [dreg:s8], $0x5FFFF;
	_ =	strace $0x90000046  }
0xb3: {  	s29 =	simm.s32 $0x9;
	_ =	strace $0x80000048  }
0xb4: {  	_ =	swait.ge [sflag:s29], $0x1  }
0xb5: {  	[sflag:s29] =	ssyncadd.s32 $0xFFFFFFFF  }
0xb6: {  	_ =	strace $0x90000048  }
0xb7: {  	_ =	sfence  }
0xb8: {  	s30 =	sld [smem:$0x0];
	_ =	sdelay $0x2  }
0xb9: {  	s31 =	sshll.u32 s1, $0xD;
	s1 =	sshrl.u32 s1, $0x2  }
0xba: {  	s3 =	sand.u32 $0x4000, s31;
	s1 =	sadd.s32 s1, s30  }
0xbb: {  	s0 =	sor.u32 s3, s0;
	s1 =	sshll.u32 s1, $0x11  }
0xbc: {  	s0 =	sor.u32 s1, s0  }
0xbd: {  	s0 =	sadd.s32 $0x8F2B, s0  }
0xbe: {  	[sflag:s0] =	ssyncadd.remote.s32 $0x1  }
0xbf: {  	_ =	sfence.sel $0xFFFF  }
0xc0: {  	[dreg:$0x0] =	wrdreg $0xFFFFFFFF;
	(pc) =	sbr.abs _section_cstart, $3  }
0xc1: {  	[dreg:$0x1] =	wrdreg $0xFFFFFFFF  }
0xc2: {  	_ =	task.clear_ibuf [dreg:s8], $0x2FFFF;
	_ =	strace $0x9FFFFFFF  }
0xc3: {  	(tm) =	ssettm $0x7FFFFFFF  }
tec
execute0_lowered:
.L_overlay_start_1:
0x0: {  	(tag) =	ssettag $0x1  }
0x1: {  	s0 =	srdreg.scid  }
0x2: {  	s1 =	stileid.u32;
	s0 =	sand.u32 $0x1, s0  }
0x3: {  	s1 =	sshll.u32 s1, $0x8;
	[dreg:$0x13] =	wrdreg s0;
	s0 =	sshll.u32 s0, $0xC  }
0x4: {  	v33 =	vlaneseq.u32;
	s13 =	sor.u32 s1, s0  }
0x5: {  	v0 =	vor.u32 s13, v33  }
0x6: {  	v1 =	vand.u32 $0x70F, v0  }
0x7: {  	v2 =	vadd.s32 $0xFFFFFD55, v1  }
0x8: {  	v0 =	vshll.u32 v0, $0x2;
	v1 =	vadd.s32 $0xFFFFFAAB, v1;
	v2 =	vshra.s32 v2, $0x1F  }
0x9: {  	v1 =	vshra.s32 v1, $0x1F;
	v0 =	vadd.s32 v0, v2  }
0xa: {  	v0 =	vadd.s32 v1, v0  }
0xb: {  	v0 =	vadd.s32 $0x2, v0  }
0xc: {  	v1 =	vshll.u32 v0, $0x3  }
0xd: {  	v0 =	vand.u32 $0x7, v0;
	v1 =	vand.u32 $0xFFFFFFC0, v1  }
0xe: {  	v30 =	vand.u32 $0x7, v33;
	v1 =	vor.u32 v0, v1;
	v0 =	vshrl.u32 v33, $0x3  }
0xf: {  	v2 =	vperm.xlane v1, v30;
	v31 =	vmul.u32 $0x8, v0;
	_ =	sdelay $0x1  }
0x10: {  	v0 =	vadd.s32 v31, v2;
	_ =	sdelay $0x1  }
0x11: {  	s2 =	rddreg [dreg:$0x0];
	s3 =	simm.s32 $0x0  }
0x12: {  	[smem:$0x7FF] =	sst s3;
	s16 =	sor.u32 $0x10, s13  }
0x13: {  	s15 =	rddreg [dreg:$0x1];
	vm0 =	vmmov $0xffff;
	_ =	strace $0x80000047;
	v2 =	vor.u32 s16, v33  }
0x14: {  	v32 =	vor.u32 $0x8, v33;
	v3 =	vand.u32 $0x71F, v2;
	[tilespmem:s3], [sflag:$0x1] =	stream.indirect_vreg.gather [hbm4b:s2+s3], $0x80, v0, vm0, $0xb8;
	[tilespmem:$0x18000] =	vst v63  }
0x15: {  	s22 =	simm.s32 $0x800;
	s4 =	sadd.s32 $0x100, s2;
	v1 =	vperm.xlane v1, v32;
	v2 =	vshll.u32 v2, $0x2;
	v4 =	vadd.s32 $0xFFFFFD55, v3  }
0x16: {  	v2 =	vand.u32 $0x7FFFFC7C, v2;
	v3 =	vadd.s32 $0xFFFFFAAB, v3;
	v4 =	vshra.s32 v4, $0x1F;
	[tilespmem:s22], [sflag:$0x1] =	stream.indirect_vreg.gather [hbm4b:s4+s3], $0x80, v0, vm0, $0xb8;
	[tilespmem:$0x18000] =	vst v63  }
0x17: {  	s23 =	simm.s32 $0x1000;
	s6 =	sadd.s32 $0x200, s2;
	v1 =	vadd.s32 v31, v1;
	v3 =	vshra.s32 v3, $0x1F;
	v2 =	vadd.s32 v2, v4  }
0x18: {  	v2 =	vadd.s32 v3, v2;
	[tilespmem:s23], [sflag:$0x1] =	stream.indirect_vreg.gather [hbm4b:s6+s3], $0x80, v0, vm0, $0xb8;
	[tilespmem:$0x18000] =	vst v63  }
0x19: {  	s24 =	simm.s32 $0x1800;
	s8 =	sadd.s32 $0x300, s2;
	v2 =	vadd.s32 $0x2, v2  }
0x1a: {  	v3 =	vshll.u32 v2, $0x3;
	[tilespmem:s24], [sflag:$0x1] =	stream.indirect_vreg.gather [hbm4b:s8+s3], $0x80, v0, vm0, $0xb8;
	[tilespmem:$0x18000] =	vst v63  }
0x1b: {  	s25 =	simm.s32 $0x2000;
	v2 =	vand.u32 $0x7, v2;
	v3 =	vand.u32 $0xFFFFFFC0, v3  }
0x1c: {  	v3 =	vor.u32 v2, v3;
	[tilespmem:s25], [sflag:$0x1] =	stream.indirect_vreg.gather [hbm4b:s2+s3], $0x80, v1, vm0, $0xb8;
	[tilespmem:$0x18000] =	vst v63  }
0x1d: {  	s26 =	simm.s32 $0x2800;
	v2 =	vperm.xlane v3, v30  }
0x1e: {  	[tilespmem:s26], [sflag:$0x1] =	stream.indirect_vreg.gather [hbm4b:s4+s3], $0x80, v1, vm0, $0xb8;
	[tilespmem:$0x18000] =	vst v63  }
0x1f: {  	s28 =	simm.s32 $0x3000;
	v2 =	vadd.s32 v31, v2  }
0x20: {  	[tilespmem:s28], [sflag:$0x1] =	stream.indirect_vreg.gather [hbm4b:s6+s3], $0x80, v1, vm0, $0xb8;
	[tilespmem:$0x18000] =	vst v63  }
0x21: {  	s29 =	simm.s32 $0x3800;
	s17 =	sor.u32 $0x20, s13  }
0x22: {  	[tilespmem:s29], [sflag:$0x1] =	stream.indirect_vreg.gather [hbm4b:s8+s3], $0x80, v1, vm0, $0xb8;
	[tilespmem:$0x18000] =	vst v63  }
0x23: {  	s30 =	simm.s32 $0x4000;
	v4 =	vor.u32 s17, v33  }
0x24: {  	v5 =	vand.u32 $0x72F, v4;
	[tilespmem:s30], [sflag:$0x2] =	stream.indirect_vreg.gather [hbm4b:s2+s3], $0x80, v2, vm0, $0xb8;
	[tilespmem:$0x18000] =	vst v63  }
0x25: {  	s31 =	simm.s32 $0x4800;
	v4 =	vshll.u32 v4, $0x2;
	v6 =	vadd.s32 $0xFFFFFD55, v5;
	v3 =	vperm.xlane v3, v32  }
0x26: {  	v4 =	vand.u32 $0x7FFFFCBC, v4;
	v5 =	vadd.s32 $0xFFFFFAAB, v5;
	v6 =	vshra.s32 v6, $0x1F;
	[tilespmem:s31], [sflag:$0x2] =	stream.indirect_vreg.gather [hbm4b:s4+s3], $0x80, v2, vm0, $0xb8;
	[tilespmem:$0x18000] =	vst v63  }
0x27: {  	s5 =	simm.s32 $0x5000;
	v5 =	vshra.s32 v5, $0x1F;
	v4 =	vadd.s32 v4, v6;
	v3 =	vadd.s32 v31, v3  }
0x28: {  	v4 =	vadd.s32 v5, v4;
	[tilespmem:s5], [sflag:$0x2] =	stream.indirect_vreg.gather [hbm4b:s6+s3], $0x80, v2, vm0, $0xb8;
	[tilespmem:$0x18000] =	vst v63  }
0x29: {  	s9 =	simm.s32 $0x5800;
	v4 =	vadd.s32 $0x2, v4  }
0x2a: {  	v5 =	vshll.u32 v4, $0x3;
	[tilespmem:s9], [sflag:$0x2] =	stream.indirect_vreg.gather [hbm4b:s8+s3], $0x80, v2, vm0, $0xb8;
	[tilespmem:$0x18000] =	vst v63  }
0x2b: {  	s12 =	simm.s32 $0x6000;
	v4 =	vand.u32 $0x7, v4;
	v5 =	vand.u32 $0xFFFFFFC0, v5  }
0x2c: {  	v5 =	vor.u32 v4, v5;
	[tilespmem:s12], [sflag:$0x2] =	stream.indirect_vreg.gather [hbm4b:s2+s3], $0x80, v3, vm0, $0xb8;
	[tilespmem:$0x18000] =	vst v63  }
0x2d: {  	s14 =	simm.s32 $0x6800;
	v4 =	vperm.xlane v5, v30  }
0x2e: {  	[tilespmem:s14], [sflag:$0x2] =	stream.indirect_vreg.gather [hbm4b:s4+s3], $0x80, v3, vm0, $0xb8;
	[tilespmem:$0x18000] =	vst v63  }
0x2f: {  	s18 =	simm.s32 $0x7000;
	v4 =	vadd.s32 v31, v4  }
0x30: {  	[tilespmem:s18], [sflag:$0x2] =	stream.indirect_vreg.gather [hbm4b:s6+s3], $0x80, v3, vm0, $0xb8;
	[tilespmem:$0x18000] =	vst v63  }
0x31: {  	s19 =	simm.s32 $0x7800;
	s18 =	sor.u32 $0x30, s13  }
0x32: {  	[tilespmem:s19], [sflag:$0x2] =	stream.indirect_vreg.gather [hbm4b:s8+s3], $0x80, v3, vm0, $0xb8;
	[tilespmem:$0x18000] =	vst v63  }
0x33: {  	s20 =	simm.s32 $0x8000;
	v6 =	vor.u32 s18, v33  }
0x34: {  	v7 =	vand.u32 $0x73F, v6;
	[tilespmem:s20], [sflag:$0x3] =	stream.indirect_vreg.gather [hbm4b:s2+s3], $0x80, v4, vm0, $0xb8;
	[tilespmem:$0x18000] =	vst v63  }
0x35: {  	s21 =	simm.s32 $0x8800;
	v5 =	vperm.xlane v5, v32;
	v6 =	vshll.u32 v6, $0x2;
	v8 =	vadd.s32 $0xFFFFFD55, v7  }
0x36: {  	v6 =	vand.u32 $0x7FFFFCFC, v6;
	v7 =	vadd.s32 $0xFFFFFAAB, v7;
	v8 =	vshra.s32 v8, $0x1F;
	[tilespmem:s21], [sflag:$0x3] =	stream.indirect_vreg.gather [hbm4b:s4+s3], $0x80, v4, vm0, $0xb8;
	[tilespmem:$0x18000] =	vst v63  }
0x37: {  	s22 =	simm.s32 $0x9000;
	v5 =	vadd.s32 v31, v5;
	v7 =	vshra.s32 v7, $0x1F;
	v6 =	vadd.s32 v6, v8  }
0x38: {  	v6 =	vadd.s32 v7, v6;
	[tilespmem:s22], [sflag:$0x3] =	stream.indirect_vreg.gather [hbm4b:s6+s3], $0x80, v4, vm0, $0xb8;
	[tilespmem:$0x18000] =	vst v63  }
0x39: {  	s23 =	simm.s32 $0x9800;
	v6 =	vadd.s32 $0x2, v6  }
0x3a: {  	v7 =	vshll.u32 v6, $0x3;
	[tilespmem:s23], [sflag:$0x3] =	stream.indirect_vreg.gather [hbm4b:s8+s3], $0x80, v4, vm0, $0xb8;
	[tilespmem:$0x18000] =	vst v63  }
0x3b: {  	s24 =	simm.s32 $0xA000;
	v6 =	vand.u32 $0x7, v6;
	v7 =	vand.u32 $0xFFFFFFC0, v7  }
0x3c: {  	v7 =	vor.u32 v6, v7;
	[tilespmem:s24], [sflag:$0x3] =	stream.indirect_vreg.gather [hbm4b:s2+s3], $0x80, v5, vm0, $0xb8;
	[tilespmem:$0x18000] =	vst v63  }
0x3d: {  	s25 =	simm.s32 $0xA800;
	v6 =	vperm.xlane v7, v30  }
0x3e: {  	[tilespmem:s25], [sflag:$0x3] =	stream.indirect_vreg.gather [hbm4b:s4+s3], $0x80, v5, vm0, $0xb8;
	[tilespmem:$0x18000] =	vst v63  }
0x3f: {  	s28 =	simm.s32 $0xB000;
	v6 =	vadd.s32 v31, v6  }
0x40: {  	[tilespmem:s28], [sflag:$0x3] =	stream.indirect_vreg.gather [hbm4b:s6+s3], $0x80, v5, vm0, $0xb8;
	[tilespmem:$0x18000] =	vst v63  }
0x41: {  	s16 =	sshll.u32 s16, $0x7;
	s29 =	simm.s32 $0xB800;
	s19 =	sor.u32 $0x40, s13  }
0x42: {  	[tilespmem:s29], [sflag:$0x3] =	stream.indirect_vreg.gather [hbm4b:s8+s3], $0x80, v5, vm0, $0xb8;
	[tilespmem:$0x18000] =	vst v63  }
0x43: {  	s16 =	sadd.s32 s15, s16;
	s30 =	simm.s32 $0xC000;
	v8 =	vor.u32 s19, v33  }
0x44: {  	v9 =	vand.u32 $0x74F, v8;
	[tilespmem:s30], [sflag:$0x4] =	stream.indirect_vreg.gather [hbm4b:s2+s3], $0x80, v6, vm0, $0xb8;
	[tilespmem:$0x18000] =	vst v63  }
0x45: {  	[dreg:$0x4] =	wrdreg s16;
	s5 =	simm.s32 $0xC800;
	s9 =	simm.s32 $0xD000;
	v8 =	vshll.u32 v8, $0x2;
	v10 =	vadd.s32 $0xFFFFFD55, v9;
	v7 =	vperm.xlane v7, v32  }
0x46: {  	v8 =	vand.u32 $0x7FFFFD3C, v8;
	v9 =	vadd.s32 $0xFFFFFAAB, v9;
	v10 =	vshra.s32 v10, $0x1F;
	[tilespmem:s5], [sflag:$0x4] =	stream.indirect_vreg.gather [hbm4b:s4+s3], $0x80, v6, vm0, $0xb8;
	[tilespmem:$0x18000] =	vst v63  }
0x47: {  	s14 =	simm.s32 $0xD800;
	s20 =	simm.s32 $0xE000;
	s21 =	simm.s32 $0xE800;
	v9 =	vshra.s32 v9, $0x1F;
	v8 =	vadd.s32 v8, v10;
	v7 =	vadd.s32 v31, v7  }
0x48: {  	v8 =	vadd.s32 v9, v8;
	[tilespmem:s9], [sflag:$0x4] =	stream.indirect_vreg.gather [hbm4b:s6+s3], $0x80, v6, vm0, $0xb8;
	[tilespmem:$0x18000] =	vst v63  }
0x49: {  	s22 =	simm.s32 $0xF000;
	s23 =	simm.s32 $0xF800;
	v8 =	vadd.s32 $0x2, v8;
	s24 =	simm.s32 $0x10000  }
0x4a: {  	v9 =	vshll.u32 v8, $0x3;
	[tilespmem:s14], [sflag:$0x4] =	stream.indirect_vreg.gather [hbm4b:s8+s3], $0x80, v6, vm0, $0xb8;
	[tilespmem:$0x18000] =	vst v63  }
0x4b: {  	v8 =	vand.u32 $0x7, v8;
	v9 =	vand.u32 $0xFFFFFFC0, v9;
	s25 =	simm.s32 $0x10800;
	s28 =	simm.s32 $0x11000;
	s5 =	sshll.u32 s17, $0x7  }
0x4c: {  	v9 =	vor.u32 v8, v9;
	[tilespmem:s20], [sflag:$0x4] =	stream.indirect_vreg.gather [hbm4b:s2+s3], $0x80, v7, vm0, $0xb8;
	[tilespmem:$0x18000] =	vst v63  }
0x4d: {  	v8 =	vperm.xlane v9, v30;
	s29 =	simm.s32 $0x11800;
	s16 =	sadd.s32 s15, s5;
	s9 =	simm.s32 $0x12000  }
0x4e: {  	[tilespmem:s21], [sflag:$0x4] =	stream.indirect_vreg.gather [hbm4b:s4+s3], $0x80, v7, vm0, $0xb8;
	[tilespmem:$0x18000] =	vst v63  }
0x4f: {  	v8 =	vadd.s32 v31, v8;
	[dreg:$0x5] =	wrdreg s16;
	s16 =	sor.u32 $0x60, s13;
	s20 =	sshll.u32 s13, $0x7  }
0x50: {  	[tilespmem:s22], [sflag:$0x4] =	stream.indirect_vreg.gather [hbm4b:s6+s3], $0x80, v7, vm0, $0xb8;
	[tilespmem:$0x18000] =	vst v63  }
0x51: {  	s0 =	sshll.u32 s16, $0x7;
	s14 =	sshll.u32 s18, $0x7;
	s20 =	sadd.s32 s15, s20  }
0x52: {  	[tilespmem:s23], [sflag:$0x4] =	stream.indirect_vreg.gather [hbm4b:s8+s3], $0x80, v7, vm0, $0xb8;
	[tilespmem:$0x18000] =	vst v63  }
0x53: {  	s18 =	simm.s32 $0x12800;
	[dreg:$0x3] =	wrdreg s20;
	s20 =	sadd.s32 s15, s14  }
0x54: {  	[tilespmem:s24], [sflag:$0x5] =	stream.indirect_vreg.gather [hbm4b:s2+s3], $0x80, v8, vm0, $0xb8;
	[tilespmem:$0x18000] =	vst v63  }
0x55: {  	v9 =	vperm.xlane v9, v32;
	[dreg:$0x6] =	wrdreg s20;
	s22 =	sshll.u32 s19, $0x7;
	s19 =	sadd.s32 s15, s0  }
0x56: {  	[tilespmem:s25], [sflag:$0x5] =	stream.indirect_vreg.gather [hbm4b:s4+s3], $0x80, v8, vm0, $0xb8;
	[tilespmem:$0x18000] =	vst v63  }
0x57: {  	v9 =	vadd.s32 v31, v9;
	s21 =	simm.s32 $0x13000;
	s20 =	sor.u32 $0x80, s13;
	[dreg:$0x9] =	wrdreg s19  }
0x58: {  	[tilespmem:s28], [sflag:$0x5] =	stream.indirect_vreg.gather [hbm4b:s6+s3], $0x80, v8, vm0, $0xb8;
	[tilespmem:$0x18000] =	vst v63  }
0x59: {  	s23 =	sor.u32 $0x50, s13;
	s24 =	sor.u32 $0x90, s13;
	s25 =	sadd.s32 s15, s22  }
0x5a: {  	[tilespmem:s29], [sflag:$0x5] =	stream.indirect_vreg.gather [hbm4b:s8+s3], $0x80, v8, vm0, $0xb8;
	[tilespmem:$0x18000] =	vst v63  }
0x5b: {  	s14 =	sshll.u32 s24, $0x7;
	[dreg:$0x7] =	wrdreg s25;
	s28 =	sshll.u32 s23, $0x7  }
0x5c: {  	[tilespmem:s9], [sflag:$0x5] =	stream.indirect_vreg.gather [hbm4b:s2+s3], $0x80, v9, vm0, $0xb8;
	[tilespmem:$0x18000] =	vst v63  }
0x5d: {  	v10 =	vor.u32 s23, v33;
	s23 =	sor.u32 $0xA0, s13;
	s29 =	sadd.s32 s15, s28;
	s28 =	sor.u32 $0xB0, s13  }
0x5e: {  	[tilespmem:s18], [sflag:$0x5] =	stream.indirect_vreg.gather [hbm4b:s4+s3], $0x80, v9, vm0, $0xb8;
	[tilespmem:$0x18000] =	vst v63  }
0x5f: {  	[dreg:$0x8] =	wrdreg s29;
	s22 =	sshll.u32 s28, $0x7;
	s18 =	sor.u32 $0x70, s13  }
0x60: {  	s29 =	sor.u32 $0xC0, s13;
	s25 =	sadd.s32 s15, s22;
	s5 =	sshll.u32 s18, $0x7  }
0x61: {  	[tilespmem:s21], [sflag:$0x5] =	stream.indirect_vreg.gather [hbm4b:s6+s3], $0x80, v9, vm0, $0xb8;
	[tilespmem:$0x18000] =	vst v63  }
0x62: {  	s0 =	sshll.u32 s29, $0x7;
	[dreg:$0xe] =	wrdreg s25;
	s19 =	sadd.s32 s15, s5  }
0x63: {  	v11 =	vand.u32 $0x75F, v10;
	s21 =	sshll.u32 s20, $0x7;
	s5 =	sadd.s32 s15, s0;
	[dreg:$0xa] =	wrdreg s19  }
0x64: {  	v10 =	vshll.u32 v10, $0x2;
	v12 =	vadd.s32 $0xFFFFFD55, v11;
	s22 =	sor.u32 $0xD0, s13;
	s9 =	sadd.s32 s15, s21;
	[dreg:$0xf] =	wrdreg s5  }
0x65: {  	v10 =	vand.u32 $0x7FFFFD7C, v10;
	v11 =	vadd.s32 $0xFFFFFAAB, v11;
	v12 =	vshra.s32 v12, $0x1F;
	s19 =	sadd.s32 s15, s14;
	s21 =	sshll.u32 s23, $0x7;
	[dreg:$0xb] =	wrdreg s9  }
0x66: {  	v11 =	vshra.s32 v11, $0x1F;
	v10 =	vadd.s32 v10, v12;
	s5 =	sor.u32 $0xE0, s13;
	s14 =	sor.u32 $0xF0, s13;
	[dreg:$0xc] =	wrdreg s19  }
0x67: {  	v10 =	vadd.s32 v11, v10;
	s17 =	sadd.s32 s15, s21;
	[dreg:$0x15] =	wrdreg s5;
	s9 =	sshll.u32 s22, $0x7  }
0x68: {  	v10 =	vadd.s32 $0x2, v10;
	[dreg:$0x14] =	wrdreg s14;
	s21 =	sshll.u32 s5, $0x7;
	s5 =	sshll.u32 s14, $0x7  }
0x69: {  	v11 =	vshll.u32 v10, $0x3;
	s14 =	simm.s32 $0x13800;
	[dreg:$0xd] =	wrdreg s17;
	s19 =	sadd.s32 s15, s9  }
0x6a: {  	v10 =	vand.u32 $0x7, v10;
	v11 =	vand.u32 $0xFFFFFFC0, v11;
	[tilespmem:s14], [sflag:$0x5] =	stream.indirect_vreg.gather [hbm4b:s8+s3], $0x80, v9, vm0, $0xb8;
	[tilespmem:$0x18000] =	vst v63  }
0x6b: {  	v11 =	vor.u32 v10, v11;
	s25 =	sadd.s32 s15, s21;
	[dreg:$0x10] =	wrdreg s19  }
0x6c: {  	v10 =	vperm.xlane v11, v30;
	s9 =	sadd.s32 s15, s5;
	[dreg:$0x11] =	wrdreg s25  }
0x6d: {  	[dreg:$0x12] =	wrdreg s9;
	s25 =	simm.s32 $0x1  }
0x6e: {  	v10 =	vadd.s32 v31, v10;
	_ =	swait.ge [sflag:s25], $0x4000  }
0x6f: {  	[sflag:s25] =	ssyncset.done $0x0  }
0x70: {  	s13 =	rddreg [dreg:$0x3];
	[sflag:s25] =	ssyncadd.s32 $0xFFFFC000  }
0x71: {  	[hbm4b:s13+s3] =	stream.linear.scatter [tilespmem:s3], [sflag:$0x7], $0x4000, $0x38;
	[tilespmem:$0x18000] =	vst v63  }
0x72: {  	s17 =	simm.s32 $0x14000  }
0x73: {  	[tilespmem:s17], [sflag:$0x6] =	stream.indirect_vreg.gather [hbm4b:s2+s3], $0x80, v10, vm0, $0xb8;
	[tilespmem:$0x18000] =	vst v63  }
0x74: {  	v11 =	vperm.xlane v11, v32;
	s19 =	simm.s32 $0x14800  }
0x75: {  	[tilespmem:s19], [sflag:$0x6] =	stream.indirect_vreg.gather [hbm4b:s4+s3], $0x80, v10, vm0, $0xb8;
	[tilespmem:$0x18000] =	vst v63  }
0x76: {  	v11 =	vadd.s32 v31, v11;
	s21 =	simm.s32 $0x15000  }
0x77: {  	[tilespmem:s21], [sflag:$0x6] =	stream.indirect_vreg.gather [hbm4b:s6+s3], $0x80, v10, vm0, $0xb8;
	[tilespmem:$0x18000] =	vst v63  }
0x78: {  	v12 =	vor.u32 s16, v33;
	s5 =	simm.s32 $0x15800  }
0x79: {  	v13 =	vand.u32 $0x76F, v12;
	[tilespmem:s5], [sflag:$0x6] =	stream.indirect_vreg.gather [hbm4b:s8+s3], $0x80, v10, vm0, $0xb8;
	[tilespmem:$0x18000] =	vst v63  }
0x7a: {  	v12 =	vshll.u32 v12, $0x2;
	v14 =	vadd.s32 $0xFFFFFD55, v13;
	s9 =	simm.s32 $0x16000  }
0x7b: {  	v12 =	vand.u32 $0x7FFFFDBC, v12;
	v13 =	vadd.s32 $0xFFFFFAAB, v13;
	v14 =	vshra.s32 v14, $0x1F;
	[tilespmem:s9], [sflag:$0x6] =	stream.indirect_vreg.gather [hbm4b:s2+s3], $0x80, v11, vm0, $0xb8;
	[tilespmem:$0x18000] =	vst v63  }
0x7c: {  	v13 =	vshra.s32 v13, $0x1F;
	v12 =	vadd.s32 v12, v14;
	s13 =	simm.s32 $0x16800  }
0x7d: {  	v12 =	vadd.s32 v13, v12;
	[tilespmem:s13], [sflag:$0x6] =	stream.indirect_vreg.gather [hbm4b:s4+s3], $0x80, v11, vm0, $0xb8;
	[tilespmem:$0x18000] =	vst v63  }
0x7e: {  	v12 =	vadd.s32 $0x2, v12;
	s15 =	simm.s32 $0x17000  }
0x7f: {  	v13 =	vshll.u32 v12, $0x3;
	[tilespmem:s15], [sflag:$0x6] =	stream.indirect_vreg.gather [hbm4b:s6+s3], $0x80, v11, vm0, $0xb8;
	[tilespmem:$0x18000] =	vst v63  }
0x80: {  	v12 =	vand.u32 $0x7, v12;
	v13 =	vand.u32 $0xFFFFFFC0, v13;
	s5 =	simm.s32 $0x17800;
	s9 =	simm.s32 $0x2  }
0x81: {  	v13 =	vor.u32 v12, v13;
	[tilespmem:s5], [sflag:$0x6] =	stream.indirect_vreg.gather [hbm4b:s8+s3], $0x80, v11, vm0, $0xb8;
	[tilespmem:$0x18000] =	vst v63  }
0x82: {  	v12 =	vperm.xlane v13, v30;
	_ =	swait.ge [sflag:s9], $0x4000  }
0x83: {  	s0 =	simm.s32 $0x4000;
	[sflag:s9] =	ssyncset.done $0x0  }
0x84: {  	v12 =	vadd.s32 v31, v12;
	s13 =	simm.s32 $0x7;
	s16 =	rddreg [dreg:$0x4];
	[sflag:s9] =	ssyncadd.s32 $0xFFFFC000  }
0x85: {  	[hbm4b:s16+s3] =	stream.linear.scatter [tilespmem:s0], [sflag:$0x8], $0x4000, $0x38;
	[tilespmem:$0x18000] =	vst v63  }
0x86: {  	_ =	swait.ge [sflag:s13], $0x4000  }
0x87: {  	[sflag:s13] =	ssyncset.done $0x0  }
0x88: {  	[sflag:s13] =	ssyncadd.s32 $0xFFFFC000  }
0x89: {  	[tilespmem:s3], [sflag:$0x1] =	stream.indirect_vreg.gather [hbm4b:s2+s3], $0x80, v12, vm0, $0xb8;
	[tilespmem:$0x18000] =	vst v63  }
0x8a: {  	v13 =	vperm.xlane v13, v32;
	s19 =	simm.s32 $0x800  }
0x8b: {  	[tilespmem:s19], [sflag:$0x1] =	stream.indirect_vreg.gather [hbm4b:s4+s3], $0x80, v12, vm0, $0xb8;
	[tilespmem:$0x18000] =	vst v63  }
0x8c: {  	v13 =	vadd.s32 v31, v13;
	s21 =	simm.s32 $0x1000  }
0x8d: {  	[tilespmem:s21], [sflag:$0x1] =	stream.indirect_vreg.gather [hbm4b:s6+s3], $0x80, v12, vm0, $0xb8;
	[tilespmem:$0x18000] =	vst v63  }
0x8e: {  	s10 =	simm.s32 $0x1800;
	v14 =	vor.u32 s18, v33  }
0x8f: {  	v15 =	vand.u32 $0x77F, v14;
	[tilespmem:s10], [sflag:$0x1] =	stream.indirect_vreg.gather [hbm4b:s8+s3], $0x80, v12, vm0, $0xb8;
	[tilespmem:$0x18000] =	vst v63  }
0x90: {  	s1 =	simm.s32 $0x2000;
	v14 =	vshll.u32 v14, $0x2;
	v16 =	vadd.s32 $0xFFFFFD55, v15  }
0x91: {  	v14 =	vand.u32 $0x7FFFFDFC, v14;
	v15 =	vadd.s32 $0xFFFFFAAB, v15;
	v16 =	vshra.s32 v16, $0x1F;
	[tilespmem:s1], [sflag:$0x1] =	stream.indirect_vreg.gather [hbm4b:s2+s3], $0x80, v13, vm0, $0xb8;
	[tilespmem:$0x18000] =	vst v63  }
0x92: {  	s7 =	simm.s32 $0x2800;
	v15 =	vshra.s32 v15, $0x1F;
	v14 =	vadd.s32 v14, v16  }
0x93: {  	v14 =	vadd.s32 v15, v14;
	[tilespmem:s7], [sflag:$0x1] =	stream.indirect_vreg.gather [hbm4b:s4+s3], $0x80, v13, vm0, $0xb8;
	[tilespmem:$0x18000] =	vst v63  }
0x94: {  	v14 =	vadd.s32 $0x2, v14;
	s16 =	simm.s32 $0x3000  }
0x95: {  	v15 =	vshll.u32 v14, $0x3;
	[tilespmem:s16], [sflag:$0x1] =	stream.indirect_vreg.gather [hbm4b:s6+s3], $0x80, v13, vm0, $0xb8;
	[tilespmem:$0x18000] =	vst v63  }
0x96: {  	s11 =	simm.s32 $0x3800;
	v14 =	vand.u32 $0x7, v14;
	v15 =	vand.u32 $0xFFFFFFC0, v15;
	s10 =	simm.s32 $0x3  }
0x97: {  	v15 =	vor.u32 v14, v15;
	[tilespmem:s11], [sflag:$0x1] =	stream.indirect_vreg.gather [hbm4b:s8+s3], $0x80, v13, vm0, $0xb8;
	[tilespmem:$0x18000] =	vst v63  }
0x98: {  	v14 =	vperm.xlane v15, v30;
	_ =	swait.ge [sflag:s10], $0x4000  }
0x99: {  	s12 =	simm.s32 $0x8000;
	[sflag:s10] =	ssyncset.done $0x0  }
0x9a: {  	v14 =	vadd.s32 v31, v14;
	s11 =	simm.s32 $0x8;
	s17 =	rddreg [dreg:$0x5];
	[sflag:s10] =	ssyncadd.s32 $0xFFFFC000  }
0x9b: {  	[hbm4b:s17+s3] =	stream.linear.scatter [tilespmem:s12], [sflag:$0x9], $0x4000, $0x38;
	[tilespmem:$0x18000] =	vst v63  }
0x9c: {  	_ =	swait.ge [sflag:s11], $0x4000  }
0x9d: {  	[sflag:s11] =	ssyncset.done $0x0  }
0x9e: {  	[sflag:s11] =	ssyncadd.s32 $0xFFFFC000  }
0x9f: {  	[tilespmem:s0], [sflag:$0x2] =	stream.indirect_vreg.gather [hbm4b:s2+s3], $0x80, v14, vm0, $0xb8;
	[tilespmem:$0x18000] =	vst v63  }
0xa0: {  	s18 =	simm.s32 $0x4800;
	v15 =	vperm.xlane v15, v32  }
0xa1: {  	[tilespmem:s18], [sflag:$0x2] =	stream.indirect_vreg.gather [hbm4b:s4+s3], $0x80, v14, vm0, $0xb8;
	[tilespmem:$0x18000] =	vst v63  }
0xa2: {  	v15 =	vadd.s32 v31, v15;
	s19 =	simm.s32 $0x5000  }
0xa3: {  	[tilespmem:s19], [sflag:$0x2] =	stream.indirect_vreg.gather [hbm4b:s6+s3], $0x80, v14, vm0, $0xb8;
	[tilespmem:$0x18000] =	vst v63  }
0xa4: {  	v16 =	vor.u32 s20, v33;
	s21 =	simm.s32 $0x5800  }
0xa5: {  	v17 =	vand.u32 $0x78F, v16;
	[tilespmem:s21], [sflag:$0x2] =	stream.indirect_vreg.gather [hbm4b:s8+s3], $0x80, v14, vm0, $0xb8;
	[tilespmem:$0x18000] =	vst v63  }
0xa6: {  	s31 =	simm.s32 $0x6000;
	v16 =	vshll.u32 v16, $0x2;
	v18 =	vadd.s32 $0xFFFFFD55, v17  }
0xa7: {  	v16 =	vand.u32 $0x7FFFFE3C, v16;
	v17 =	vadd.s32 $0xFFFFFAAB, v17;
	v18 =	vshra.s32 v18, $0x1F;
	[tilespmem:s31], [sflag:$0x2] =	stream.indirect_vreg.gather [hbm4b:s2+s3], $0x80, v15, vm0, $0xb8;
	[tilespmem:$0x18000] =	vst v63  }
0xa8: {  	s26 =	simm.s32 $0x6800;
	v17 =	vshra.s32 v17, $0x1F;
	v16 =	vadd.s32 v16, v18  }
0xa9: {  	v16 =	vadd.s32 v17, v16;
	[tilespmem:s26], [sflag:$0x2] =	stream.indirect_vreg.gather [hbm4b:s4+s3], $0x80, v15, vm0, $0xb8;
	[tilespmem:$0x18000] =	vst v63  }
0xaa: {  	v16 =	vadd.s32 $0x2, v16;
	s31 =	simm.s32 $0x7000  }
0xab: {  	v17 =	vshll.u32 v16, $0x3;
	[tilespmem:s31], [sflag:$0x2] =	stream.indirect_vreg.gather [hbm4b:s6+s3], $0x80, v15, vm0, $0xb8;
	[tilespmem:$0x18000] =	vst v63  }
0xac: {  	v16 =	vand.u32 $0x7, v16;
	v17 =	vand.u32 $0xFFFFFFC0, v17;
	s17 =	simm.s32 $0x4;
	s0 =	simm.s32 $0x7800  }
0xad: {  	v17 =	vor.u32 v16, v17;
	[tilespmem:s0], [sflag:$0x2] =	stream.indirect_vreg.gather [hbm4b:s8+s3], $0x80, v15, vm0, $0xb8;
	[tilespmem:$0x18000] =	vst v63  }
0xae: {  	v16 =	vperm.xlane v17, v30;
	_ =	swait.ge [sflag:s17], $0x4000  }
0xaf: {  	s30 =	simm.s32 $0xC000;
	[sflag:s17] =	ssyncset.done $0x0  }
0xb0: {  	v16 =	vadd.s32 v31, v16;
	s18 =	simm.s32 $0x9;
	s7 =	rddreg [dreg:$0x6];
	[sflag:s17] =	ssyncadd.s32 $0xFFFFC000  }
0xb1: {  	[hbm4b:s7+s3] =	stream.linear.scatter [tilespmem:s30], [sflag:$0xA], $0x4000, $0x38;
	[tilespmem:$0x18000] =	vst v63  }
0xb2: {  	_ =	swait.ge [sflag:s18], $0x4000  }
0xb3: {  	[sflag:s18] =	ssyncset.done $0x0  }
0xb4: {  	[sflag:s18] =	ssyncadd.s32 $0xFFFFC000  }
0xb5: {  	[tilespmem:s12], [sflag:$0x3] =	stream.indirect_vreg.gather [hbm4b:s2+s3], $0x80, v16, vm0, $0xb8;
	[tilespmem:$0x18000] =	vst v63  }
0xb6: {  	v17 =	vperm.xlane v17, v32;
	s31 =	simm.s32 $0x8800  }
0xb7: {  	[tilespmem:s31], [sflag:$0x3] =	stream.indirect_vreg.gather [hbm4b:s4+s3], $0x80, v16, vm0, $0xb8;
	[tilespmem:$0x18000] =	vst v63  }
0xb8: {  	v17 =	vadd.s32 v31, v17;
	s15 =	simm.s32 $0x9000  }
0xb9: {  	[tilespmem:s15], [sflag:$0x3] =	stream.indirect_vreg.gather [hbm4b:s6+s3], $0x80, v16, vm0, $0xb8;
	[tilespmem:$0x18000] =	vst v63  }
0xba: {  	v18 =	vor.u32 s24, v33;
	s16 =	simm.s32 $0x9800  }
0xbb: {  	v19 =	vand.u32 $0x79F, v18;
	[tilespmem:s16], [sflag:$0x3] =	stream.indirect_vreg.gather [hbm4b:s8+s3], $0x80, v16, vm0, $0xb8;
	[tilespmem:$0x18000] =	vst v63  }
0xbc: {  	v18 =	vshll.u32 v18, $0x2;
	v20 =	vadd.s32 $0xFFFFFD55, v19;
	s19 =	simm.s32 $0xA000  }
0xbd: {  	v18 =	vand.u32 $0x7FFFFE7C, v18;
	v19 =	vadd.s32 $0xFFFFFAAB, v19;
	v20 =	vshra.s32 v20, $0x1F;
	[tilespmem:s19], [sflag:$0x3] =	stream.indirect_vreg.gather [hbm4b:s2+s3], $0x80, v17, vm0, $0xb8;
	[tilespmem:$0x18000] =	vst v63  }
0xbe: {  	s20 =	simm.s32 $0xA800;
	v19 =	vshra.s32 v19, $0x1F;
	v18 =	vadd.s32 v18, v20  }
0xbf: {  	v18 =	vadd.s32 v19, v18;
	[tilespmem:s20], [sflag:$0x3] =	stream.indirect_vreg.gather [hbm4b:s4+s3], $0x80, v17, vm0, $0xb8;
	[tilespmem:$0x18000] =	vst v63  }
0xc0: {  	v18 =	vadd.s32 $0x2, v18;
	s21 =	simm.s32 $0xB000  }
0xc1: {  	v19 =	vshll.u32 v18, $0x3;
	[tilespmem:s21], [sflag:$0x3] =	stream.indirect_vreg.gather [hbm4b:s6+s3], $0x80, v17, vm0, $0xb8;
	[tilespmem:$0x18000] =	vst v63  }
0xc2: {  	s24 =	simm.s32 $0xB800;
	v18 =	vand.u32 $0x7, v18;
	v19 =	vand.u32 $0xFFFFFFC0, v19;
	s19 =	simm.s32 $0x5  }
0xc3: {  	v19 =	vor.u32 v18, v19;
	[tilespmem:s24], [sflag:$0x3] =	stream.indirect_vreg.gather [hbm4b:s8+s3], $0x80, v17, vm0, $0xb8;
	[tilespmem:$0x18000] =	vst v63  }
0xc4: {  	v18 =	vperm.xlane v19, v30;
	_ =	swait.ge [sflag:s19], $0x4000  }
0xc5: {  	s1 =	simm.s32 $0x10000;
	[sflag:s19] =	ssyncset.done $0x0  }
0xc6: {  	v18 =	vadd.s32 v31, v18;
	s20 =	simm.s32 $0xA;
	s26 =	rddreg [dreg:$0x7];
	[sflag:s19] =	ssyncadd.s32 $0xFFFFC000  }
0xc7: {  	[hbm4b:s26+s3] =	stream.linear.scatter [tilespmem:s1], [sflag:$0xB], $0x4000, $0x38;
	[tilespmem:$0x18000] =	vst v63  }
0xc8: {  	_ =	swait.ge [sflag:s20], $0x4000  }
0xc9: {  	[sflag:s20] =	ssyncset.done $0x0  }
0xca: {  	[sflag:s20] =	ssyncadd.s32 $0xFFFFC000  }
0xcb: {  	[tilespmem:s30], [sflag:$0x4] =	stream.indirect_vreg.gather [hbm4b:s2+s3], $0x80, v18, vm0, $0xb8;
	[tilespmem:$0x18000] =	vst v63  }
0xcc: {  	v19 =	vperm.xlane v19, v32;
	s24 =	simm.s32 $0xC800  }
0xcd: {  	[tilespmem:s24], [sflag:$0x4] =	stream.indirect_vreg.gather [hbm4b:s4+s3], $0x80, v18, vm0, $0xb8;
	[tilespmem:$0x18000] =	vst v63  }
0xce: {  	v19 =	vadd.s32 v31, v19;
	s26 =	simm.s32 $0xD000  }
0xcf: {  	[tilespmem:s26], [sflag:$0x4] =	stream.indirect_vreg.gather [hbm4b:s6+s3], $0x80, v18, vm0, $0xb8;
	[tilespmem:$0x18000] =	vst v63  }
0xd0: {  	s30 =	simm.s32 $0xD800  }
0xd1: {  	v20 =	vor.u32 s23, v33;
	[tilespmem:s30], [sflag:$0x4] =	stream.indirect_vreg.gather [hbm4b:s8+s3], $0x80, v18, vm0, $0xb8;
	[tilespmem:$0x18000] =	vst v63  }
0xd2: {  	s23 =	simm.s32 $0xE000;
	v21 =	vand.u32 $0x7AF, v20  }
0xd3: {  	v20 =	vshll.u32 v20, $0x2;
	v22 =	vadd.s32 $0xFFFFFD55, v21;
	[tilespmem:s23], [sflag:$0x4] =	stream.indirect_vreg.gather [hbm4b:s2+s3], $0x80, v19, vm0, $0xb8;
	[tilespmem:$0x18000] =	vst v63  }
0xd4: {  	v20 =	vand.u32 $0x7FFFFEBC, v20;
	v21 =	vadd.s32 $0xFFFFFAAB, v21;
	v22 =	vshra.s32 v22, $0x1F;
	s15 =	simm.s32 $0xE800  }
0xd5: {  	v21 =	vshra.s32 v21, $0x1F;
	v20 =	vadd.s32 v20, v22;
	[tilespmem:s15], [sflag:$0x4] =	stream.indirect_vreg.gather [hbm4b:s4+s3], $0x80, v19, vm0, $0xb8;
	[tilespmem:$0x18000] =	vst v63  }
0xd6: {  	v20 =	vadd.s32 v21, v20;
	s12 =	simm.s32 $0xF000  }
0xd7: {  	v20 =	vadd.s32 $0x2, v20;
	[tilespmem:s12], [sflag:$0x4] =	stream.indirect_vreg.gather [hbm4b:s6+s3], $0x80, v19, vm0, $0xb8;
	[tilespmem:$0x18000] =	vst v63  }
0xd8: {  	v21 =	vshll.u32 v20, $0x3;
	s7 =	simm.s32 $0xF800;
	s21 =	simm.s32 $0x6  }
0xd9: {  	v20 =	vand.u32 $0x7, v20;
	v21 =	vand.u32 $0xFFFFFFC0, v21;
	[tilespmem:s7], [sflag:$0x4] =	stream.indirect_vreg.gather [hbm4b:s8+s3], $0x80, v19, vm0, $0xb8;
	[tilespmem:$0x18000] =	vst v63  }
0xda: {  	v21 =	vor.u32 v20, v21;
	_ =	swait.ge [sflag:s21], $0x4000  }
0xdb: {  	v20 =	vperm.xlane v21, v30;
	[sflag:s21] =	ssyncset.done $0x0  }
0xdc: {  	s0 =	simm.s32 $0x14000;
	s16 =	rddreg [dreg:$0x8];
	[sflag:s21] =	ssyncadd.s32 $0xFFFFC000  }
0xdd: {  	v20 =	vadd.s32 v31, v20;
	[hbm4b:s16+s3] =	stream.linear.scatter [tilespmem:s0], [sflag:$0xC], $0x4000, $0x38;
	[tilespmem:$0x18000] =	vst v63  }
0xde: {  	s16 =	simm.s32 $0xB  }
0xdf: {  	_ =	swait.ge [sflag:s16], $0x4000  }
0xe0: {  	[sflag:s16] =	ssyncset.done $0x0  }
0xe1: {  	[sflag:s16] =	ssyncadd.s32 $0xFFFFC000  }
0xe2: {  	[tilespmem:s1], [sflag:$0x5] =	stream.indirect_vreg.gather [hbm4b:s2+s3], $0x80, v20, vm0, $0xb8;
	[tilespmem:$0x18000] =	vst v63  }
0xe3: {  	v21 =	vperm.xlane v21, v32;
	s1 =	simm.s32 $0x10800  }
0xe4: {  	[tilespmem:s1], [sflag:$0x5] =	stream.indirect_vreg.gather [hbm4b:s4+s3], $0x80, v20, vm0, $0xb8;
	[tilespmem:$0x18000] =	vst v63  }
0xe5: {  	v21 =	vadd.s32 v31, v21;
	s1 =	simm.s32 $0x11000  }
0xe6: {  	[tilespmem:s1], [sflag:$0x5] =	stream.indirect_vreg.gather [hbm4b:s6+s3], $0x80, v20, vm0, $0xb8;
	[tilespmem:$0x18000] =	vst v63  }
0xe7: {  	s1 =	simm.s32 $0x11800  }
0xe8: {  	v22 =	vor.u32 s28, v33;
	[tilespmem:s1], [sflag:$0x5] =	stream.indirect_vreg.gather [hbm4b:s8+s3], $0x80, v20, vm0, $0xb8;
	[tilespmem:$0x18000] =	vst v63  }
0xe9: {  	s28 =	simm.s32 $0x12000;
	v23 =	vand.u32 $0x7BF, v22  }
0xea: {  	v22 =	vshll.u32 v22, $0x2;
	v24 =	vadd.s32 $0xFFFFFD55, v23;
	[tilespmem:s28], [sflag:$0x5] =	stream.indirect_vreg.gather [hbm4b:s2+s3], $0x80, v21, vm0, $0xb8;
	[tilespmem:$0x18000] =	vst v63  }
0xeb: {  	v22 =	vand.u32 $0x7FFFFEFC, v22;
	v23 =	vadd.s32 $0xFFFFFAAB, v23;
	v24 =	vshra.s32 v24, $0x1F;
	s28 =	simm.s32 $0x12800  }
0xec: {  	v23 =	vshra.s32 v23, $0x1F;
	v22 =	vadd.s32 v22, v24;
	[tilespmem:s28], [sflag:$0x5] =	stream.indirect_vreg.gather [hbm4b:s4+s3], $0x80, v21, vm0, $0xb8;
	[tilespmem:$0x18000] =	vst v63  }
0xed: {  	v22 =	vadd.s32 v23, v22;
	s28 =	simm.s32 $0x13000  }
0xee: {  	v22 =	vadd.s32 $0x2, v22;
	[tilespmem:s28], [sflag:$0x5] =	stream.indirect_vreg.gather [hbm4b:s6+s3], $0x80, v21, vm0, $0xb8;
	[tilespmem:$0x18000] =	vst v63  }
0xef: {  	v23 =	vshll.u32 v22, $0x3  }
0xf0: {  	v22 =	vand.u32 $0x7, v22;
	v23 =	vand.u32 $0xFFFFFFC0, v23;
	[tilespmem:s14], [sflag:$0x5] =	stream.indirect_vreg.gather [hbm4b:s8+s3], $0x80, v21, vm0, $0xb8;
	[tilespmem:$0x18000] =	vst v63  }
0xf1: {  	v23 =	vor.u32 v22, v23;
	_ =	swait.ge [sflag:s25], $0x4000  }
0xf2: {  	v22 =	vperm.xlane v23, v30;
	[sflag:s25] =	ssyncset.done $0x0  }
0xf3: {  	s14 =	rddreg [dreg:$0x9];
	[sflag:s25] =	ssyncadd.s32 $0xFFFFC000  }
0xf4: {  	v22 =	vadd.s32 v31, v22;
	[hbm4b:s14+s3] =	stream.linear.scatter [tilespmem:s3], [sflag:$0x7], $0x4000, $0x38;
	[tilespmem:$0x18000] =	vst v63  }
0xf5: {  	s14 =	simm.s32 $0xC  }
0xf6: {  	_ =	swait.ge [sflag:s14], $0x4000  }
0xf7: {  	[sflag:s14] =	ssyncset.done $0x0  }
0xf8: {  	[sflag:s14] =	ssyncadd.s32 $0xFFFFC000  }
0xf9: {  	[tilespmem:s0], [sflag:$0x6] =	stream.indirect_vreg.gather [hbm4b:s2+s3], $0x80, v22, vm0, $0xb8;
	[tilespmem:$0x18000] =	vst v63  }
0xfa: {  	v23 =	vperm.xlane v23, v32;
	s1 =	simm.s32 $0x14800  }
0xfb: {  	[tilespmem:s1], [sflag:$0x6] =	stream.indirect_vreg.gather [hbm4b:s4+s3], $0x80, v22, vm0, $0xb8;
	[tilespmem:$0x18000] =	vst v63  }
0xfc: {  	v23 =	vadd.s32 v31, v23;
	s28 =	simm.s32 $0x15000  }
0xfd: {  	[tilespmem:s28], [sflag:$0x6] =	stream.indirect_vreg.gather [hbm4b:s6+s3], $0x80, v22, vm0, $0xb8;
	[tilespmem:$0x18000] =	vst v63  }
0xfe: {  	v24 =	vor.u32 s29, v33;
	s1 =	simm.s32 $0x15800  }
0xff: {  	v25 =	vand.u32 $0x7CF, v24;
	[tilespmem:s1], [sflag:$0x6] =	stream.indirect_vreg.gather [hbm4b:s8+s3], $0x80, v22, vm0, $0xb8;
	[tilespmem:$0x18000] =	vst v63  }
0x100: {  	v24 =	vshll.u32 v24, $0x2;
	v26 =	vadd.s32 $0xFFFFFD55, v25;
	s28 =	simm.s32 $0x16000  }
0x101: {  	v24 =	vand.u32 $0x7FFFFF3C, v24;
	v25 =	vadd.s32 $0xFFFFFAAB, v25;
	v26 =	vshra.s32 v26, $0x1F;
	[tilespmem:s28], [sflag:$0x6] =	stream.indirect_vreg.gather [hbm4b:s2+s3], $0x80, v23, vm0, $0xb8;
	[tilespmem:$0x18000] =	vst v63  }
0x102: {  	s29 =	simm.s32 $0x16800;
	v25 =	vshra.s32 v25, $0x1F;
	v24 =	vadd.s32 v24, v26  }
0x103: {  	v24 =	vadd.s32 v25, v24;
	[tilespmem:s29], [sflag:$0x6] =	stream.indirect_vreg.gather [hbm4b:s4+s3], $0x80, v23, vm0, $0xb8;
	[tilespmem:$0x18000] =	vst v63  }
0x104: {  	v24 =	vadd.s32 $0x2, v24;
	s1 =	simm.s32 $0x17000  }
0x105: {  	v25 =	vshll.u32 v24, $0x3;
	[tilespmem:s1], [sflag:$0x6] =	stream.indirect_vreg.gather [hbm4b:s6+s3], $0x80, v23, vm0, $0xb8;
	[tilespmem:$0x18000] =	vst v63  }
0x106: {  	v24 =	vand.u32 $0x7, v24;
	v25 =	vand.u32 $0xFFFFFFC0, v25  }
0x107: {  	v25 =	vor.u32 v24, v25;
	[tilespmem:s5], [sflag:$0x6] =	stream.indirect_vreg.gather [hbm4b:s8+s3], $0x80, v23, vm0, $0xb8;
	[tilespmem:$0x18000] =	vst v63  }
0x108: {  	v24 =	vperm.xlane v25, v30;
	_ =	swait.ge [sflag:s9], $0x4000  }
0x109: {  	[sflag:s9] =	ssyncset.done $0x0  }
0x10a: {  	v24 =	vadd.s32 v31, v24;
	s5 =	simm.s32 $0x4000;
	s28 =	rddreg [dreg:$0xa];
	[sflag:s9] =	ssyncadd.s32 $0xFFFFC000  }
0x10b: {  	[hbm4b:s28+s3] =	stream.linear.scatter [tilespmem:s5], [sflag:$0x8], $0x4000, $0x38;
	[tilespmem:$0x18000] =	vst v63  }
0x10c: {  	_ =	swait.ge [sflag:s13], $0x4000  }
0x10d: {  	[sflag:s13] =	ssyncset.done $0x0  }
0x10e: {  	[sflag:s13] =	ssyncadd.s32 $0xFFFFC000  }
0x10f: {  	[tilespmem:s3], [sflag:$0x1] =	stream.indirect_vreg.gather [hbm4b:s2+s3], $0x80, v24, vm0, $0xb8;
	[tilespmem:$0x18000] =	vst v63  }
0x110: {  	v25 =	vperm.xlane v25, v32;
	s29 =	simm.s32 $0x800  }
0x111: {  	[tilespmem:s29], [sflag:$0x1] =	stream.indirect_vreg.gather [hbm4b:s4+s3], $0x80, v24, vm0, $0xb8;
	[tilespmem:$0x18000] =	vst v63  }
0x112: {  	v25 =	vadd.s32 v31, v25;
	s1 =	simm.s32 $0x1000  }
0x113: {  	[tilespmem:s1], [sflag:$0x1] =	stream.indirect_vreg.gather [hbm4b:s6+s3], $0x80, v24, vm0, $0xb8;
	[tilespmem:$0x18000] =	vst v63  }
0x114: {  	v26 =	vor.u32 s22, v33;
	s22 =	simm.s32 $0x1800  }
0x115: {  	v27 =	vand.u32 $0x7DF, v26;
	[tilespmem:s22], [sflag:$0x1] =	stream.indirect_vreg.gather [hbm4b:s8+s3], $0x80, v24, vm0, $0xb8;
	[tilespmem:$0x18000] =	vst v63  }
0x116: {  	v26 =	vshll.u32 v26, $0x2;
	v28 =	vadd.s32 $0xFFFFFD55, v27;
	s28 =	simm.s32 $0x2000  }
0x117: {  	v26 =	vand.u32 $0x7FFFFF7C, v26;
	v27 =	vadd.s32 $0xFFFFFAAB, v27;
	v28 =	vshra.s32 v28, $0x1F;
	[tilespmem:s28], [sflag:$0x1] =	stream.indirect_vreg.gather [hbm4b:s2+s3], $0x80, v25, vm0, $0xb8;
	[tilespmem:$0x18000] =	vst v63  }
0x118: {  	v27 =	vshra.s32 v27, $0x1F;
	v26 =	vadd.s32 v26, v28;
	s29 =	simm.s32 $0x2800  }
0x119: {  	v26 =	vadd.s32 v27, v26;
	[tilespmem:s29], [sflag:$0x1] =	stream.indirect_vreg.gather [hbm4b:s4+s3], $0x80, v25, vm0, $0xb8;
	[tilespmem:$0x18000] =	vst v63  }
0x11a: {  	v26 =	vadd.s32 $0x2, v26;
	s1 =	simm.s32 $0x3000  }
0x11b: {  	v27 =	vshll.u32 v26, $0x3;
	[tilespmem:s1], [sflag:$0x1] =	stream.indirect_vreg.gather [hbm4b:s6+s3], $0x80, v25, vm0, $0xb8;
	[tilespmem:$0x18000] =	vst v63  }
0x11c: {  	v26 =	vand.u32 $0x7, v26;
	v27 =	vand.u32 $0xFFFFFFC0, v27;
	s22 =	simm.s32 $0x3800  }
0x11d: {  	v27 =	vor.u32 v26, v27;
	[tilespmem:s22], [sflag:$0x1] =	stream.indirect_vreg.gather [hbm4b:s8+s3], $0x80, v25, vm0, $0xb8;
	[tilespmem:$0x18000] =	vst v63  }
0x11e: {  	v26 =	vperm.xlane v27, v30;
	_ =	swait.ge [sflag:s10], $0x4000  }
0x11f: {  	[sflag:s10] =	ssyncset.done $0x0  }
0x120: {  	v26 =	vadd.s32 v31, v26;
	s22 =	simm.s32 $0x8000;
	s28 =	rddreg [dreg:$0xb];
	[sflag:s10] =	ssyncadd.s32 $0xFFFFC000  }
0x121: {  	[hbm4b:s28+s3] =	stream.linear.scatter [tilespmem:s22], [sflag:$0x9], $0x4000, $0x38;
	[tilespmem:$0x18000] =	vst v63  }
0x122: {  	_ =	swait.ge [sflag:s11], $0x4000  }
0x123: {  	[sflag:s11] =	ssyncset.done $0x0  }
0x124: {  	[sflag:s11] =	ssyncadd.s32 $0xFFFFC000  }
0x125: {  	[tilespmem:s5], [sflag:$0x2] =	stream.indirect_vreg.gather [hbm4b:s2+s3], $0x80, v26, vm0, $0xb8;
	[tilespmem:$0x18000] =	vst v63  }
0x126: {  	v27 =	vperm.xlane v27, v32;
	s29 =	simm.s32 $0x4800  }
0x127: {  	[tilespmem:s29], [sflag:$0x2] =	stream.indirect_vreg.gather [hbm4b:s4+s3], $0x80, v26, vm0, $0xb8;
	[tilespmem:$0x18000] =	vst v63  }
0x128: {  	v27 =	vadd.s32 v31, v27;
	s1 =	simm.s32 $0x5000;
	s28 =	rddreg [dreg:$0x15]  }
0x129: {  	[tilespmem:s1], [sflag:$0x2] =	stream.indirect_vreg.gather [hbm4b:s6+s3], $0x80, v26, vm0, $0xb8;
	[tilespmem:$0x18000] =	vst v63  }
0x12a: {  	v28 =	vor.u32 s28, v33;
	s29 =	simm.s32 $0x5800  }
0x12b: {  	v29 =	vand.u32 $0x7EF, v28;
	[tilespmem:s29], [sflag:$0x2] =	stream.indirect_vreg.gather [hbm4b:s8+s3], $0x80, v26, vm0, $0xb8;
	[tilespmem:$0x18000] =	vst v63  }
0x12c: {  	v28 =	vshll.u32 v28, $0x2;
	v34 =	vadd.s32 $0xFFFFFD55, v29;
	s1 =	simm.s32 $0x6000  }
0x12d: {  	v28 =	vand.u32 $0x7FFFFFBC, v28;
	v29 =	vadd.s32 $0xFFFFFAAB, v29;
	v34 =	vshra.s32 v34, $0x1F;
	[tilespmem:s1], [sflag:$0x2] =	stream.indirect_vreg.gather [hbm4b:s2+s3], $0x80, v27, vm0, $0xb8;
	[tilespmem:$0x18000] =	vst v63  }
0x12e: {  	s28 =	simm.s32 $0x6800;
	v29 =	vshra.s32 v29, $0x1F;
	v28 =	vadd.s32 v28, v34  }
0x12f: {  	v28 =	vadd.s32 v29, v28;
	[tilespmem:s28], [sflag:$0x2] =	stream.indirect_vreg.gather [hbm4b:s4+s3], $0x80, v27, vm0, $0xb8;
	[tilespmem:$0x18000] =	vst v63  }
0x130: {  	v28 =	vadd.s32 $0x2, v28;
	s29 =	simm.s32 $0x7000  }
0x131: {  	v29 =	vshll.u32 v28, $0x3;
	[tilespmem:s29], [sflag:$0x2] =	stream.indirect_vreg.gather [hbm4b:s6+s3], $0x80, v27, vm0, $0xb8;
	[tilespmem:$0x18000] =	vst v63  }
0x132: {  	v28 =	vand.u32 $0x7, v28;
	v29 =	vand.u32 $0xFFFFFFC0, v29;
	s1 =	simm.s32 $0x7800  }
0x133: {  	v29 =	vor.u32 v28, v29;
	[tilespmem:s1], [sflag:$0x2] =	stream.indirect_vreg.gather [hbm4b:s8+s3], $0x80, v27, vm0, $0xb8;
	[tilespmem:$0x18000] =	vst v63  }
0x134: {  	v28 =	vperm.xlane v29, v30;
	_ =	swait.ge [sflag:s17], $0x4000  }
0x135: {  	[sflag:s17] =	ssyncset.done $0x0  }
0x136: {  	s0 =	simm.s32 $0xC000;
	v28 =	vadd.s32 v31, v28;
	s28 =	rddreg [dreg:$0xc];
	[sflag:s17] =	ssyncadd.s32 $0xFFFFC000  }
0x137: {  	[hbm4b:s28+s3] =	stream.linear.scatter [tilespmem:s0], [sflag:$0xA], $0x4000, $0x38;
	[tilespmem:$0x18000] =	vst v63  }
0x138: {  	_ =	swait.ge [sflag:s18], $0x4000  }
0x139: {  	[sflag:s18] =	ssyncset.done $0x0  }
0x13a: {  	[sflag:s18] =	ssyncadd.s32 $0xFFFFC000  }
0x13b: {  	[tilespmem:s22], [sflag:$0x3] =	stream.indirect_vreg.gather [hbm4b:s2+s3], $0x80, v28, vm0, $0xb8;
	[tilespmem:$0x18000] =	vst v63  }
0x13c: {  	v29 =	vperm.xlane v29, v32  }
0x13d: {  	[tilespmem:s31], [sflag:$0x3] =	stream.indirect_vreg.gather [hbm4b:s4+s3], $0x80, v28, vm0, $0xb8;
	[tilespmem:$0x18000] =	vst v63  }
0x13e: {  	v29 =	vadd.s32 v31, v29;
	s28 =	rddreg [dreg:$0x14];
	s31 =	simm.s32 $0x9000  }
0x13f: {  	v33 =	vor.u32 s28, v33;
	[tilespmem:s31], [sflag:$0x3] =	stream.indirect_vreg.gather [hbm4b:s6+s3], $0x80, v28, vm0, $0xb8;
	[tilespmem:$0x18000] =	vst v63  }
0x140: {  	s29 =	simm.s32 $0x9800;
	v61 =	vand.u32 $0x7FF, v33  }
0x141: {  	v35 =	vadd.s32 $0xFFFFFD55, v61;
	[tilespmem:s29], [sflag:$0x3] =	stream.indirect_vreg.gather [hbm4b:s8+s3], $0x80, v28, vm0, $0xb8;
	[tilespmem:$0x18000] =	vst v63  }
0x142: {  	v33 =	vshll.u32 v33, $0x2;
	v36 =	vadd.s32 $0xFFFFFAAB, v61;
	v35 =	vshra.s32 v35, $0x1F;
	s31 =	simm.s32 $0xA000  }
0x143: {  	v34 =	vadd.s32 $0xFFFFF801, v61;
	v62 =	vshra.s32 v36, $0x1F;
	v33 =	vadd.s32 v33, v35;
	[tilespmem:s31], [sflag:$0x3] =	stream.indirect_vreg.gather [hbm4b:s2+s3], $0x80, v29, vm0, $0xb8;
	[tilespmem:$0x18000] =	vst v63  }
0x144: {  	s28 =	simm.s32 $0xA800;
	v34 =	vshra.s32 v34, $0x1F;
	v33 =	vadd.s32 v62, v33  }
0x145: {  	v33 =	vadd.s32 v34, v33;
	[tilespmem:s28], [sflag:$0x3] =	stream.indirect_vreg.gather [hbm4b:s4+s3], $0x80, v29, vm0, $0xb8;
	[tilespmem:$0x18000] =	vst v63  }
0x146: {  	v33 =	vadd.s32 $0x3, v33;
	s29 =	simm.s32 $0xB000  }
0x147: {  	v63 =	vshll.u32 v33, $0x3;
	[tilespmem:s29], [sflag:$0x3] =	stream.indirect_vreg.gather [hbm4b:s6+s3], $0x80, v29, vm0, $0xb8;
	[tilespmem:$0x18000] =	vst v63  }
0x148: {  	v33 =	vand.u32 $0x7, v33;
	v34 =	vand.u32 $0xFFFFFFC0, v63;
	s31 =	simm.s32 $0xB800  }
0x149: {  	v33 =	vor.u32 v33, v34;
	[tilespmem:s31], [sflag:$0x3] =	stream.indirect_vreg.gather [hbm4b:s8+s3], $0x80, v29, vm0, $0xb8;
	[tilespmem:$0x18000] =	vst v63  }
0x14a: {  	v30 =	vperm.xlane v33, v30;
	_ =	swait.ge [sflag:s19], $0x4000  }
0x14b: {  	[sflag:s19] =	ssyncset.done $0x0  }
0x14c: {  	s28 =	simm.s32 $0x10000;
	v30 =	vadd.s32 v31, v30;
	s1 =	rddreg [dreg:$0xd];
	[sflag:s19] =	ssyncadd.s32 $0xFFFFC000  }
0x14d: {  	[hbm4b:s1+s3] =	stream.linear.scatter [tilespmem:s28], [sflag:$0xB], $0x4000, $0x38;
	[tilespmem:$0x18000] =	vst v63  }
0x14e: {  	_ =	swait.ge [sflag:s20], $0x4000  }
0x14f: {  	[sflag:s20] =	ssyncset.done $0x0  }
0x150: {  	[sflag:s20] =	ssyncadd.s32 $0xFFFFC000  }
0x151: {  	[tilespmem:s0], [sflag:$0x4] =	stream.indirect_vreg.gather [hbm4b:s2+s3], $0x80, v30, vm0, $0xb8;
	[tilespmem:$0x18000] =	vst v63  }
0x152: {  	v32 =	vperm.xlane v33, v32  }
0x153: {  	[tilespmem:s24], [sflag:$0x4] =	stream.indirect_vreg.gather [hbm4b:s4+s3], $0x80, v30, vm0, $0xb8;
	[tilespmem:$0x18000] =	vst v63  }
0x154: {  	v31 =	vadd.s32 v31, v32  }
0x155: {  	[tilespmem:s26], [sflag:$0x4] =	stream.indirect_vreg.gather [hbm4b:s6+s3], $0x80, v30, vm0, $0xb8;
	[tilespmem:$0x18000] =	vst v63  }
0x156: {  	_ = 	snop  }
0x157: {  	[tilespmem:s30], [sflag:$0x4] =	stream.indirect_vreg.gather [hbm4b:s8+s3], $0x80, v30, vm0, $0xb8;
	[tilespmem:$0x18000] =	vst v63  }
0x158: {  	_ = 	snop  }
0x159: {  	[tilespmem:s23], [sflag:$0x4] =	stream.indirect_vreg.gather [hbm4b:s2+s3], $0x80, v31, vm0, $0xb8;
	[tilespmem:$0x18000] =	vst v63  }
0x15a: {  	_ = 	snop  }
0x15b: {  	[tilespmem:s15], [sflag:$0x4] =	stream.indirect_vreg.gather [hbm4b:s4+s3], $0x80, v31, vm0, $0xb8;
	[tilespmem:$0x18000] =	vst v63  }
0x15c: {  	_ = 	snop  }
0x15d: {  	[tilespmem:s12], [sflag:$0x4] =	stream.indirect_vreg.gather [hbm4b:s6+s3], $0x80, v31, vm0, $0xb8;
	[tilespmem:$0x18000] =	vst v63  }
0x15e: {  	_ = 	snop  }
0x15f: {  	[tilespmem:s7], [sflag:$0x4] =	stream.indirect_vreg.gather [hbm4b:s8+s3], $0x80, v31, vm0, $0xb8;
	[tilespmem:$0x18000] =	vst v63  }
0x160: {  	_ =	swait.ge [sflag:s21], $0x4000  }
0x161: {  	[sflag:s21] =	ssyncset.done $0x0  }
0x162: {  	s23 =	simm.s32 $0x14000;
	s19 =	rddreg [dreg:$0xe];
	[sflag:s21] =	ssyncadd.s32 $0xFFFFC000  }
0x163: {  	[hbm4b:s19+s3] =	stream.linear.scatter [tilespmem:s23], [sflag:$0xC], $0x4000, $0x38;
	[tilespmem:$0x18000] =	vst v63  }
0x164: {  	_ =	swait.ge [sflag:s25], $0x4000  }
0x165: {  	[sflag:s25] =	ssyncset.done $0x0  }
0x166: {  	s24 =	rddreg [dreg:$0xf];
	[sflag:s25] =	ssyncadd.s32 $0xFFFFC000  }
0x167: {  	[hbm4b:s24+s3] =	stream.linear.scatter [tilespmem:s3], [sflag:$0x7], $0x4000, $0x38;
	[tilespmem:$0x18000] =	vst v63  }
0x168: {  	_ =	swait.ge [sflag:s9], $0x4000  }
0x169: {  	[sflag:s9] =	ssyncset.done $0x0  }
0x16a: {  	s5 =	simm.s32 $0x4000;
	s25 =	rddreg [dreg:$0x10];
	[sflag:s9] =	ssyncadd.s32 $0xFFFFC000  }
0x16b: {  	[hbm4b:s25+s3] =	stream.linear.scatter [tilespmem:s5], [sflag:$0x8], $0x4000, $0x38;
	[tilespmem:$0x18000] =	vst v63  }
0x16c: {  	_ =	swait.ge [sflag:s10], $0x4000  }
0x16d: {  	[sflag:s10] =	ssyncset.done $0x0  }
0x16e: {  	s22 =	simm.s32 $0x8000;
	s26 =	rddreg [dreg:$0x11];
	[sflag:s10] =	ssyncadd.s32 $0xFFFFC000  }
0x16f: {  	[hbm4b:s26+s3] =	stream.linear.scatter [tilespmem:s22], [sflag:$0x9], $0x4000, $0x38;
	[tilespmem:$0x18000] =	vst v63  }
0x170: {  	_ =	swait.ge [sflag:s17], $0x4000  }
0x171: {  	[sflag:s17] =	ssyncset.done $0x0  }
0x172: {  	s31 =	simm.s32 $0xC000;
	s28 =	rddreg [dreg:$0x12];
	[sflag:s17] =	ssyncadd.s32 $0xFFFFC000  }
0x173: {  	[hbm4b:s28+s3] =	stream.linear.scatter [tilespmem:s31], [sflag:$0xA], $0x4000, $0x38;
	[tilespmem:$0x18000] =	vst v63  }
0x174: {  	_ =	swait.ge [sflag:s16], $0x4000  }
0x175: {  	[sflag:s16] =	ssyncset.done $0x0  }
0x176: {  	[sflag:s16] =	ssyncadd.s32 $0xFFFFC000  }
0x177: {  	_ =	swait.ge [sflag:s14], $0x4000  }
0x178: {  	[sflag:s14] =	ssyncset.done $0x0  }
0x179: {  	[sflag:s14] =	ssyncadd.s32 $0xFFFFC000  }
0x17a: {  	_ =	swait.ge [sflag:s13], $0x4000  }
0x17b: {  	[sflag:s13] =	ssyncset.done $0x0  }
0x17c: {  	[sflag:s13] =	ssyncadd.s32 $0xFFFFC000  }
0x17d: {  	_ =	swait.ge [sflag:s11], $0x4000  }
0x17e: {  	s30 =	rddreg [dreg:$0x13]  }
0x17f: {  	s0 =	ssub.s32 $0x2, s30  }
0x180: {  	s31 =	sshrl.u32 s0, $0x1  }
0x181: {  	s29 =	ssub.s32 s0, s31  }
0x182: {  	[sflag:s11] =	ssyncset.done $0x0;
	s29 =	smax.u32 s29, $0x1  }
0x183: {  	[sflag:s11] =	ssyncadd.s32 $0xFFFFC000;
	p0 =	sne.s32 s29, $0x1  }
.Ltmp0:
0x184: {  	_ =	swait.ge [sflag:s18], $0x4000;
	(pc) =	sbr.rel @!p0 .LBB2_3-.Ltmp0, $4  }
0x185: {  	[sflag:s18] =	ssyncset.done $0x0  }
0x186: {  	[sflag:s18] =	ssyncadd.s32 $0xFFFFC000  }
0x187: {  	_ =	swait.ge [sflag:s20], $0x4000  }
0x188: {  	s0 =	simm.s32 $0xA;
	s26 =	sadd.s32 $0xFFFFFFFF, s29;
	[sflag:s20] =	ssyncset.done $0x0  }
0x189: {  	s12 =	simm.s32 $0xA  }
0x18a: {  	s22 =	simm.s32 $0x4000;
	s28 =	simm.s32 $0x8000;
	s18 =	simm.s32 $0xC000  }
0x18b: {  	s16 =	simm.s32 $0x10800;
	s17 =	simm.s32 $0x11000;
	s19 =	simm.s32 $0x11800  }
0x18c: {  	s20 =	simm.s32 $0x12000;
	s21 =	simm.s32 $0x12800;
	s23 =	simm.s32 $0x1  }
0x18d: {  	s31 =	simm.s32 $0x15000;
	s24 =	simm.s32 $0x2;
	s9 =	simm.s32 $0x7  }
.LBB2_2:
0x18e: {  	[sflag:s12] =	ssyncadd.s32 $0xFFFFC000  }
0x18f: {  	[tilespmem:s3], [sflag:$0x1] =	stream.indirect_vreg.gather [hbm4b:s2+s3], $0x80, v0, vm0, $0xb8;
	[tilespmem:$0x18000] =	vst v63  }
0x190: {  	s0 =	simm.s32 $0x800  }
0x191: {  	[tilespmem:s0], [sflag:$0x1] =	stream.indirect_vreg.gather [hbm4b:s4+s3], $0x80, v0, vm0, $0xb8;
	[tilespmem:$0x18000] =	vst v63  }
0x192: {  	s5 =	simm.s32 $0x1000  }
0x193: {  	[tilespmem:s5], [sflag:$0x1] =	stream.indirect_vreg.gather [hbm4b:s6+s3], $0x80, v0, vm0, $0xb8;
	[tilespmem:$0x18000] =	vst v63  }
0x194: {  	s7 =	simm.s32 $0x1800  }
0x195: {  	[tilespmem:s7], [sflag:$0x1] =	stream.indirect_vreg.gather [hbm4b:s8+s3], $0x80, v0, vm0, $0xb8;
	[tilespmem:$0x18000] =	vst v63  }
0x196: {  	s13 =	simm.s32 $0x2000  }
0x197: {  	[tilespmem:s13], [sflag:$0x1] =	stream.indirect_vreg.gather [hbm4b:s2+s3], $0x80, v1, vm0, $0xb8;
	[tilespmem:$0x18000] =	vst v63  }
0x198: {  	s14 =	simm.s32 $0x2800  }
0x199: {  	[tilespmem:s14], [sflag:$0x1] =	stream.indirect_vreg.gather [hbm4b:s4+s3], $0x80, v1, vm0, $0xb8;
	[tilespmem:$0x18000] =	vst v63  }
0x19a: {  	s15 =	simm.s32 $0x3000  }
0x19b: {  	[tilespmem:s15], [sflag:$0x1] =	stream.indirect_vreg.gather [hbm4b:s6+s3], $0x80, v1, vm0, $0xb8;
	[tilespmem:$0x18000] =	vst v63  }
0x19c: {  	s29 =	simm.s32 $0x3800  }
0x19d: {  	[tilespmem:s29], [sflag:$0x1] =	stream.indirect_vreg.gather [hbm4b:s8+s3], $0x80, v1, vm0, $0xb8;
	[tilespmem:$0x18000] =	vst v63  }
0x19e: {  	_ = 	snop  }
0x19f: {  	[tilespmem:s22], [sflag:$0x2] =	stream.indirect_vreg.gather [hbm4b:s2+s3], $0x80, v2, vm0, $0xb8;
	[tilespmem:$0x18000] =	vst v63  }
0x1a0: {  	s30 =	simm.s32 $0x4800  }
0x1a1: {  	[tilespmem:s30], [sflag:$0x2] =	stream.indirect_vreg.gather [hbm4b:s4+s3], $0x80, v2, vm0, $0xb8;
	[tilespmem:$0x18000] =	vst v63  }
0x1a2: {  	s14 =	simm.s32 $0x5000  }
0x1a3: {  	[tilespmem:s14], [sflag:$0x2] =	stream.indirect_vreg.gather [hbm4b:s6+s3], $0x80, v2, vm0, $0xb8;
	[tilespmem:$0x18000] =	vst v63  }
0x1a4: {  	s15 =	simm.s32 $0x5800  }
0x1a5: {  	[tilespmem:s15], [sflag:$0x2] =	stream.indirect_vreg.gather [hbm4b:s8+s3], $0x80, v2, vm0, $0xb8;
	[tilespmem:$0x18000] =	vst v63  }
0x1a6: {  	s29 =	simm.s32 $0x6000  }
0x1a7: {  	[tilespmem:s29], [sflag:$0x2] =	stream.indirect_vreg.gather [hbm4b:s2+s3], $0x80, v3, vm0, $0xb8;
	[tilespmem:$0x18000] =	vst v63  }
0x1a8: {  	s30 =	simm.s32 $0x6800  }
0x1a9: {  	[tilespmem:s30], [sflag:$0x2] =	stream.indirect_vreg.gather [hbm4b:s4+s3], $0x80, v3, vm0, $0xb8;
	[tilespmem:$0x18000] =	vst v63  }
0x1aa: {  	s14 =	simm.s32 $0x7000  }
0x1ab: {  	[tilespmem:s14], [sflag:$0x2] =	stream.indirect_vreg.gather [hbm4b:s6+s3], $0x80, v3, vm0, $0xb8;
	[tilespmem:$0x18000] =	vst v63  }
0x1ac: {  	s15 =	simm.s32 $0x7800  }
0x1ad: {  	[tilespmem:s15], [sflag:$0x2] =	stream.indirect_vreg.gather [hbm4b:s8+s3], $0x80, v3, vm0, $0xb8;
	[tilespmem:$0x18000] =	vst v63  }
0x1ae: {  	_ = 	snop  }
0x1af: {  	[tilespmem:s28], [sflag:$0x3] =	stream.indirect_vreg.gather [hbm4b:s2+s3], $0x80, v4, vm0, $0xb8;
	[tilespmem:$0x18000] =	vst v63  }
0x1b0: {  	s30 =	simm.s32 $0x8800  }
0x1b1: {  	[tilespmem:s30], [sflag:$0x3] =	stream.indirect_vreg.gather [hbm4b:s4+s3], $0x80, v4, vm0, $0xb8;
	[tilespmem:$0x18000] =	vst v63  }
0x1b2: {  	s14 =	simm.s32 $0x9000  }
0x1b3: {  	[tilespmem:s14], [sflag:$0x3] =	stream.indirect_vreg.gather [hbm4b:s6+s3], $0x80, v4, vm0, $0xb8;
	[tilespmem:$0x18000] =	vst v63  }
0x1b4: {  	s15 =	simm.s32 $0x9800  }
0x1b5: {  	[tilespmem:s15], [sflag:$0x3] =	stream.indirect_vreg.gather [hbm4b:s8+s3], $0x80, v4, vm0, $0xb8;
	[tilespmem:$0x18000] =	vst v63  }
0x1b6: {  	s30 =	simm.s32 $0xA000  }
0x1b7: {  	[tilespmem:s30], [sflag:$0x3] =	stream.indirect_vreg.gather [hbm4b:s2+s3], $0x80, v5, vm0, $0xb8;
	[tilespmem:$0x18000] =	vst v63  }
0x1b8: {  	s14 =	simm.s32 $0xA800  }
0x1b9: {  	[tilespmem:s14], [sflag:$0x3] =	stream.indirect_vreg.gather [hbm4b:s4+s3], $0x80, v5, vm0, $0xb8;
	[tilespmem:$0x18000] =	vst v63  }
0x1ba: {  	s15 =	simm.s32 $0xB000  }
0x1bb: {  	[tilespmem:s15], [sflag:$0x3] =	stream.indirect_vreg.gather [hbm4b:s6+s3], $0x80, v5, vm0, $0xb8;
	[tilespmem:$0x18000] =	vst v63  }
0x1bc: {  	s30 =	simm.s32 $0xB800  }
0x1bd: {  	[tilespmem:s30], [sflag:$0x3] =	stream.indirect_vreg.gather [hbm4b:s8+s3], $0x80, v5, vm0, $0xb8;
	[tilespmem:$0x18000] =	vst v63  }
0x1be: {  	_ = 	snop  }
0x1bf: {  	[tilespmem:s18], [sflag:$0x4] =	stream.indirect_vreg.gather [hbm4b:s2+s3], $0x80, v6, vm0, $0xb8;
	[tilespmem:$0x18000] =	vst v63  }
0x1c0: {  	s14 =	simm.s32 $0xC800  }
0x1c1: {  	[tilespmem:s14], [sflag:$0x4] =	stream.indirect_vreg.gather [hbm4b:s4+s3], $0x80, v6, vm0, $0xb8;
	[tilespmem:$0x18000] =	vst v63  }
0x1c2: {  	s15 =	simm.s32 $0xD000  }
0x1c3: {  	[tilespmem:s15], [sflag:$0x4] =	stream.indirect_vreg.gather [hbm4b:s6+s3], $0x80, v6, vm0, $0xb8;
	[tilespmem:$0x18000] =	vst v63  }
0x1c4: {  	s30 =	simm.s32 $0xD800  }
0x1c5: {  	[tilespmem:s30], [sflag:$0x4] =	stream.indirect_vreg.gather [hbm4b:s8+s3], $0x80, v6, vm0, $0xb8;
	[tilespmem:$0x18000] =	vst v63  }
0x1c6: {  	s14 =	simm.s32 $0xE000  }
0x1c7: {  	[tilespmem:s14], [sflag:$0x4] =	stream.indirect_vreg.gather [hbm4b:s2+s3], $0x80, v7, vm0, $0xb8;
	[tilespmem:$0x18000] =	vst v63  }
0x1c8: {  	s15 =	simm.s32 $0xE800  }
0x1c9: {  	[tilespmem:s15], [sflag:$0x4] =	stream.indirect_vreg.gather [hbm4b:s4+s3], $0x80, v7, vm0, $0xb8;
	[tilespmem:$0x18000] =	vst v63  }
0x1ca: {  	s30 =	simm.s32 $0xF000  }
0x1cb: {  	[tilespmem:s30], [sflag:$0x4] =	stream.indirect_vreg.gather [hbm4b:s6+s3], $0x80, v7, vm0, $0xb8;
	[tilespmem:$0x18000] =	vst v63  }
0x1cc: {  	s14 =	simm.s32 $0xF800  }
0x1cd: {  	[tilespmem:s14], [sflag:$0x4] =	stream.indirect_vreg.gather [hbm4b:s8+s3], $0x80, v7, vm0, $0xb8;
	[tilespmem:$0x18000] =	vst v63  }
0x1ce: {  	s15 =	simm.s32 $0x10000  }
0x1cf: {  	[tilespmem:s15], [sflag:$0x5] =	stream.indirect_vreg.gather [hbm4b:s2+s3], $0x80, v8, vm0, $0xb8;
	[tilespmem:$0x18000] =	vst v63  }
0x1d0: {  	_ = 	snop  }
0x1d1: {  	[tilespmem:s16], [sflag:$0x5] =	stream.indirect_vreg.gather [hbm4b:s4+s3], $0x80, v8, vm0, $0xb8;
	[tilespmem:$0x18000] =	vst v63  }
0x1d2: {  	_ = 	snop  }
0x1d3: {  	[tilespmem:s17], [sflag:$0x5] =	stream.indirect_vreg.gather [hbm4b:s6+s3], $0x80, v8, vm0, $0xb8;
	[tilespmem:$0x18000] =	vst v63  }
0x1d4: {  	_ = 	snop  }
0x1d5: {  	[tilespmem:s19], [sflag:$0x5] =	stream.indirect_vreg.gather [hbm4b:s8+s3], $0x80, v8, vm0, $0xb8;
	[tilespmem:$0x18000] =	vst v63  }
0x1d6: {  	_ = 	snop  }
0x1d7: {  	[tilespmem:s20], [sflag:$0x5] =	stream.indirect_vreg.gather [hbm4b:s2+s3], $0x80, v9, vm0, $0xb8;
	[tilespmem:$0x18000] =	vst v63  }
0x1d8: {  	_ = 	snop  }
0x1d9: {  	[tilespmem:s21], [sflag:$0x5] =	stream.indirect_vreg.gather [hbm4b:s4+s3], $0x80, v9, vm0, $0xb8;
	[tilespmem:$0x18000] =	vst v63  }
0x1da: {  	s14 =	simm.s32 $0x13000  }
0x1db: {  	[tilespmem:s14], [sflag:$0x5] =	stream.indirect_vreg.gather [hbm4b:s6+s3], $0x80, v9, vm0, $0xb8;
	[tilespmem:$0x18000] =	vst v63  }
0x1dc: {  	s15 =	simm.s32 $0x13800  }
0x1dd: {  	[tilespmem:s15], [sflag:$0x5] =	stream.indirect_vreg.gather [hbm4b:s8+s3], $0x80, v9, vm0, $0xb8;
	[tilespmem:$0x18000] =	vst v63  }
0x1de: {  	_ =	swait.ge [sflag:s23], $0x4000  }
0x1df: {  	[sflag:s23] =	ssyncset.done $0x0  }
0x1e0: {  	s30 =	rddreg [dreg:$0x3];
	[sflag:s23] =	ssyncadd.s32 $0xFFFFC000  }
0x1e1: {  	[hbm4b:s30+s3] =	stream.linear.scatter [tilespmem:s3], [sflag:$0x7], $0x4000, $0x38;
	[tilespmem:$0x18000] =	vst v63  }
0x1e2: {  	s30 =	simm.s32 $0x14000  }
0x1e3: {  	[tilespmem:s30], [sflag:$0x6] =	stream.indirect_vreg.gather [hbm4b:s2+s3], $0x80, v10, vm0, $0xb8;
	[tilespmem:$0x18000] =	vst v63  }
0x1e4: {  	s30 =	simm.s32 $0x14800  }
0x1e5: {  	[tilespmem:s30], [sflag:$0x6] =	stream.indirect_vreg.gather [hbm4b:s4+s3], $0x80, v10, vm0, $0xb8;
	[tilespmem:$0x18000] =	vst v63  }
0x1e6: {  	_ = 	snop  }
0x1e7: {  	[tilespmem:s31], [sflag:$0x6] =	stream.indirect_vreg.gather [hbm4b:s6+s3], $0x80, v10, vm0, $0xb8;
	[tilespmem:$0x18000] =	vst v63  }
0x1e8: {  	s30 =	simm.s32 $0x15800  }
0x1e9: {  	[tilespmem:s30], [sflag:$0x6] =	stream.indirect_vreg.gather [hbm4b:s8+s3], $0x80, v10, vm0, $0xb8;
	[tilespmem:$0x18000] =	vst v63  }
0x1ea: {  	s30 =	simm.s32 $0x16000  }
0x1eb: {  	[tilespmem:s30], [sflag:$0x6] =	stream.indirect_vreg.gather [hbm4b:s2+s3], $0x80, v11, vm0, $0xb8;
	[tilespmem:$0x18000] =	vst v63  }
0x1ec: {  	s30 =	simm.s32 $0x16800  }
0x1ed: {  	[tilespmem:s30], [sflag:$0x6] =	stream.indirect_vreg.gather [hbm4b:s4+s3], $0x80, v11, vm0, $0xb8;
	[tilespmem:$0x18000] =	vst v63  }
0x1ee: {  	s30 =	simm.s32 $0x17000  }
0x1ef: {  	[tilespmem:s30], [sflag:$0x6] =	stream.indirect_vreg.gather [hbm4b:s6+s3], $0x80, v11, vm0, $0xb8;
	[tilespmem:$0x18000] =	vst v63  }
0x1f0: {  	s30 =	simm.s32 $0x17800  }
0x1f1: {  	[tilespmem:s30], [sflag:$0x6] =	stream.indirect_vreg.gather [hbm4b:s8+s3], $0x80, v11, vm0, $0xb8;
	[tilespmem:$0x18000] =	vst v63  }
0x1f2: {  	_ =	swait.ge [sflag:s24], $0x4000  }
0x1f3: {  	[sflag:s24] =	ssyncset.done $0x0  }
0x1f4: {  	s0 =	rddreg [dreg:$0x4];
	[sflag:s24] =	ssyncadd.s32 $0xFFFFC000  }
0x1f5: {  	[hbm4b:s0+s3] =	stream.linear.scatter [tilespmem:s22], [sflag:$0x8], $0x4000, $0x38;
	[tilespmem:$0x18000] =	vst v63  }
0x1f6: {  	_ =	swait.ge [sflag:s9], $0x4000  }
0x1f7: {  	[sflag:s9] =	ssyncset.done $0x0  }
0x1f8: {  	[sflag:s9] =	ssyncadd.s32 $0xFFFFC000  }
0x1f9: {  	[tilespmem:s3], [sflag:$0x1] =	stream.indirect_vreg.gather [hbm4b:s2+s3], $0x80, v12, vm0, $0xb8;
	[tilespmem:$0x18000] =	vst v63  }
0x1fa: {  	s10 =	simm.s32 $0x800  }
0x1fb: {  	[tilespmem:s10], [sflag:$0x1] =	stream.indirect_vreg.gather [hbm4b:s4+s3], $0x80, v12, vm0, $0xb8;
	[tilespmem:$0x18000] =	vst v63  }
0x1fc: {  	s11 =	simm.s32 $0x1000  }
0x1fd: {  	[tilespmem:s11], [sflag:$0x1] =	stream.indirect_vreg.gather [hbm4b:s6+s3], $0x80, v12, vm0, $0xb8;
	[tilespmem:$0x18000] =	vst v63  }
0x1fe: {  	s25 =	simm.s32 $0x1800  }
0x1ff: {  	[tilespmem:s25], [sflag:$0x1] =	stream.indirect_vreg.gather [hbm4b:s8+s3], $0x80, v12, vm0, $0xb8;
	[tilespmem:$0x18000] =	vst v63  }
0x200: {  	s1 =	simm.s32 $0x2000  }
0x201: {  	[tilespmem:s1], [sflag:$0x1] =	stream.indirect_vreg.gather [hbm4b:s2+s3], $0x80, v13, vm0, $0xb8;
	[tilespmem:$0x18000] =	vst v63  }
0x202: {  	s5 =	simm.s32 $0x2800  }
0x203: {  	[tilespmem:s5], [sflag:$0x1] =	stream.indirect_vreg.gather [hbm4b:s4+s3], $0x80, v13, vm0, $0xb8;
	[tilespmem:$0x18000] =	vst v63  }
0x204: {  	s7 =	simm.s32 $0x3000  }
0x205: {  	[tilespmem:s7], [sflag:$0x1] =	stream.indirect_vreg.gather [hbm4b:s6+s3], $0x80, v13, vm0, $0xb8;
	[tilespmem:$0x18000] =	vst v63  }
0x206: {  	s13 =	simm.s32 $0x3800;
	s10 =	simm.s32 $0x3  }
0x207: {  	[tilespmem:s13], [sflag:$0x1] =	stream.indirect_vreg.gather [hbm4b:s8+s3], $0x80, v13, vm0, $0xb8;
	[tilespmem:$0x18000] =	vst v63  }
0x208: {  	_ =	swait.ge [sflag:s10], $0x4000  }
0x209: {  	[sflag:s10] =	ssyncset.done $0x0  }
0x20a: {  	s11 =	simm.s32 $0x8;
	s25 =	rddreg [dreg:$0x5];
	[sflag:s10] =	ssyncadd.s32 $0xFFFFC000  }
0x20b: {  	[hbm4b:s25+s3] =	stream.linear.scatter [tilespmem:s28], [sflag:$0x9], $0x4000, $0x38;
	[tilespmem:$0x18000] =	vst v63  }
0x20c: {  	_ =	swait.ge [sflag:s11], $0x4000  }
0x20d: {  	[sflag:s11] =	ssyncset.done $0x0  }
0x20e: {  	[sflag:s11] =	ssyncadd.s32 $0xFFFFC000  }
0x20f: {  	[tilespmem:s22], [sflag:$0x2] =	stream.indirect_vreg.gather [hbm4b:s2+s3], $0x80, v14, vm0, $0xb8;
	[tilespmem:$0x18000] =	vst v63  }
0x210: {  	s30 =	simm.s32 $0x4800  }
0x211: {  	[tilespmem:s30], [sflag:$0x2] =	stream.indirect_vreg.gather [hbm4b:s4+s3], $0x80, v14, vm0, $0xb8;
	[tilespmem:$0x18000] =	vst v63  }
0x212: {  	s1 =	simm.s32 $0x5000  }
0x213: {  	[tilespmem:s1], [sflag:$0x2] =	stream.indirect_vreg.gather [hbm4b:s6+s3], $0x80, v14, vm0, $0xb8;
	[tilespmem:$0x18000] =	vst v63  }
0x214: {  	s5 =	simm.s32 $0x5800  }
0x215: {  	[tilespmem:s5], [sflag:$0x2] =	stream.indirect_vreg.gather [hbm4b:s8+s3], $0x80, v14, vm0, $0xb8;
	[tilespmem:$0x18000] =	vst v63  }
0x216: {  	s7 =	simm.s32 $0x6000  }
0x217: {  	[tilespmem:s7], [sflag:$0x2] =	stream.indirect_vreg.gather [hbm4b:s2+s3], $0x80, v15, vm0, $0xb8;
	[tilespmem:$0x18000] =	vst v63  }
0x218: {  	s29 =	simm.s32 $0x6800  }
0x219: {  	[tilespmem:s29], [sflag:$0x2] =	stream.indirect_vreg.gather [hbm4b:s4+s3], $0x80, v15, vm0, $0xb8;
	[tilespmem:$0x18000] =	vst v63  }
0x21a: {  	s13 =	simm.s32 $0x7000  }
0x21b: {  	[tilespmem:s13], [sflag:$0x2] =	stream.indirect_vreg.gather [hbm4b:s6+s3], $0x80, v15, vm0, $0xb8;
	[tilespmem:$0x18000] =	vst v63  }
0x21c: {  	s0 =	simm.s32 $0x4;
	s25 =	simm.s32 $0x7800  }
0x21d: {  	[tilespmem:s25], [sflag:$0x2] =	stream.indirect_vreg.gather [hbm4b:s8+s3], $0x80, v15, vm0, $0xb8;
	[tilespmem:$0x18000] =	vst v63  }
0x21e: {  	_ =	swait.ge [sflag:s0], $0x4000  }
0x21f: {  	[sflag:s0] =	ssyncset.done $0x0  }
0x220: {  	s1 =	simm.s32 $0x9;
	s29 =	rddreg [dreg:$0x6];
	[sflag:s0] =	ssyncadd.s32 $0xFFFFC000  }
0x221: {  	[hbm4b:s29+s3] =	stream.linear.scatter [tilespmem:s18], [sflag:$0xA], $0x4000, $0x38;
	[tilespmem:$0x18000] =	vst v63  }
0x222: {  	_ =	swait.ge [sflag:s1], $0x4000  }
0x223: {  	[sflag:s1] =	ssyncset.done $0x0  }
0x224: {  	[sflag:s1] =	ssyncadd.s32 $0xFFFFC000  }
0x225: {  	[tilespmem:s28], [sflag:$0x3] =	stream.indirect_vreg.gather [hbm4b:s2+s3], $0x80, v16, vm0, $0xb8;
	[tilespmem:$0x18000] =	vst v63  }
0x226: {  	s30 =	simm.s32 $0x8800  }
0x227: {  	[tilespmem:s30], [sflag:$0x3] =	stream.indirect_vreg.gather [hbm4b:s4+s3], $0x80, v16, vm0, $0xb8;
	[tilespmem:$0x18000] =	vst v63  }
0x228: {  	s7 =	simm.s32 $0x9000  }
0x229: {  	[tilespmem:s7], [sflag:$0x3] =	stream.indirect_vreg.gather [hbm4b:s6+s3], $0x80, v16, vm0, $0xb8;
	[tilespmem:$0x18000] =	vst v63  }
0x22a: {  	s13 =	simm.s32 $0x9800  }
0x22b: {  	[tilespmem:s13], [sflag:$0x3] =	stream.indirect_vreg.gather [hbm4b:s8+s3], $0x80, v16, vm0, $0xb8;
	[tilespmem:$0x18000] =	vst v63  }
0x22c: {  	s25 =	simm.s32 $0xA000  }
0x22d: {  	[tilespmem:s25], [sflag:$0x3] =	stream.indirect_vreg.gather [hbm4b:s2+s3], $0x80, v17, vm0, $0xb8;
	[tilespmem:$0x18000] =	vst v63  }
0x22e: {  	s29 =	simm.s32 $0xA800  }
0x22f: {  	[tilespmem:s29], [sflag:$0x3] =	stream.indirect_vreg.gather [hbm4b:s4+s3], $0x80, v17, vm0, $0xb8;
	[tilespmem:$0x18000] =	vst v63  }
0x230: {  	s30 =	simm.s32 $0xB000  }
0x231: {  	[tilespmem:s30], [sflag:$0x3] =	stream.indirect_vreg.gather [hbm4b:s6+s3], $0x80, v17, vm0, $0xb8;
	[tilespmem:$0x18000] =	vst v63  }
0x232: {  	s7 =	simm.s32 $0xB800;
	s29 =	simm.s32 $0x5  }
0x233: {  	[tilespmem:s7], [sflag:$0x3] =	stream.indirect_vreg.gather [hbm4b:s8+s3], $0x80, v17, vm0, $0xb8;
	[tilespmem:$0x18000] =	vst v63  }
0x234: {  	_ =	swait.ge [sflag:s29], $0x4000  }
0x235: {  	[sflag:s29] =	ssyncset.done $0x0  }
0x236: {  	s25 =	simm.s32 $0x10000;
	s13 =	rddreg [dreg:$0x7];
	[sflag:s29] =	ssyncadd.s32 $0xFFFFC000  }
0x237: {  	[hbm4b:s13+s3] =	stream.linear.scatter [tilespmem:s25], [sflag:$0xB], $0x4000, $0x38;
	[tilespmem:$0x18000] =	vst v63  }
0x238: {  	_ =	swait.ge [sflag:s12], $0x4000  }
0x239: {  	[sflag:s12] =	ssyncset.done $0x0  }
0x23a: {  	[sflag:s12] =	ssyncadd.s32 $0xFFFFC000  }
0x23b: {  	[tilespmem:s18], [sflag:$0x4] =	stream.indirect_vreg.gather [hbm4b:s2+s3], $0x80, v18, vm0, $0xb8;
	[tilespmem:$0x18000] =	vst v63  }
0x23c: {  	s30 =	simm.s32 $0xC800  }
0x23d: {  	[tilespmem:s30], [sflag:$0x4] =	stream.indirect_vreg.gather [hbm4b:s4+s3], $0x80, v18, vm0, $0xb8;
	[tilespmem:$0x18000] =	vst v63  }
0x23e: {  	s7 =	simm.s32 $0xD000  }
0x23f: {  	[tilespmem:s7], [sflag:$0x4] =	stream.indirect_vreg.gather [hbm4b:s6+s3], $0x80, v18, vm0, $0xb8;
	[tilespmem:$0x18000] =	vst v63  }
0x240: {  	s13 =	simm.s32 $0xD800  }
0x241: {  	[tilespmem:s13], [sflag:$0x4] =	stream.indirect_vreg.gather [hbm4b:s8+s3], $0x80, v18, vm0, $0xb8;
	[tilespmem:$0x18000] =	vst v63  }
0x242: {  	s30 =	simm.s32 $0xE000  }
0x243: {  	[tilespmem:s30], [sflag:$0x4] =	stream.indirect_vreg.gather [hbm4b:s2+s3], $0x80, v19, vm0, $0xb8;
	[tilespmem:$0x18000] =	vst v63  }
0x244: {  	s7 =	simm.s32 $0xE800  }
0x245: {  	[tilespmem:s7], [sflag:$0x4] =	stream.indirect_vreg.gather [hbm4b:s4+s3], $0x80, v19, vm0, $0xb8;
	[tilespmem:$0x18000] =	vst v63  }
0x246: {  	s13 =	simm.s32 $0xF000  }
0x247: {  	[tilespmem:s13], [sflag:$0x4] =	stream.indirect_vreg.gather [hbm4b:s6+s3], $0x80, v19, vm0, $0xb8;
	[tilespmem:$0x18000] =	vst v63  }
0x248: {  	s5 =	simm.s32 $0x6;
	s30 =	simm.s32 $0xF800  }
0x249: {  	[tilespmem:s30], [sflag:$0x4] =	stream.indirect_vreg.gather [hbm4b:s8+s3], $0x80, v19, vm0, $0xb8;
	[tilespmem:$0x18000] =	vst v63  }
0x24a: {  	_ =	swait.ge [sflag:s5], $0x4000  }
0x24b: {  	[sflag:s5] =	ssyncset.done $0x0  }
0x24c: {  	s13 =	simm.s32 $0x14000;
	s7 =	rddreg [dreg:$0x8];
	[sflag:s5] =	ssyncadd.s32 $0xFFFFC000  }
0x24d: {  	[hbm4b:s7+s3] =	stream.linear.scatter [tilespmem:s13], [sflag:$0xC], $0x4000, $0x38;
	[tilespmem:$0x18000] =	vst v63  }
0x24e: {  	s7 =	simm.s32 $0xB  }
0x24f: {  	_ =	swait.ge [sflag:s7], $0x4000  }
0x250: {  	[sflag:s7] =	ssyncset.done $0x0  }
0x251: {  	[sflag:s7] =	ssyncadd.s32 $0xFFFFC000  }
0x252: {  	[tilespmem:s25], [sflag:$0x5] =	stream.indirect_vreg.gather [hbm4b:s2+s3], $0x80, v20, vm0, $0xb8;
	[tilespmem:$0x18000] =	vst v63  }
0x253: {  	_ = 	snop  }
0x254: {  	[tilespmem:s16], [sflag:$0x5] =	stream.indirect_vreg.gather [hbm4b:s4+s3], $0x80, v20, vm0, $0xb8;
	[tilespmem:$0x18000] =	vst v63  }
0x255: {  	_ = 	snop  }
0x256: {  	[tilespmem:s17], [sflag:$0x5] =	stream.indirect_vreg.gather [hbm4b:s6+s3], $0x80, v20, vm0, $0xb8;
	[tilespmem:$0x18000] =	vst v63  }
0x257: {  	_ = 	snop  }
0x258: {  	[tilespmem:s19], [sflag:$0x5] =	stream.indirect_vreg.gather [hbm4b:s8+s3], $0x80, v20, vm0, $0xb8;
	[tilespmem:$0x18000] =	vst v63  }
0x259: {  	_ = 	snop  }
0x25a: {  	[tilespmem:s20], [sflag:$0x5] =	stream.indirect_vreg.gather [hbm4b:s2+s3], $0x80, v21, vm0, $0xb8;
	[tilespmem:$0x18000] =	vst v63  }
0x25b: {  	_ = 	snop  }
0x25c: {  	[tilespmem:s21], [sflag:$0x5] =	stream.indirect_vreg.gather [hbm4b:s4+s3], $0x80, v21, vm0, $0xb8;
	[tilespmem:$0x18000] =	vst v63  }
0x25d: {  	_ = 	snop  }
0x25e: {  	[tilespmem:s14], [sflag:$0x5] =	stream.indirect_vreg.gather [hbm4b:s6+s3], $0x80, v21, vm0, $0xb8;
	[tilespmem:$0x18000] =	vst v63  }
0x25f: {  	_ = 	snop  }
0x260: {  	[tilespmem:s15], [sflag:$0x5] =	stream.indirect_vreg.gather [hbm4b:s8+s3], $0x80, v21, vm0, $0xb8;
	[tilespmem:$0x18000] =	vst v63  }
0x261: {  	_ =	swait.ge [sflag:s23], $0x4000  }
0x262: {  	[sflag:s23] =	ssyncset.done $0x0  }
0x263: {  	s14 =	simm.s32 $0xC;
	s15 =	rddreg [dreg:$0x9];
	[sflag:s23] =	ssyncadd.s32 $0xFFFFC000  }
0x264: {  	[hbm4b:s15+s3] =	stream.linear.scatter [tilespmem:s3], [sflag:$0x7], $0x4000, $0x38;
	[tilespmem:$0x18000] =	vst v63  }
0x265: {  	_ =	swait.ge [sflag:s14], $0x4000  }
0x266: {  	[sflag:s14] =	ssyncset.done $0x0  }
0x267: {  	[sflag:s14] =	ssyncadd.s32 $0xFFFFC000  }
0x268: {  	[tilespmem:s13], [sflag:$0x6] =	stream.indirect_vreg.gather [hbm4b:s2+s3], $0x80, v22, vm0, $0xb8;
	[tilespmem:$0x18000] =	vst v63  }
0x269: {  	s30 =	simm.s32 $0x14800  }
0x26a: {  	[tilespmem:s30], [sflag:$0x6] =	stream.indirect_vreg.gather [hbm4b:s4+s3], $0x80, v22, vm0, $0xb8;
	[tilespmem:$0x18000] =	vst v63  }
0x26b: {  	_ = 	snop  }
0x26c: {  	[tilespmem:s31], [sflag:$0x6] =	stream.indirect_vreg.gather [hbm4b:s6+s3], $0x80, v22, vm0, $0xb8;
	[tilespmem:$0x18000] =	vst v63  }
0x26d: {  	s30 =	simm.s32 $0x15800  }
0x26e: {  	[tilespmem:s30], [sflag:$0x6] =	stream.indirect_vreg.gather [hbm4b:s8+s3], $0x80, v22, vm0, $0xb8;
	[tilespmem:$0x18000] =	vst v63  }
0x26f: {  	s30 =	simm.s32 $0x16000  }
0x270: {  	[tilespmem:s30], [sflag:$0x6] =	stream.indirect_vreg.gather [hbm4b:s2+s3], $0x80, v23, vm0, $0xb8;
	[tilespmem:$0x18000] =	vst v63  }
0x271: {  	s30 =	simm.s32 $0x16800  }
0x272: {  	[tilespmem:s30], [sflag:$0x6] =	stream.indirect_vreg.gather [hbm4b:s4+s3], $0x80, v23, vm0, $0xb8;
	[tilespmem:$0x18000] =	vst v63  }
0x273: {  	s30 =	simm.s32 $0x17000  }
0x274: {  	[tilespmem:s30], [sflag:$0x6] =	stream.indirect_vreg.gather [hbm4b:s6+s3], $0x80, v23, vm0, $0xb8;
	[tilespmem:$0x18000] =	vst v63  }
0x275: {  	s30 =	simm.s32 $0x17800  }
0x276: {  	[tilespmem:s30], [sflag:$0x6] =	stream.indirect_vreg.gather [hbm4b:s8+s3], $0x80, v23, vm0, $0xb8;
	[tilespmem:$0x18000] =	vst v63  }
0x277: {  	_ =	swait.ge [sflag:s24], $0x4000  }
0x278: {  	[sflag:s24] =	ssyncset.done $0x0  }
0x279: {  	s13 =	rddreg [dreg:$0xa];
	[sflag:s24] =	ssyncadd.s32 $0xFFFFC000  }
0x27a: {  	[hbm4b:s13+s3] =	stream.linear.scatter [tilespmem:s22], [sflag:$0x8], $0x4000, $0x38;
	[tilespmem:$0x18000] =	vst v63  }
0x27b: {  	_ =	swait.ge [sflag:s9], $0x4000  }
0x27c: {  	[sflag:s9] =	ssyncset.done $0x0  }
0x27d: {  	[sflag:s9] =	ssyncadd.s32 $0xFFFFC000  }
0x27e: {  	[tilespmem:s3], [sflag:$0x1] =	stream.indirect_vreg.gather [hbm4b:s2+s3], $0x80, v24, vm0, $0xb8;
	[tilespmem:$0x18000] =	vst v63  }
0x27f: {  	s30 =	simm.s32 $0x800  }
0x280: {  	[tilespmem:s30], [sflag:$0x1] =	stream.indirect_vreg.gather [hbm4b:s4+s3], $0x80, v24, vm0, $0xb8;
	[tilespmem:$0x18000] =	vst v63  }
0x281: {  	s30 =	simm.s32 $0x1000  }
0x282: {  	[tilespmem:s30], [sflag:$0x1] =	stream.indirect_vreg.gather [hbm4b:s6+s3], $0x80, v24, vm0, $0xb8;
	[tilespmem:$0x18000] =	vst v63  }
0x283: {  	s30 =	simm.s32 $0x1800  }
0x284: {  	[tilespmem:s30], [sflag:$0x1] =	stream.indirect_vreg.gather [hbm4b:s8+s3], $0x80, v24, vm0, $0xb8;
	[tilespmem:$0x18000] =	vst v63  }
0x285: {  	s30 =	simm.s32 $0x2000  }
0x286: {  	[tilespmem:s30], [sflag:$0x1] =	stream.indirect_vreg.gather [hbm4b:s2+s3], $0x80, v25, vm0, $0xb8;
	[tilespmem:$0x18000] =	vst v63  }
0x287: {  	s30 =	simm.s32 $0x2800  }
0x288: {  	[tilespmem:s30], [sflag:$0x1] =	stream.indirect_vreg.gather [hbm4b:s4+s3], $0x80, v25, vm0, $0xb8;
	[tilespmem:$0x18000] =	vst v63  }
0x289: {  	s30 =	simm.s32 $0x3000  }
0x28a: {  	[tilespmem:s30], [sflag:$0x1] =	stream.indirect_vreg.gather [hbm4b:s6+s3], $0x80, v25, vm0, $0xb8;
	[tilespmem:$0x18000] =	vst v63  }
0x28b: {  	s30 =	simm.s32 $0x3800  }
0x28c: {  	[tilespmem:s30], [sflag:$0x1] =	stream.indirect_vreg.gather [hbm4b:s8+s3], $0x80, v25, vm0, $0xb8;
	[tilespmem:$0x18000] =	vst v63  }
0x28d: {  	_ =	swait.ge [sflag:s10], $0x4000  }
0x28e: {  	[sflag:s10] =	ssyncset.done $0x0  }
0x28f: {  	s13 =	rddreg [dreg:$0xb];
	[sflag:s10] =	ssyncadd.s32 $0xFFFFC000  }
0x290: {  	[hbm4b:s13+s3] =	stream.linear.scatter [tilespmem:s28], [sflag:$0x9], $0x4000, $0x38;
	[tilespmem:$0x18000] =	vst v63  }
0x291: {  	_ =	swait.ge [sflag:s11], $0x4000  }
0x292: {  	[sflag:s11] =	ssyncset.done $0x0  }
0x293: {  	[sflag:s11] =	ssyncadd.s32 $0xFFFFC000  }
0x294: {  	[tilespmem:s22], [sflag:$0x2] =	stream.indirect_vreg.gather [hbm4b:s2+s3], $0x80, v26, vm0, $0xb8;
	[tilespmem:$0x18000] =	vst v63  }
0x295: {  	s30 =	simm.s32 $0x4800  }
0x296: {  	[tilespmem:s30], [sflag:$0x2] =	stream.indirect_vreg.gather [hbm4b:s4+s3], $0x80, v26, vm0, $0xb8;
	[tilespmem:$0x18000] =	vst v63  }
0x297: {  	s30 =	simm.s32 $0x5000  }
0x298: {  	[tilespmem:s30], [sflag:$0x2] =	stream.indirect_vreg.gather [hbm4b:s6+s3], $0x80, v26, vm0, $0xb8;
	[tilespmem:$0x18000] =	vst v63  }
0x299: {  	s30 =	simm.s32 $0x5800  }
0x29a: {  	[tilespmem:s30], [sflag:$0x2] =	stream.indirect_vreg.gather [hbm4b:s8+s3], $0x80, v26, vm0, $0xb8;
	[tilespmem:$0x18000] =	vst v63  }
0x29b: {  	s30 =	simm.s32 $0x6000  }
0x29c: {  	[tilespmem:s30], [sflag:$0x2] =	stream.indirect_vreg.gather [hbm4b:s2+s3], $0x80, v27, vm0, $0xb8;
	[tilespmem:$0x18000] =	vst v63  }
0x29d: {  	s30 =	simm.s32 $0x6800  }
0x29e: {  	[tilespmem:s30], [sflag:$0x2] =	stream.indirect_vreg.gather [hbm4b:s4+s3], $0x80, v27, vm0, $0xb8;
	[tilespmem:$0x18000] =	vst v63  }
0x29f: {  	s30 =	simm.s32 $0x7000  }
0x2a0: {  	[tilespmem:s30], [sflag:$0x2] =	stream.indirect_vreg.gather [hbm4b:s6+s3], $0x80, v27, vm0, $0xb8;
	[tilespmem:$0x18000] =	vst v63  }
0x2a1: {  	s30 =	simm.s32 $0x7800  }
0x2a2: {  	[tilespmem:s30], [sflag:$0x2] =	stream.indirect_vreg.gather [hbm4b:s8+s3], $0x80, v27, vm0, $0xb8;
	[tilespmem:$0x18000] =	vst v63  }
0x2a3: {  	_ =	swait.ge [sflag:s0], $0x4000  }
0x2a4: {  	[sflag:s0] =	ssyncset.done $0x0  }
0x2a5: {  	s13 =	rddreg [dreg:$0xc];
	[sflag:s0] =	ssyncadd.s32 $0xFFFFC000  }
0x2a6: {  	[hbm4b:s13+s3] =	stream.linear.scatter [tilespmem:s18], [sflag:$0xA], $0x4000, $0x38;
	[tilespmem:$0x18000] =	vst v63  }
0x2a7: {  	_ =	swait.ge [sflag:s1], $0x4000  }
0x2a8: {  	[sflag:s1] =	ssyncset.done $0x0  }
0x2a9: {  	[sflag:s1] =	ssyncadd.s32 $0xFFFFC000  }
0x2aa: {  	[tilespmem:s28], [sflag:$0x3] =	stream.indirect_vreg.gather [hbm4b:s2+s3], $0x80, v28, vm0, $0xb8;
	[tilespmem:$0x18000] =	vst v63  }
0x2ab: {  	s30 =	simm.s32 $0x8800  }
0x2ac: {  	[tilespmem:s30], [sflag:$0x3] =	stream.indirect_vreg.gather [hbm4b:s4+s3], $0x80, v28, vm0, $0xb8;
	[tilespmem:$0x18000] =	vst v63  }
0x2ad: {  	s30 =	simm.s32 $0x9000  }
0x2ae: {  	[tilespmem:s30], [sflag:$0x3] =	stream.indirect_vreg.gather [hbm4b:s6+s3], $0x80, v28, vm0, $0xb8;
	[tilespmem:$0x18000] =	vst v63  }
0x2af: {  	s30 =	simm.s32 $0x9800  }
0x2b0: {  	[tilespmem:s30], [sflag:$0x3] =	stream.indirect_vreg.gather [hbm4b:s8+s3], $0x80, v28, vm0, $0xb8;
	[tilespmem:$0x18000] =	vst v63  }
0x2b1: {  	s30 =	simm.s32 $0xA000  }
0x2b2: {  	[tilespmem:s30], [sflag:$0x3] =	stream.indirect_vreg.gather [hbm4b:s2+s3], $0x80, v29, vm0, $0xb8;
	[tilespmem:$0x18000] =	vst v63  }
0x2b3: {  	s30 =	simm.s32 $0xA800  }
0x2b4: {  	[tilespmem:s30], [sflag:$0x3] =	stream.indirect_vreg.gather [hbm4b:s4+s3], $0x80, v29, vm0, $0xb8;
	[tilespmem:$0x18000] =	vst v63  }
0x2b5: {  	s30 =	simm.s32 $0xB000  }
0x2b6: {  	[tilespmem:s30], [sflag:$0x3] =	stream.indirect_vreg.gather [hbm4b:s6+s3], $0x80, v29, vm0, $0xb8;
	[tilespmem:$0x18000] =	vst v63  }
0x2b7: {  	s30 =	simm.s32 $0xB800  }
0x2b8: {  	[tilespmem:s30], [sflag:$0x3] =	stream.indirect_vreg.gather [hbm4b:s8+s3], $0x80, v29, vm0, $0xb8;
	[tilespmem:$0x18000] =	vst v63  }
0x2b9: {  	_ =	swait.ge [sflag:s29], $0x4000  }
0x2ba: {  	[sflag:s29] =	ssyncset.done $0x0  }
0x2bb: {  	s25 =	simm.s32 $0x10000;
	s13 =	rddreg [dreg:$0xd];
	[sflag:s29] =	ssyncadd.s32 $0xFFFFC000  }
0x2bc: {  	[hbm4b:s13+s3] =	stream.linear.scatter [tilespmem:s25], [sflag:$0xB], $0x4000, $0x38;
	[tilespmem:$0x18000] =	vst v63  }
0x2bd: {  	_ =	swait.ge [sflag:s12], $0x4000  }
0x2be: {  	[sflag:s12] =	ssyncset.done $0x0  }
0x2bf: {  	[sflag:s12] =	ssyncadd.s32 $0xFFFFC000  }
0x2c0: {  	[tilespmem:s18], [sflag:$0x4] =	stream.indirect_vreg.gather [hbm4b:s2+s3], $0x80, v30, vm0, $0xb8;
	[tilespmem:$0x18000] =	vst v63  }
0x2c1: {  	s25 =	simm.s32 $0xC800  }
0x2c2: {  	[tilespmem:s25], [sflag:$0x4] =	stream.indirect_vreg.gather [hbm4b:s4+s3], $0x80, v30, vm0, $0xb8;
	[tilespmem:$0x18000] =	vst v63  }
0x2c3: {  	s29 =	simm.s32 $0xD000  }
0x2c4: {  	[tilespmem:s29], [sflag:$0x4] =	stream.indirect_vreg.gather [hbm4b:s6+s3], $0x80, v30, vm0, $0xb8;
	[tilespmem:$0x18000] =	vst v63  }
0x2c5: {  	s30 =	simm.s32 $0xD800  }
0x2c6: {  	[tilespmem:s30], [sflag:$0x4] =	stream.indirect_vreg.gather [hbm4b:s8+s3], $0x80, v30, vm0, $0xb8;
	[tilespmem:$0x18000] =	vst v63  }
0x2c7: {  	s25 =	simm.s32 $0xE000  }
0x2c8: {  	[tilespmem:s25], [sflag:$0x4] =	stream.indirect_vreg.gather [hbm4b:s2+s3], $0x80, v31, vm0, $0xb8;
	[tilespmem:$0x18000] =	vst v63  }
0x2c9: {  	s29 =	simm.s32 $0xE800  }
0x2ca: {  	[tilespmem:s29], [sflag:$0x4] =	stream.indirect_vreg.gather [hbm4b:s4+s3], $0x80, v31, vm0, $0xb8;
	[tilespmem:$0x18000] =	vst v63  }
0x2cb: {  	s30 =	simm.s32 $0xF000  }
0x2cc: {  	[tilespmem:s30], [sflag:$0x4] =	stream.indirect_vreg.gather [hbm4b:s6+s3], $0x80, v31, vm0, $0xb8;
	[tilespmem:$0x18000] =	vst v63  }
0x2cd: {  	s25 =	simm.s32 $0xF800  }
0x2ce: {  	[tilespmem:s25], [sflag:$0x4] =	stream.indirect_vreg.gather [hbm4b:s8+s3], $0x80, v31, vm0, $0xb8;
	[tilespmem:$0x18000] =	vst v63  }
0x2cf: {  	_ =	swait.ge [sflag:s5], $0x4000  }
0x2d0: {  	[sflag:s5] =	ssyncset.done $0x0  }
0x2d1: {  	s15 =	simm.s32 $0x14000;
	s29 =	rddreg [dreg:$0xe];
	[sflag:s5] =	ssyncadd.s32 $0xFFFFC000  }
0x2d2: {  	[hbm4b:s29+s3] =	stream.linear.scatter [tilespmem:s15], [sflag:$0xC], $0x4000, $0x38;
	[tilespmem:$0x18000] =	vst v63  }
0x2d3: {  	_ =	swait.ge [sflag:s23], $0x4000  }
0x2d4: {  	[sflag:s23] =	ssyncset.done $0x0  }
0x2d5: {  	s13 =	rddreg [dreg:$0xf];
	[sflag:s23] =	ssyncadd.s32 $0xFFFFC000  }
0x2d6: {  	[hbm4b:s13+s3] =	stream.linear.scatter [tilespmem:s3], [sflag:$0x7], $0x4000, $0x38;
	[tilespmem:$0x18000] =	vst v63  }
0x2d7: {  	_ =	swait.ge [sflag:s24], $0x4000  }
0x2d8: {  	[sflag:s24] =	ssyncset.done $0x0  }
0x2d9: {  	s15 =	rddreg [dreg:$0x10];
	[sflag:s24] =	ssyncadd.s32 $0xFFFFC000  }
0x2da: {  	[hbm4b:s15+s3] =	stream.linear.scatter [tilespmem:s22], [sflag:$0x8], $0x4000, $0x38;
	[tilespmem:$0x18000] =	vst v63  }
0x2db: {  	_ =	swait.ge [sflag:s10], $0x4000  }
0x2dc: {  	[sflag:s10] =	ssyncset.done $0x0  }
0x2dd: {  	s25 =	rddreg [dreg:$0x11];
	[sflag:s10] =	ssyncadd.s32 $0xFFFFC000  }
0x2de: {  	[hbm4b:s25+s3] =	stream.linear.scatter [tilespmem:s28], [sflag:$0x9], $0x4000, $0x38;
	[tilespmem:$0x18000] =	vst v63  }
0x2df: {  	_ =	swait.ge [sflag:s0], $0x4000  }
0x2e0: {  	[sflag:s0] =	ssyncset.done $0x0  }
0x2e1: {  	s29 =	rddreg [dreg:$0x12];
	[sflag:s0] =	ssyncadd.s32 $0xFFFFC000  }
0x2e2: {  	[hbm4b:s29+s3] =	stream.linear.scatter [tilespmem:s18], [sflag:$0xA], $0x4000, $0x38;
	[tilespmem:$0x18000] =	vst v63  }
0x2e3: {  	_ =	swait.ge [sflag:s7], $0x4000  }
0x2e4: {  	[sflag:s7] =	ssyncset.done $0x0  }
0x2e5: {  	[sflag:s7] =	ssyncadd.s32 $0xFFFFC000  }
0x2e6: {  	_ =	swait.ge [sflag:s14], $0x4000  }
0x2e7: {  	[sflag:s14] =	ssyncset.done $0x0  }
0x2e8: {  	[sflag:s14] =	ssyncadd.s32 $0xFFFFC000  }
0x2e9: {  	_ =	swait.ge [sflag:s9], $0x4000  }
0x2ea: {  	[sflag:s9] =	ssyncset.done $0x0  }
0x2eb: {  	[sflag:s9] =	ssyncadd.s32 $0xFFFFC000  }
0x2ec: {  	_ =	swait.ge [sflag:s11], $0x4000  }
0x2ed: {  	[sflag:s11] =	ssyncset.done $0x0  }
0x2ee: {  	p0 =	sne.s32 s26, $0x1;
	[sflag:s11] =	ssyncadd.s32 $0xFFFFC000  }
.Ltmp1:
0x2ef: {  	_ =	swait.ge [sflag:s1], $0x4000;
	(pc) =	sbr.rel @p0 .LBB2_2-.Ltmp1, $4  }
0x2f0: {  	[sflag:s1] =	ssyncset.done $0x0  }
0x2f1: {  	[sflag:s1] =	ssyncadd.s32 $0xFFFFC000  }
0x2f2: {  	_ =	swait.ge [sflag:s12], $0x4000  }
0x2f3: {  	s26 =	sadd.s32 $0xFFFFFFFF, s26;
	s0 =	simm.s32 $0xA;
	[sflag:s12] =	ssyncset.done $0x0  }
.LBB2_3:
0x2f4: {  	[sflag:s0] =	ssyncadd.s32 $0xFFFFC000  }
0x2f5: {  	_ =	sfence.sel $0x180000  }
0x2f6: {  	[bflag:$0x0] =	sbarrier.arrive $0xFFFF  }
0x2f7: {  	_ =	strace $0x90000047  }
0x2f8: {  	s31 =	stileid.u32;
	[bflag:$0x2] =	sbarrier.arrive $0xFFFF  }
0x2f9: {  	p0 =	sne.s32 s31, $0x0;
	s0 =	rddreg [dreg:$0x2]  }
0x2fa: {  	s0 =	sadd.s32 @!p0 $0x100000, s0  }
0x2fb: {  	[sflag:s0] =	ssyncadd.tile.s32 @!p0 $0x1;
	_ =	shalt  }
.Lfunc_end2:
_tile_overlayer_lowered:
.L_overlay_start_2:
0x2fc: {  	(tag) =	ssettag $0x2  }
0x2fd: {  	s0 =	rddreg [dreg:$0x0];
	s2 =	stileid.u32  }
0x2fe: {  	s1 =	rddreg [dreg:$0x1];
	p0 =	sne.s32 s2, $0x0  }
0x2ff: {  	s3 =	rddreg [dreg:$0x2];
	[bflag:$0x3] =	sbarrier.arrive $0xFFFF;
	s2 =	simm.s32 @!p0 $0x1C0D  }
0x300: {  	[timem:s3], [sflag:s2] =	dma.local @!p0 [hbm:s0], s1  }
0x301: {  	s0 =	simm.s32 @!p0 $0xD  }
0x302: {  	_ =	swait.ge @!p0 [sflag:s0], s1  }
0x303: {  	s1 =	ssub.s32 @!p0 $0x0, s1;
	[sflag:s0] =	ssyncset.done @!p0 $0x0  }
0x304: {  	[sflag:s0] =	ssyncadd.s32 @!p0 s1  }
0x305: {  	[bflag:$0x3] =	sbarrier.arrive $0xFFFF  }
0x306: {  	_ =	shalt  }

</sc_bundles>
